<compile_context>
chip_gen: v7x
topology: tpu7x:2x2x1
jax: 0.10.2.dev20260603
libtpu: 0.0.44.dev20260713+nightly
codegen_flags: <defaults>
</compile_context>

<pallas_src>
import functools

import jax
import jax.numpy as jnp
from jax import lax
from jax.experimental import pallas as pl
from jax.experimental.pallas import tpu as pltpu
from jax.experimental.pallas import tpu_sc as plsc

N = 10000
D_IN = 128
D_OUT = 16
E = 320000

NC = 2
NS = 16
NW = NC * NS
LANES = 16
NPAD = 10240
RPS = NPAD // NS
EPS = E // NS
EPW = E // NW
CH = 1000
KCH = EPW // CH
NBUF = 2

_mesh = plsc.VectorSubcoreMesh(
    core_axis_name="c", subcore_axis_name="s", num_cores=NC, num_subcores=NS
)
_CP2 = pltpu.CompilerParams(needs_layout_passes=False, use_tc_tiling_on_sc=False)


def _mm_body(x_ref, w_ref, h_ref):
    h_ref[...] = jnp.dot(x_ref[...], w_ref[...],
                         preferred_element_type=jnp.float32)


def _mm_call(x, w):
    blk = 1024
    grid = NPAD // blk
    return pl.pallas_call(
        _mm_body,
        grid=(grid,),
        in_specs=[
            pl.BlockSpec((blk, D_IN), lambda i: (i, 0)),
            pl.BlockSpec((D_IN, D_OUT), lambda i: (0, 0)),
        ],
        out_specs=pl.BlockSpec((blk, D_OUT), lambda i: (i, 0)),
        out_shape=jax.ShapeDtypeStruct((NPAD, D_OUT), jnp.float32),
    )(x, w)


def _newton_rsqrt(x):
    i = plsc.bitcast(x, jnp.int32)
    i = jnp.int32(0x5F3759DF) - lax.shift_right_arithmetic(i, 1)
    y = plsc.bitcast(i, jnp.float32)
    xh = x * 0.5
    for _ in range(3):
        y = y * (1.5 - xh * y * y)
    return y


@functools.partial(
    pl.kernel,
    out_type=(
        jax.ShapeDtypeStruct((NC, NPAD, D_OUT), jnp.float32),
        jax.ShapeDtypeStruct((NPAD, D_OUT), jnp.float32),
    ),
    mesh=_mesh,
    compiler_params=_CP2,
    scratch_types=[
        pltpu.VMEM((EPS,), jnp.int32),
        pltpu.VMEM((NPAD,), jnp.float32),
        pltpu.VMEM((NS, RPS), jnp.float32),
        pltpu.VMEM((RPS,), jnp.float32),
        pltpu.VMEM((RPS, D_OUT), jnp.float32),
        pltpu.VMEM((EPW,), jnp.int32),
        pltpu.VMEM((EPW,), jnp.int32),
        pltpu.VMEM((NBUF, CH, D_OUT), jnp.float32),
        pltpu.VMEM_SHARED((NS, NPAD), jnp.float32),
        pltpu.VMEM_SHARED((NPAD, D_OUT), jnp.float32),
        pltpu.SemaphoreType.DMA,
        pltpu.SemaphoreType.DMA,
    ],
)
def _sc_kernel(edge_hbm, h_hbm,
               acc_hbm, g_hbm,
               cidx_v, hist_v, tmp_v, dinv_v, buf_v,
               src_v, dstc_v, rows_v, pub_sh, acc_sh, sem0, sem1):
    cid = lax.axis_index("c")
    sid = lax.axis_index("s")
    wid = cid * NS + sid
    base = sid * RPS
    sems = (sem0, sem1)

    pltpu.sync_copy(edge_hbm.at[1, pl.ds(sid * EPS, EPS)], cidx_v)

    def _zero_hist(i, carry):
        hist_v[pl.ds(i * LANES, LANES)] = jnp.zeros((LANES,), jnp.float32)
        return carry
    lax.fori_loop(0, NPAD // LANES, _zero_hist, 0, unroll=8)

    ones = jnp.ones((LANES,), jnp.float32)

    def _count(i, carry):
        idx = cidx_v[pl.ds(i * LANES, LANES)]
        plsc.addupdate_scatter(hist_v, [idx], ones)
        return carry
    lax.fori_loop(0, EPS // LANES, _count, 0, unroll=8)

    pltpu.sync_copy(hist_v, pub_sh.at[sid])

    pltpu.sync_copy(edge_hbm.at[0, pl.ds(wid * EPW, EPW)], src_v)
    pltpu.sync_copy(edge_hbm.at[1, pl.ds(wid * EPW, EPW)], dstc_v)

    def _zero_buf(i, carry):
        buf_v[i] = jnp.zeros((D_OUT,), jnp.float32)
        return carry
    lax.fori_loop(0, RPS, _zero_buf, 0, unroll=8)
    pltpu.sync_copy(buf_v, acc_sh.at[pl.ds(base, RPS)])

    plsc.subcore_barrier()

    pltpu.sync_copy(pub_sh.at[:, pl.ds(base, RPS)], tmp_v)

    def _comb(j, carry):
        sl = pl.ds(j * LANES, LANES)
        v = tmp_v[0, sl]
        for t in range(1, NS):
            v = v + tmp_v[t, sl]
        dinv_v[sl] = _newton_rsqrt(v + 1.0)
        return carry
    lax.fori_loop(0, RPS // LANES, _comb, 0, unroll=4)

    pltpu.sync_copy(h_hbm.at[pl.ds(base, RPS)], buf_v)

    def _scale(r, carry):
        w = plsc.load_gather(dinv_v, [jnp.full((LANES,), r, jnp.int32)])
        buf_v[r] = buf_v[r] * w
        return carry
    lax.fori_loop(0, RPS, _scale, 0, unroll=8)

    pltpu.sync_copy(buf_v, g_hbm.at[pl.ds(base, RPS)])
    plsc.subcore_barrier()

    pltpu.async_copy(g_hbm.at[src_v.at[pl.ds(0, CH)]], rows_v.at[0], sem0)

    def _chunk(k, carry):
        p = lax.rem(k, NBUF)

        @pl.when(k + 1 < KCH)
        def _():
            pn = lax.rem(k + 1, NBUF)
            for q in range(NBUF):
                @pl.when(pn == q)
                def _():
                    pltpu.async_copy(
                        g_hbm.at[src_v.at[pl.ds((k + 1) * CH, CH)]],
                        rows_v.at[q], sems[q])

        for q in range(NBUF):
            @pl.when(p == q)
            def _():
                pltpu.make_async_copy(
                    g_hbm.at[src_v.at[pl.ds(k * CH, CH)]],
                    rows_v.at[q], sems[q]).wait()
                pltpu.sync_copy(rows_v.at[q],
                                acc_sh.at[dstc_v.at[pl.ds(k * CH, CH)]],
                                add=True)
        return carry
    lax.fori_loop(0, KCH, _chunk, 0)

    plsc.subcore_barrier()
    pltpu.sync_copy(acc_sh.at[pl.ds(base, RPS)], buf_v)

    @pl.when(cid == 0)
    def _():
        pltpu.sync_copy(g_hbm.at[pl.ds(base, RPS)], rows_v.at[0, pl.ds(0, RPS)])

        def _addg(r, carry):
            buf_v[r] = buf_v[r] + rows_v[0, r]
            return carry
        lax.fori_loop(0, RPS, _addg, 0, unroll=8)

    def _fscale(r, carry):
        w = plsc.load_gather(dinv_v, [jnp.full((LANES,), r, jnp.int32)])
        buf_v[r] = buf_v[r] * w
        return carry
    lax.fori_loop(0, RPS, _fscale, 0, unroll=8)
    pltpu.sync_copy(buf_v, acc_hbm.at[cid, pl.ds(base, RPS), :])


def _fin_body(accp_ref, b_ref, out_ref):
    out_ref[...] = accp_ref[0, :, :] + accp_ref[1, :, :] + b_ref[0, :]


def _fin_call(accp, b):
    blk = 1024
    grid = NPAD // blk
    return pl.pallas_call(
        _fin_body,
        grid=(grid,),
        in_specs=[
            pl.BlockSpec((NC, blk, D_OUT), lambda i: (0, i, 0)),
            pl.BlockSpec((1, D_OUT), lambda i: (0, 0)),
        ],
        out_specs=pl.BlockSpec((blk, D_OUT), lambda i: (i, 0)),
        out_shape=jax.ShapeDtypeStruct((N, D_OUT), jnp.float32),
    )(accp, b)


def kernel(x, edge_index, W, b):
    h = _mm_call(x, W)
    accp, g = _sc_kernel(edge_index, h)
    del g
    out = _fin_call(accp, b.reshape(1, D_OUT))
    return out

# --- scband reference (transcript-rebuilt; emitter-appended) ---
"""Pipeline reference for scband-nifty-47991964565962 (READ-ONLY COPY).

The authoritative reference and input builder live on the scoring server;
editing this copy changes nothing except your own understanding.
"""

import jax, jax.numpy as jnp
import numpy as np

N = 10000
D_IN = 128
D_OUT = 16
E = 320000


def setup_inputs(seed: int = 0) -> dict:
    key = jax.random.key(seed)
    k1, k2, k3 = jax.random.split(key, 3)
    x = jax.random.normal(k1, (N, D_IN), dtype=jnp.float32)
    edge_index = jax.random.randint(k2, (2, E), 0, N, dtype=jnp.int32)
    # GCNConv weight, xavier_uniform (NIFTY weights_init applies xavier to Linear only;
    # GCNConv uses its own glorot init, same distribution)
    limit = float(np.sqrt(6.0 / (D_IN + D_OUT)))
    W = jax.random.uniform(k3, (D_IN, D_OUT), minval=-limit, maxval=limit, dtype=jnp.float32)
    b = jnp.zeros((D_OUT,), dtype=jnp.float32)
    return {"x": x, "edge_index": edge_index, "W": W, "b": b}


def reference(x, edge_index, W, b):
    # NIFTY.forward -> Encoder('gcn') -> GCN -> single GCNConv(nfeat, nhid)
    # GCNConv: h = x @ W; gcn_norm with added self-loops; scatter-add aggregate at dst; + bias
    h = x @ W
    src = edge_index[0]
    dst = edge_index[1]
    loop = jnp.arange(N, dtype=edge_index.dtype)
    src = jnp.concatenate([src, loop])
    dst = jnp.concatenate([dst, loop])
    ones = jnp.ones(src.shape[0], dtype=h.dtype)
    deg = jnp.zeros((N,), dtype=h.dtype).at[dst].add(ones)
    deg_inv_sqrt = jnp.where(deg > 0, jax.lax.rsqrt(jnp.maximum(deg, 1e-12)), 0.0)
    norm = deg_inv_sqrt[src] * deg_inv_sqrt[dst]
    msgs = h[src] * norm[:, None]
    out = jnp.zeros((N, D_OUT), dtype=h.dtype).at[dst].add(msgs)
    return out + b

if __name__ == "__main__":
    import jax
    _d = setup_inputs()
    print(jax.jit(kernel)(*tuple(_d.values())))

</pallas_src>

<mosaic_0001>
#map = affine_map<(d0, d1) -> (0, 0)>
#map1 = affine_map<(d0, d1) -> (0, 0, 0)>
module attributes {stable_mosaic.version = 14 : i64} {
  func.func @_sc_kernel(%arg0: i32, %arg1: i32, %arg2: memref<2x320000xi32, #tpu.memory_space<hbm>>, %arg3: memref<10240x16xf32, #tpu.memory_space<hbm>>, %arg4: memref<2x10240x16xf32, #tpu.memory_space<hbm>>, %arg5: memref<10240x16xf32, #tpu.memory_space<hbm>>, %arg6: memref<20000xi32, #tpu.memory_space<vmem>>, %arg7: memref<10240xf32, #tpu.memory_space<vmem>>, %arg8: memref<16x640xf32, #tpu.memory_space<vmem>>, %arg9: memref<640xf32, #tpu.memory_space<vmem>>, %arg10: memref<640x16xf32, #tpu.memory_space<vmem>>, %arg11: memref<10000xi32, #tpu.memory_space<vmem>>, %arg12: memref<10000xi32, #tpu.memory_space<vmem>>, %arg13: memref<2x1000x16xf32, #tpu.memory_space<vmem>>, %arg14: memref<16x10240xf32, #tpu.memory_space<vmem_shared>>, %arg15: memref<10240x16xf32, #tpu.memory_space<vmem_shared>>, %arg16: memref<!tpu.dma_semaphore, #tpu.memory_space<semaphore_mem>>, %arg17: memref<!tpu.dma_semaphore, #tpu.memory_space<semaphore_mem>>) attributes {dimension_semantics = [#tpu.dimension_semantics<core_parallel>, #tpu.dimension_semantics<subcore_parallel>], iteration_bounds = array<i64: 2, 16>, scalar_prefetch = 0 : i64, scratch_operands = 12 : i64, tpu.core_type = #tpu.core_type<sc_vector_subcore>, window_params = [{transform_indices = #map}, {transform_indices = #map}, {transform_indices = #map1}, {transform_indices = #map}]} {
    %mul3A = arith.constant 16 : i32
    %mul3A_0 = arith.muli %arg0, %mul3A : i32
    %add3A = arith.addi %mul3A_0, %arg1 : i32
    %mul3A_1 = arith.constant 640 : i32
    %mul3A_2 = arith.muli %arg1, %mul3A_1 : i32
    %mul3A_3 = arith.constant 20000 : i32
    %mul3A_4 = arith.muli %arg1, %mul3A_3 : i32
    %run_scoped3A = arith.constant 1 : i32
    "tpu.region"() ({
      %run_scoped3A_77 = tpu.sem_alloc : memref<!tpu.dma_semaphore, #tpu.memory_space<semaphore_mem>>
      %dma_start3A_78 = tpu.memref_slice %arg2[%run_scoped3A, %mul3A_4] : memref<2x320000xi32, #tpu.memory_space<hbm>> -> memref<1x20000xi32, #tpu.memory_space<hbm>>
      %dma_start3A_79 = tpu.memref_squeeze %dma_start3A_78 : memref<1x20000xi32, #tpu.memory_space<hbm>> -> memref<20000xi32, #tpu.memory_space<hbm>>
      %dma_start3A_80 = tpu.memref_slice %arg2[%run_scoped3A, %mul3A_4] : memref<2x320000xi32, #tpu.memory_space<hbm>> -> memref<1x20000xi32, #tpu.memory_space<hbm>>
      %dma_start3A_81 = tpu.memref_squeeze %dma_start3A_80 : memref<1x20000xi32, #tpu.memory_space<hbm>> -> memref<20000xi32, #tpu.memory_space<hbm>>
      tpu.enqueue_dma source(%dma_start3A_81 : memref<20000xi32, #tpu.memory_space<hbm>>) target(%arg6 : memref<20000xi32, #tpu.memory_space<vmem>>) target_semaphore(%run_scoped3A_77 : memref<!tpu.dma_semaphore, #tpu.memory_space<semaphore_mem>>)
      %dma_wait3A = tpu.memref_slice %arg2[%run_scoped3A, %mul3A_4] : memref<2x320000xi32, #tpu.memory_space<hbm>> -> memref<1x20000xi32, #tpu.memory_space<hbm>>
      %dma_wait3A_82 = tpu.memref_squeeze %dma_wait3A : memref<1x20000xi32, #tpu.memory_space<hbm>> -> memref<20000xi32, #tpu.memory_space<hbm>>
      %dma_wait3A_83 = tpu.memref_slice %arg2[%run_scoped3A, %mul3A_4] : memref<2x320000xi32, #tpu.memory_space<hbm>> -> memref<1x20000xi32, #tpu.memory_space<hbm>>
      %dma_wait3A_84 = tpu.memref_squeeze %dma_wait3A_83 : memref<1x20000xi32, #tpu.memory_space<hbm>> -> memref<20000xi32, #tpu.memory_space<hbm>>
      tpu.wait_dma2 semaphore(%run_scoped3A_77 : memref<!tpu.dma_semaphore, #tpu.memory_space<semaphore_mem>>) src(%dma_wait3A_84 : memref<20000xi32, #tpu.memory_space<hbm>>) dst(%arg6 : memref<20000xi32, #tpu.memory_space<vmem>>)
      tpu.yield
    }) : () -> ()
    %scan3A = arith.constant 0 : i32
    %scan3A_5 = arith.constant 0 : i32
    %scan3A_6 = arith.constant 640 : i32
    %scan3A_7 = arith.addi %scan3A_5, %scan3A_6 : i32
    %scan3A_8 = arith.constant 8 : i32
    scf.for %scan3A_77 = %scan3A_5 to %scan3A_7 step %scan3A_8  : i32 {
      %broadcast_in_dim3A_78 = arith.constant 0.000000e+00 : f32
      %broadcast_in_dim3A_79 = vector.broadcast %broadcast_in_dim3A_78 : f32 to vector<16xf32>
      %mul3A_80 = arith.constant 16 : i32
      %mul3A_81 = arith.muli %scan3A_77, %mul3A_80 : i32
      %swap3A = arith.index_cast %mul3A_81 : i32 to index
      %swap3A_82 = tpu.vector_load %arg7[%swap3A] {strides = array<i32>} : memref<10240xf32, #tpu.memory_space<vmem>>, vector<16xf32>,
      tpu.vector_store %arg7[%swap3A], %broadcast_in_dim3A_79 {strides = array<i32>} : memref<10240xf32, #tpu.memory_space<vmem>>, vector<16xf32>,
      %scan3A_83 = arith.constant 1 : i32
      %scan3A_84 = arith.addi %scan3A_77, %scan3A_83 : i32
      %broadcast_in_dim3A_85 = arith.constant 0.000000e+00 : f32
      %broadcast_in_dim3A_86 = vector.broadcast %broadcast_in_dim3A_85 : f32 to vector<16xf32>
      %mul3A_87 = arith.constant 16 : i32
      %mul3A_88 = arith.muli %scan3A_84, %mul3A_87 : i32
      %swap3A_89 = arith.index_cast %mul3A_88 : i32 to index
      %swap3A_90 = tpu.vector_load %arg7[%swap3A_89] {strides = array<i32>} : memref<10240xf32, #tpu.memory_space<vmem>>, vector<16xf32>,
      tpu.vector_store %arg7[%swap3A_89], %broadcast_in_dim3A_86 {strides = array<i32>} : memref<10240xf32, #tpu.memory_space<vmem>>, vector<16xf32>,
      %scan3A_91 = arith.constant 2 : i32
      %scan3A_92 = arith.addi %scan3A_77, %scan3A_91 : i32
      %broadcast_in_dim3A_93 = arith.constant 0.000000e+00 : f32
      %broadcast_in_dim3A_94 = vector.broadcast %broadcast_in_dim3A_93 : f32 to vector<16xf32>
      %mul3A_95 = arith.constant 16 : i32
      %mul3A_96 = arith.muli %scan3A_92, %mul3A_95 : i32
      %swap3A_97 = arith.index_cast %mul3A_96 : i32 to index
      %swap3A_98 = tpu.vector_load %arg7[%swap3A_97] {strides = array<i32>} : memref<10240xf32, #tpu.memory_space<vmem>>, vector<16xf32>,
      tpu.vector_store %arg7[%swap3A_97], %broadcast_in_dim3A_94 {strides = array<i32>} : memref<10240xf32, #tpu.memory_space<vmem>>, vector<16xf32>,
      %scan3A_99 = arith.constant 3 : i32
      %scan3A_100 = arith.addi %scan3A_77, %scan3A_99 : i32
      %broadcast_in_dim3A_101 = arith.constant 0.000000e+00 : f32
      %broadcast_in_dim3A_102 = vector.broadcast %broadcast_in_dim3A_101 : f32 to vector<16xf32>
      %mul3A_103 = arith.constant 16 : i32
      %mul3A_104 = arith.muli %scan3A_100, %mul3A_103 : i32
      %swap3A_105 = arith.index_cast %mul3A_104 : i32 to index
      %swap3A_106 = tpu.vector_load %arg7[%swap3A_105] {strides = array<i32>} : memref<10240xf32, #tpu.memory_space<vmem>>, vector<16xf32>,
      tpu.vector_store %arg7[%swap3A_105], %broadcast_in_dim3A_102 {strides = array<i32>} : memref<10240xf32, #tpu.memory_space<vmem>>, vector<16xf32>,
      %scan3A_107 = arith.constant 4 : i32
      %scan3A_108 = arith.addi %scan3A_77, %scan3A_107 : i32
      %broadcast_in_dim3A_109 = arith.constant 0.000000e+00 : f32
      %broadcast_in_dim3A_110 = vector.broadcast %broadcast_in_dim3A_109 : f32 to vector<16xf32>
      %mul3A_111 = arith.constant 16 : i32
      %mul3A_112 = arith.muli %scan3A_108, %mul3A_111 : i32
      %swap3A_113 = arith.index_cast %mul3A_112 : i32 to index
      %swap3A_114 = tpu.vector_load %arg7[%swap3A_113] {strides = array<i32>} : memref<10240xf32, #tpu.memory_space<vmem>>, vector<16xf32>,
      tpu.vector_store %arg7[%swap3A_113], %broadcast_in_dim3A_110 {strides = array<i32>} : memref<10240xf32, #tpu.memory_space<vmem>>, vector<16xf32>,
      %scan3A_115 = arith.constant 5 : i32
      %scan3A_116 = arith.addi %scan3A_77, %scan3A_115 : i32
      %broadcast_in_dim3A_117 = arith.constant 0.000000e+00 : f32
      %broadcast_in_dim3A_118 = vector.broadcast %broadcast_in_dim3A_117 : f32 to vector<16xf32>
      %mul3A_119 = arith.constant 16 : i32
      %mul3A_120 = arith.muli %scan3A_116, %mul3A_119 : i32
      %swap3A_121 = arith.index_cast %mul3A_120 : i32 to index
      %swap3A_122 = tpu.vector_load %arg7[%swap3A_121] {strides = array<i32>} : memref<10240xf32, #tpu.memory_space<vmem>>, vector<16xf32>,
      tpu.vector_store %arg7[%swap3A_121], %broadcast_in_dim3A_118 {strides = array<i32>} : memref<10240xf32, #tpu.memory_space<vmem>>, vector<16xf32>,
      %scan3A_123 = arith.constant 6 : i32
      %scan3A_124 = arith.addi %scan3A_77, %scan3A_123 : i32
      %broadcast_in_dim3A_125 = arith.constant 0.000000e+00 : f32
      %broadcast_in_dim3A_126 = vector.broadcast %broadcast_in_dim3A_125 : f32 to vector<16xf32>
      %mul3A_127 = arith.constant 16 : i32
      %mul3A_128 = arith.muli %scan3A_124, %mul3A_127 : i32
      %swap3A_129 = arith.index_cast %mul3A_128 : i32 to index
      %swap3A_130 = tpu.vector_load %arg7[%swap3A_129] {strides = array<i32>} : memref<10240xf32, #tpu.memory_space<vmem>>, vector<16xf32>,
      tpu.vector_store %arg7[%swap3A_129], %broadcast_in_dim3A_126 {strides = array<i32>} : memref<10240xf32, #tpu.memory_space<vmem>>, vector<16xf32>,
      %scan3A_131 = arith.constant 7 : i32
      %scan3A_132 = arith.addi %scan3A_77, %scan3A_131 : i32
      %broadcast_in_dim3A_133 = arith.constant 0.000000e+00 : f32
      %broadcast_in_dim3A_134 = vector.broadcast %broadcast_in_dim3A_133 : f32 to vector<16xf32>
      %mul3A_135 = arith.constant 16 : i32
      %mul3A_136 = arith.muli %scan3A_132, %mul3A_135 : i32
      %swap3A_137 = arith.index_cast %mul3A_136 : i32 to index
      %swap3A_138 = tpu.vector_load %arg7[%swap3A_137] {strides = array<i32>} : memref<10240xf32, #tpu.memory_space<vmem>>, vector<16xf32>,
      tpu.vector_store %arg7[%swap3A_137], %broadcast_in_dim3A_134 {strides = array<i32>} : memref<10240xf32, #tpu.memory_space<vmem>>, vector<16xf32>,
    }
    %scan3A_9 = arith.constant 640 : i32
    %broadcast_in_dim3A = arith.constant 1.000000e+00 : f32
    %broadcast_in_dim3A_10 = vector.broadcast %broadcast_in_dim3A : f32 to vector<16xf32>
    %scan3A_11 = arith.constant 0 : i32
    %scan3A_12 = arith.constant 0 : i32
    %scan3A_13 = arith.constant 1248 : i32
    %scan3A_14 = arith.addi %scan3A_12, %scan3A_13 : i32
    %scan3A_15 = arith.constant 8 : i32
    scf.for %scan3A_77 = %scan3A_12 to %scan3A_14 step %scan3A_15  : i32 {
      %mul3A_78 = arith.constant 16 : i32
      %mul3A_79 = arith.muli %scan3A_77, %mul3A_78 : i32
      %get3A_80 = arith.index_cast %mul3A_79 : i32 to index
      %get3A_81 = tpu.vector_load %arg6[%get3A_80] {strides = array<i32>} : memref<20000xi32, #tpu.memory_space<vmem>>, vector<16xi32>,
      tpu.vector_store_idx %arg7[%get3A_81], %broadcast_in_dim3A_10 {add = true} : memref<10240xf32, #tpu.memory_space<vmem>>[vector<16xi32>], vector<16xf32>,
      %scan3A_82 = arith.constant 1 : i32
      %scan3A_83 = arith.addi %scan3A_77, %scan3A_82 : i32
      %mul3A_84 = arith.constant 16 : i32
      %mul3A_85 = arith.muli %scan3A_83, %mul3A_84 : i32
      %get3A_86 = arith.index_cast %mul3A_85 : i32 to index
      %get3A_87 = tpu.vector_load %arg6[%get3A_86] {strides = array<i32>} : memref<20000xi32, #tpu.memory_space<vmem>>, vector<16xi32>,
      tpu.vector_store_idx %arg7[%get3A_87], %broadcast_in_dim3A_10 {add = true} : memref<10240xf32, #tpu.memory_space<vmem>>[vector<16xi32>], vector<16xf32>,
      %scan3A_88 = arith.constant 2 : i32
      %scan3A_89 = arith.addi %scan3A_77, %scan3A_88 : i32
      %mul3A_90 = arith.constant 16 : i32
      %mul3A_91 = arith.muli %scan3A_89, %mul3A_90 : i32
      %get3A_92 = arith.index_cast %mul3A_91 : i32 to index
      %get3A_93 = tpu.vector_load %arg6[%get3A_92] {strides = array<i32>} : memref<20000xi32, #tpu.memory_space<vmem>>, vector<16xi32>,
      tpu.vector_store_idx %arg7[%get3A_93], %broadcast_in_dim3A_10 {add = true} : memref<10240xf32, #tpu.memory_space<vmem>>[vector<16xi32>], vector<16xf32>,
      %scan3A_94 = arith.constant 3 : i32
      %scan3A_95 = arith.addi %scan3A_77, %scan3A_94 : i32
      %mul3A_96 = arith.constant 16 : i32
      %mul3A_97 = arith.muli %scan3A_95, %mul3A_96 : i32
      %get3A_98 = arith.index_cast %mul3A_97 : i32 to index
      %get3A_99 = tpu.vector_load %arg6[%get3A_98] {strides = array<i32>} : memref<20000xi32, #tpu.memory_space<vmem>>, vector<16xi32>,
      tpu.vector_store_idx %arg7[%get3A_99], %broadcast_in_dim3A_10 {add = true} : memref<10240xf32, #tpu.memory_space<vmem>>[vector<16xi32>], vector<16xf32>,
      %scan3A_100 = arith.constant 4 : i32
      %scan3A_101 = arith.addi %scan3A_77, %scan3A_100 : i32
      %mul3A_102 = arith.constant 16 : i32
      %mul3A_103 = arith.muli %scan3A_101, %mul3A_102 : i32
      %get3A_104 = arith.index_cast %mul3A_103 : i32 to index
      %get3A_105 = tpu.vector_load %arg6[%get3A_104] {strides = array<i32>} : memref<20000xi32, #tpu.memory_space<vmem>>, vector<16xi32>,
      tpu.vector_store_idx %arg7[%get3A_105], %broadcast_in_dim3A_10 {add = true} : memref<10240xf32, #tpu.memory_space<vmem>>[vector<16xi32>], vector<16xf32>,
      %scan3A_106 = arith.constant 5 : i32
      %scan3A_107 = arith.addi %scan3A_77, %scan3A_106 : i32
      %mul3A_108 = arith.constant 16 : i32
      %mul3A_109 = arith.muli %scan3A_107, %mul3A_108 : i32
      %get3A_110 = arith.index_cast %mul3A_109 : i32 to index
      %get3A_111 = tpu.vector_load %arg6[%get3A_110] {strides = array<i32>} : memref<20000xi32, #tpu.memory_space<vmem>>, vector<16xi32>,
      tpu.vector_store_idx %arg7[%get3A_111], %broadcast_in_dim3A_10 {add = true} : memref<10240xf32, #tpu.memory_space<vmem>>[vector<16xi32>], vector<16xf32>,
      %scan3A_112 = arith.constant 6 : i32
      %scan3A_113 = arith.addi %scan3A_77, %scan3A_112 : i32
      %mul3A_114 = arith.constant 16 : i32
      %mul3A_115 = arith.muli %scan3A_113, %mul3A_114 : i32
      %get3A_116 = arith.index_cast %mul3A_115 : i32 to index
      %get3A_117 = tpu.vector_load %arg6[%get3A_116] {strides = array<i32>} : memref<20000xi32, #tpu.memory_space<vmem>>, vector<16xi32>,
      tpu.vector_store_idx %arg7[%get3A_117], %broadcast_in_dim3A_10 {add = true} : memref<10240xf32, #tpu.memory_space<vmem>>[vector<16xi32>], vector<16xf32>,
      %scan3A_118 = arith.constant 7 : i32
      %scan3A_119 = arith.addi %scan3A_77, %scan3A_118 : i32
      %mul3A_120 = arith.constant 16 : i32
      %mul3A_121 = arith.muli %scan3A_119, %mul3A_120 : i32
      %get3A_122 = arith.index_cast %mul3A_121 : i32 to index
      %get3A_123 = tpu.vector_load %arg6[%get3A_122] {strides = array<i32>} : memref<20000xi32, #tpu.memory_space<vmem>>, vector<16xi32>,
      tpu.vector_store_idx %arg7[%get3A_123], %broadcast_in_dim3A_10 {add = true} : memref<10240xf32, #tpu.memory_space<vmem>>[vector<16xi32>], vector<16xf32>,
    }
    %scan3A_16 = arith.constant 1248 : i32
    %scan3A_17 = arith.addi %scan3A_12, %scan3A_16 : i32
    %mul3A_18 = arith.constant 16 : i32
    %mul3A_19 = arith.muli %scan3A_17, %mul3A_18 : i32
    %get3A = arith.index_cast %mul3A_19 : i32 to index
    %get3A_20 = tpu.vector_load %arg6[%get3A] {strides = array<i32>} : memref<20000xi32, #tpu.memory_space<vmem>>, vector<16xi32>,
    tpu.vector_store_idx %arg7[%get3A_20], %broadcast_in_dim3A_10 {add = true} : memref<10240xf32, #tpu.memory_space<vmem>>[vector<16xi32>], vector<16xf32>,
    %scan3A_21 = arith.constant 1249 : i32
    %scan3A_22 = arith.addi %scan3A_12, %scan3A_21 : i32
    %mul3A_23 = arith.constant 16 : i32
    %mul3A_24 = arith.muli %scan3A_22, %mul3A_23 : i32
    %get3A_25 = arith.index_cast %mul3A_24 : i32 to index
    %get3A_26 = tpu.vector_load %arg6[%get3A_25] {strides = array<i32>} : memref<20000xi32, #tpu.memory_space<vmem>>, vector<16xi32>,
    tpu.vector_store_idx %arg7[%get3A_26], %broadcast_in_dim3A_10 {add = true} : memref<10240xf32, #tpu.memory_space<vmem>>[vector<16xi32>], vector<16xf32>,
    %scan3A_27 = arith.constant 1250 : i32
    "tpu.region"() ({
      %run_scoped3A_77 = tpu.sem_alloc : memref<!tpu.dma_semaphore, #tpu.memory_space<semaphore_mem>>
      %dma_start3A_78 = arith.constant 0 : i32
      %dma_start3A_79 = tpu.memref_slice %arg14[%arg1, %dma_start3A_78] : memref<16x10240xf32, #tpu.memory_space<vmem_shared>> -> memref<1x10240xf32, #tpu.memory_space<vmem_shared>>
      %dma_start3A_80 = tpu.memref_squeeze %dma_start3A_79 : memref<1x10240xf32, #tpu.memory_space<vmem_shared>> -> memref<10240xf32, #tpu.memory_space<vmem_shared>>
      %dma_start3A_81 = arith.constant 0 : i32
      %dma_start3A_82 = tpu.memref_slice %arg14[%arg1, %dma_start3A_81] : memref<16x10240xf32, #tpu.memory_space<vmem_shared>> -> memref<1x10240xf32, #tpu.memory_space<vmem_shared>>
      %dma_start3A_83 = tpu.memref_squeeze %dma_start3A_82 : memref<1x10240xf32, #tpu.memory_space<vmem_shared>> -> memref<10240xf32, #tpu.memory_space<vmem_shared>>
      tpu.enqueue_dma source(%arg7 : memref<10240xf32, #tpu.memory_space<vmem>>) target(%dma_start3A_83 : memref<10240xf32, #tpu.memory_space<vmem_shared>>) target_semaphore(%run_scoped3A_77 : memref<!tpu.dma_semaphore, #tpu.memory_space<semaphore_mem>>)
      %dma_wait3A = arith.constant 0 : i32
      %dma_wait3A_84 = tpu.memref_slice %arg14[%arg1, %dma_wait3A] : memref<16x10240xf32, #tpu.memory_space<vmem_shared>> -> memref<1x10240xf32, #tpu.memory_space<vmem_shared>>
      %dma_wait3A_85 = tpu.memref_squeeze %dma_wait3A_84 : memref<1x10240xf32, #tpu.memory_space<vmem_shared>> -> memref<10240xf32, #tpu.memory_space<vmem_shared>>
      %dma_wait3A_86 = arith.constant 0 : i32
      %dma_wait3A_87 = tpu.memref_slice %arg14[%arg1, %dma_wait3A_86] : memref<16x10240xf32, #tpu.memory_space<vmem_shared>> -> memref<1x10240xf32, #tpu.memory_space<vmem_shared>>
      %dma_wait3A_88 = tpu.memref_squeeze %dma_wait3A_87 : memref<1x10240xf32, #tpu.memory_space<vmem_shared>> -> memref<10240xf32, #tpu.memory_space<vmem_shared>>
      tpu.wait_dma2 semaphore(%run_scoped3A_77 : memref<!tpu.dma_semaphore, #tpu.memory_space<semaphore_mem>>) src(%arg7 : memref<10240xf32, #tpu.memory_space<vmem>>) dst(%dma_wait3A_88 : memref<10240xf32, #tpu.memory_space<vmem_shared>>)
      tpu.yield
    }) : () -> ()
    %mul3A_28 = arith.constant 10000 : i32
    %mul3A_29 = arith.muli %add3A, %mul3A_28 : i32
    %run_scoped3A_30 = arith.constant 0 : i32
    "tpu.region"() ({
      %run_scoped3A_77 = tpu.sem_alloc : memref<!tpu.dma_semaphore, #tpu.memory_space<semaphore_mem>>
      %dma_start3A_78 = tpu.memref_slice %arg2[%run_scoped3A_30, %mul3A_29] : memref<2x320000xi32, #tpu.memory_space<hbm>> -> memref<1x10000xi32, #tpu.memory_space<hbm>>
      %dma_start3A_79 = tpu.memref_squeeze %dma_start3A_78 : memref<1x10000xi32, #tpu.memory_space<hbm>> -> memref<10000xi32, #tpu.memory_space<hbm>>
      %dma_start3A_80 = tpu.memref_slice %arg2[%run_scoped3A_30, %mul3A_29] : memref<2x320000xi32, #tpu.memory_space<hbm>> -> memref<1x10000xi32, #tpu.memory_space<hbm>>
      %dma_start3A_81 = tpu.memref_squeeze %dma_start3A_80 : memref<1x10000xi32, #tpu.memory_space<hbm>> -> memref<10000xi32, #tpu.memory_space<hbm>>
      tpu.enqueue_dma source(%dma_start3A_81 : memref<10000xi32, #tpu.memory_space<hbm>>) target(%arg11 : memref<10000xi32, #tpu.memory_space<vmem>>) target_semaphore(%run_scoped3A_77 : memref<!tpu.dma_semaphore, #tpu.memory_space<semaphore_mem>>)
      %dma_wait3A = tpu.memref_slice %arg2[%run_scoped3A_30, %mul3A_29] : memref<2x320000xi32, #tpu.memory_space<hbm>> -> memref<1x10000xi32, #tpu.memory_space<hbm>>
      %dma_wait3A_82 = tpu.memref_squeeze %dma_wait3A : memref<1x10000xi32, #tpu.memory_space<hbm>> -> memref<10000xi32, #tpu.memory_space<hbm>>
      %dma_wait3A_83 = tpu.memref_slice %arg2[%run_scoped3A_30, %mul3A_29] : memref<2x320000xi32, #tpu.memory_space<hbm>> -> memref<1x10000xi32, #tpu.memory_space<hbm>>
      %dma_wait3A_84 = tpu.memref_squeeze %dma_wait3A_83 : memref<1x10000xi32, #tpu.memory_space<hbm>> -> memref<10000xi32, #tpu.memory_space<hbm>>
      tpu.wait_dma2 semaphore(%run_scoped3A_77 : memref<!tpu.dma_semaphore, #tpu.memory_space<semaphore_mem>>) src(%dma_wait3A_84 : memref<10000xi32, #tpu.memory_space<hbm>>) dst(%arg11 : memref<10000xi32, #tpu.memory_space<vmem>>)
      tpu.yield
    }) : () -> ()
    %mul3A_31 = arith.constant 10000 : i32
    %mul3A_32 = arith.muli %add3A, %mul3A_31 : i32
    %run_scoped3A_33 = arith.constant 1 : i32
    "tpu.region"() ({
      %run_scoped3A_77 = tpu.sem_alloc : memref<!tpu.dma_semaphore, #tpu.memory_space<semaphore_mem>>
      %dma_start3A_78 = tpu.memref_slice %arg2[%run_scoped3A_33, %mul3A_32] : memref<2x320000xi32, #tpu.memory_space<hbm>> -> memref<1x10000xi32, #tpu.memory_space<hbm>>
      %dma_start3A_79 = tpu.memref_squeeze %dma_start3A_78 : memref<1x10000xi32, #tpu.memory_space<hbm>> -> memref<10000xi32, #tpu.memory_space<hbm>>
      %dma_start3A_80 = tpu.memref_slice %arg2[%run_scoped3A_33, %mul3A_32] : memref<2x320000xi32, #tpu.memory_space<hbm>> -> memref<1x10000xi32, #tpu.memory_space<hbm>>
      %dma_start3A_81 = tpu.memref_squeeze %dma_start3A_80 : memref<1x10000xi32, #tpu.memory_space<hbm>> -> memref<10000xi32, #tpu.memory_space<hbm>>
      tpu.enqueue_dma source(%dma_start3A_81 : memref<10000xi32, #tpu.memory_space<hbm>>) target(%arg12 : memref<10000xi32, #tpu.memory_space<vmem>>) target_semaphore(%run_scoped3A_77 : memref<!tpu.dma_semaphore, #tpu.memory_space<semaphore_mem>>)
      %dma_wait3A = tpu.memref_slice %arg2[%run_scoped3A_33, %mul3A_32] : memref<2x320000xi32, #tpu.memory_space<hbm>> -> memref<1x10000xi32, #tpu.memory_space<hbm>>
      %dma_wait3A_82 = tpu.memref_squeeze %dma_wait3A : memref<1x10000xi32, #tpu.memory_space<hbm>> -> memref<10000xi32, #tpu.memory_space<hbm>>
      %dma_wait3A_83 = tpu.memref_slice %arg2[%run_scoped3A_33, %mul3A_32] : memref<2x320000xi32, #tpu.memory_space<hbm>> -> memref<1x10000xi32, #tpu.memory_space<hbm>>
      %dma_wait3A_84 = tpu.memref_squeeze %dma_wait3A_83 : memref<1x10000xi32, #tpu.memory_space<hbm>> -> memref<10000xi32, #tpu.memory_space<hbm>>
      tpu.wait_dma2 semaphore(%run_scoped3A_77 : memref<!tpu.dma_semaphore, #tpu.memory_space<semaphore_mem>>) src(%dma_wait3A_84 : memref<10000xi32, #tpu.memory_space<hbm>>) dst(%arg12 : memref<10000xi32, #tpu.memory_space<vmem>>)
      tpu.yield
    }) : () -> ()
    %scan3A_34 = arith.constant 0 : i32
    %scan3A_35 = arith.constant 0 : i32
    %scan3A_36 = arith.constant 640 : i32
    %scan3A_37 = arith.addi %scan3A_35, %scan3A_36 : i32
    %scan3A_38 = arith.constant 8 : i32
    scf.for %scan3A_77 = %scan3A_35 to %scan3A_37 step %scan3A_38  : i32 {
      %broadcast_in_dim3A_78 = arith.constant 0.000000e+00 : f32
      %broadcast_in_dim3A_79 = vector.broadcast %broadcast_in_dim3A_78 : f32 to vector<16xf32>
      %swap3A = arith.index_cast %scan3A_77 : i32 to index
      %swap3A_80 = arith.constant 0 : index
      %swap3A_81 = tpu.vector_load %arg10[%swap3A, %swap3A_80] {strides = array<i32>} : memref<640x16xf32, #tpu.memory_space<vmem>>, vector<16xf32>,
      tpu.vector_store %arg10[%swap3A, %swap3A_80], %broadcast_in_dim3A_79 {strides = array<i32>} : memref<640x16xf32, #tpu.memory_space<vmem>>, vector<16xf32>,
      %scan3A_82 = arith.constant 1 : i32
      %scan3A_83 = arith.addi %scan3A_77, %scan3A_82 : i32
      %broadcast_in_dim3A_84 = arith.constant 0.000000e+00 : f32
      %broadcast_in_dim3A_85 = vector.broadcast %broadcast_in_dim3A_84 : f32 to vector<16xf32>
      %swap3A_86 = arith.index_cast %scan3A_83 : i32 to index
      %swap3A_87 = arith.constant 0 : index
      %swap3A_88 = tpu.vector_load %arg10[%swap3A_86, %swap3A_87] {strides = array<i32>} : memref<640x16xf32, #tpu.memory_space<vmem>>, vector<16xf32>,
      tpu.vector_store %arg10[%swap3A_86, %swap3A_87], %broadcast_in_dim3A_85 {strides = array<i32>} : memref<640x16xf32, #tpu.memory_space<vmem>>, vector<16xf32>,
      %scan3A_89 = arith.constant 2 : i32
      %scan3A_90 = arith.addi %scan3A_77, %scan3A_89 : i32
      %broadcast_in_dim3A_91 = arith.constant 0.000000e+00 : f32
      %broadcast_in_dim3A_92 = vector.broadcast %broadcast_in_dim3A_91 : f32 to vector<16xf32>
      %swap3A_93 = arith.index_cast %scan3A_90 : i32 to index
      %swap3A_94 = arith.constant 0 : index
      %swap3A_95 = tpu.vector_load %arg10[%swap3A_93, %swap3A_94] {strides = array<i32>} : memref<640x16xf32, #tpu.memory_space<vmem>>, vector<16xf32>,
      tpu.vector_store %arg10[%swap3A_93, %swap3A_94], %broadcast_in_dim3A_92 {strides = array<i32>} : memref<640x16xf32, #tpu.memory_space<vmem>>, vector<16xf32>,
      %scan3A_96 = arith.constant 3 : i32
      %scan3A_97 = arith.addi %scan3A_77, %scan3A_96 : i32
      %broadcast_in_dim3A_98 = arith.constant 0.000000e+00 : f32
      %broadcast_in_dim3A_99 = vector.broadcast %broadcast_in_dim3A_98 : f32 to vector<16xf32>
      %swap3A_100 = arith.index_cast %scan3A_97 : i32 to index
      %swap3A_101 = arith.constant 0 : index
      %swap3A_102 = tpu.vector_load %arg10[%swap3A_100, %swap3A_101] {strides = array<i32>} : memref<640x16xf32, #tpu.memory_space<vmem>>, vector<16xf32>,
      tpu.vector_store %arg10[%swap3A_100, %swap3A_101], %broadcast_in_dim3A_99 {strides = array<i32>} : memref<640x16xf32, #tpu.memory_space<vmem>>, vector<16xf32>,
      %scan3A_103 = arith.constant 4 : i32
      %scan3A_104 = arith.addi %scan3A_77, %scan3A_103 : i32
      %broadcast_in_dim3A_105 = arith.constant 0.000000e+00 : f32
      %broadcast_in_dim3A_106 = vector.broadcast %broadcast_in_dim3A_105 : f32 to vector<16xf32>
      %swap3A_107 = arith.index_cast %scan3A_104 : i32 to index
      %swap3A_108 = arith.constant 0 : index
      %swap3A_109 = tpu.vector_load %arg10[%swap3A_107, %swap3A_108] {strides = array<i32>} : memref<640x16xf32, #tpu.memory_space<vmem>>, vector<16xf32>,
      tpu.vector_store %arg10[%swap3A_107, %swap3A_108], %broadcast_in_dim3A_106 {strides = array<i32>} : memref<640x16xf32, #tpu.memory_space<vmem>>, vector<16xf32>,
      %scan3A_110 = arith.constant 5 : i32
      %scan3A_111 = arith.addi %scan3A_77, %scan3A_110 : i32
      %broadcast_in_dim3A_112 = arith.constant 0.000000e+00 : f32
      %broadcast_in_dim3A_113 = vector.broadcast %broadcast_in_dim3A_112 : f32 to vector<16xf32>
      %swap3A_114 = arith.index_cast %scan3A_111 : i32 to index
      %swap3A_115 = arith.constant 0 : index
      %swap3A_116 = tpu.vector_load %arg10[%swap3A_114, %swap3A_115] {strides = array<i32>} : memref<640x16xf32, #tpu.memory_space<vmem>>, vector<16xf32>,
      tpu.vector_store %arg10[%swap3A_114, %swap3A_115], %broadcast_in_dim3A_113 {strides = array<i32>} : memref<640x16xf32, #tpu.memory_space<vmem>>, vector<16xf32>,
      %scan3A_117 = arith.constant 6 : i32
      %scan3A_118 = arith.addi %scan3A_77, %scan3A_117 : i32
      %broadcast_in_dim3A_119 = arith.constant 0.000000e+00 : f32
      %broadcast_in_dim3A_120 = vector.broadcast %broadcast_in_dim3A_119 : f32 to vector<16xf32>
      %swap3A_121 = arith.index_cast %scan3A_118 : i32 to index
      %swap3A_122 = arith.constant 0 : index
      %swap3A_123 = tpu.vector_load %arg10[%swap3A_121, %swap3A_122] {strides = array<i32>} : memref<640x16xf32, #tpu.memory_space<vmem>>, vector<16xf32>,
      tpu.vector_store %arg10[%swap3A_121, %swap3A_122], %broadcast_in_dim3A_120 {strides = array<i32>} : memref<640x16xf32, #tpu.memory_space<vmem>>, vector<16xf32>,
      %scan3A_124 = arith.constant 7 : i32
      %scan3A_125 = arith.addi %scan3A_77, %scan3A_124 : i32
      %broadcast_in_dim3A_126 = arith.constant 0.000000e+00 : f32
      %broadcast_in_dim3A_127 = vector.broadcast %broadcast_in_dim3A_126 : f32 to vector<16xf32>
      %swap3A_128 = arith.index_cast %scan3A_125 : i32 to index
      %swap3A_129 = arith.constant 0 : index
      %swap3A_130 = tpu.vector_load %arg10[%swap3A_128, %swap3A_129] {strides = array<i32>} : memref<640x16xf32, #tpu.memory_space<vmem>>, vector<16xf32>,
      tpu.vector_store %arg10[%swap3A_128, %swap3A_129], %broadcast_in_dim3A_127 {strides = array<i32>} : memref<640x16xf32, #tpu.memory_space<vmem>>, vector<16xf32>,
    }
    %scan3A_39 = arith.constant 640 : i32
    "tpu.region"() ({
      %run_scoped3A_77 = tpu.sem_alloc : memref<!tpu.dma_semaphore, #tpu.memory_space<semaphore_mem>>
      %dma_start3A_78 = arith.constant 0 : i32
      %dma_start3A_79 = tpu.memref_slice %arg15[%mul3A_2, %dma_start3A_78] : memref<10240x16xf32, #tpu.memory_space<vmem_shared>> -> memref<640x16xf32, #tpu.memory_space<vmem_shared>>
      %dma_start3A_80 = arith.constant 0 : i32
      %dma_start3A_81 = tpu.memref_slice %arg15[%mul3A_2, %dma_start3A_80] : memref<10240x16xf32, #tpu.memory_space<vmem_shared>> -> memref<640x16xf32, #tpu.memory_space<vmem_shared>>
      tpu.enqueue_dma source(%arg10 : memref<640x16xf32, #tpu.memory_space<vmem>>) target(%dma_start3A_81 : memref<640x16xf32, #tpu.memory_space<vmem_shared>>) target_semaphore(%run_scoped3A_77 : memref<!tpu.dma_semaphore, #tpu.memory_space<semaphore_mem>>)
      %dma_wait3A = arith.constant 0 : i32
      %dma_wait3A_82 = tpu.memref_slice %arg15[%mul3A_2, %dma_wait3A] : memref<10240x16xf32, #tpu.memory_space<vmem_shared>> -> memref<640x16xf32, #tpu.memory_space<vmem_shared>>
      %dma_wait3A_83 = arith.constant 0 : i32
      %dma_wait3A_84 = tpu.memref_slice %arg15[%mul3A_2, %dma_wait3A_83] : memref<10240x16xf32, #tpu.memory_space<vmem_shared>> -> memref<640x16xf32, #tpu.memory_space<vmem_shared>>
      tpu.wait_dma2 semaphore(%run_scoped3A_77 : memref<!tpu.dma_semaphore, #tpu.memory_space<semaphore_mem>>) src(%arg10 : memref<640x16xf32, #tpu.memory_space<vmem>>) dst(%dma_wait3A_84 : memref<640x16xf32, #tpu.memory_space<vmem_shared>>)
      tpu.yield
    }) : () -> ()
    %barrier3A = arith.constant 0 : index
    tpu.barrier barrier_id(%barrier3A)
    "tpu.region"() ({
      %run_scoped3A_77 = tpu.sem_alloc : memref<!tpu.dma_semaphore, #tpu.memory_space<semaphore_mem>>
      %dma_start3A_78 = arith.constant 0 : i32
      %dma_start3A_79 = tpu.memref_slice %arg14[%dma_start3A_78, %mul3A_2] : memref<16x10240xf32, #tpu.memory_space<vmem_shared>> -> memref<16x640xf32, #tpu.memory_space<vmem_shared>>
      %dma_start3A_80 = arith.constant 0 : i32
      %dma_start3A_81 = tpu.memref_slice %arg14[%dma_start3A_80, %mul3A_2] : memref<16x10240xf32, #tpu.memory_space<vmem_shared>> -> memref<16x640xf32, #tpu.memory_space<vmem_shared>>
      tpu.enqueue_dma source(%dma_start3A_81 : memref<16x640xf32, #tpu.memory_space<vmem_shared>>) target(%arg8 : memref<16x640xf32, #tpu.memory_space<vmem>>) target_semaphore(%run_scoped3A_77 : memref<!tpu.dma_semaphore, #tpu.memory_space<semaphore_mem>>)
      %dma_wait3A = arith.constant 0 : i32
      %dma_wait3A_82 = tpu.memref_slice %arg14[%dma_wait3A, %mul3A_2] : memref<16x10240xf32, #tpu.memory_space<vmem_shared>> -> memref<16x640xf32, #tpu.memory_space<vmem_shared>>
      %dma_wait3A_83 = arith.constant 0 : i32
      %dma_wait3A_84 = tpu.memref_slice %arg14[%dma_wait3A_83, %mul3A_2] : memref<16x10240xf32, #tpu.memory_space<vmem_shared>> -> memref<16x640xf32, #tpu.memory_space<vmem_shared>>
      tpu.wait_dma2 semaphore(%run_scoped3A_77 : memref<!tpu.dma_semaphore, #tpu.memory_space<semaphore_mem>>) src(%dma_wait3A_84 : memref<16x640xf32, #tpu.memory_space<vmem_shared>>) dst(%arg8 : memref<16x640xf32, #tpu.memory_space<vmem>>)
      tpu.yield
    }) : () -> ()
    %scan3A_40 = arith.constant 0 : i32
    %scan3A_41 = arith.constant 0 : i32
    %scan3A_42 = arith.constant 40 : i32
    %scan3A_43 = arith.addi %scan3A_41, %scan3A_42 : i32
    %scan3A_44 = arith.constant 4 : i32
    scf.for %scan3A_77 = %scan3A_41 to %scan3A_43 step %scan3A_44  : i32 {
      %mul3A_78 = arith.constant 16 : i32
      %mul3A_79 = arith.muli %scan3A_77, %mul3A_78 : i32
      %get3A_80 = arith.constant 0 : i32
      %get3A_81 = arith.index_cast %get3A_80 : i32 to index
      %get3A_82 = arith.index_cast %mul3A_79 : i32 to index
      %get3A_83 = tpu.vector_load %arg8[%get3A_81, %get3A_82] {strides = array<i32>} : memref<16x640xf32, #tpu.memory_space<vmem>>, vector<16xf32>,
      %get3A_84 = arith.constant 1 : i32
      %get3A_85 = arith.index_cast %get3A_84 : i32 to index
      %get3A_86 = arith.index_cast %mul3A_79 : i32 to index
      %get3A_87 = tpu.vector_load %arg8[%get3A_85, %get3A_86] {strides = array<i32>} : memref<16x640xf32, #tpu.memory_space<vmem>>, vector<16xf32>,
      %add3A_88 = arith.addf %get3A_83, %get3A_87 : vector<16xf32>
      %get3A_89 = arith.constant 2 : i32
      %get3A_90 = arith.index_cast %get3A_89 : i32 to index
      %get3A_91 = arith.index_cast %mul3A_79 : i32 to index
      %get3A_92 = tpu.vector_load %arg8[%get3A_90, %get3A_91] {strides = array<i32>} : memref<16x640xf32, #tpu.memory_space<vmem>>, vector<16xf32>,
      %add3A_93 = arith.addf %add3A_88, %get3A_92 : vector<16xf32>
      %get3A_94 = arith.constant 3 : i32
      %get3A_95 = arith.index_cast %get3A_94 : i32 to index
      %get3A_96 = arith.index_cast %mul3A_79 : i32 to index
      %get3A_97 = tpu.vector_load %arg8[%get3A_95, %get3A_96] {strides = array<i32>} : memref<16x640xf32, #tpu.memory_space<vmem>>, vector<16xf32>,
      %add3A_98 = arith.addf %add3A_93, %get3A_97 : vector<16xf32>
      %get3A_99 = arith.constant 4 : i32
      %get3A_100 = arith.index_cast %get3A_99 : i32 to index
      %get3A_101 = arith.index_cast %mul3A_79 : i32 to index
      %get3A_102 = tpu.vector_load %arg8[%get3A_100, %get3A_101] {strides = array<i32>} : memref<16x640xf32, #tpu.memory_space<vmem>>, vector<16xf32>,
      %add3A_103 = arith.addf %add3A_98, %get3A_102 : vector<16xf32>
      %get3A_104 = arith.constant 5 : i32
      %get3A_105 = arith.index_cast %get3A_104 : i32 to index
      %get3A_106 = arith.index_cast %mul3A_79 : i32 to index
      %get3A_107 = tpu.vector_load %arg8[%get3A_105, %get3A_106] {strides = array<i32>} : memref<16x640xf32, #tpu.memory_space<vmem>>, vector<16xf32>,
      %add3A_108 = arith.addf %add3A_103, %get3A_107 : vector<16xf32>
      %get3A_109 = arith.constant 6 : i32
      %get3A_110 = arith.index_cast %get3A_109 : i32 to index
      %get3A_111 = arith.index_cast %mul3A_79 : i32 to index
      %get3A_112 = tpu.vector_load %arg8[%get3A_110, %get3A_111] {strides = array<i32>} : memref<16x640xf32, #tpu.memory_space<vmem>>, vector<16xf32>,
      %add3A_113 = arith.addf %add3A_108, %get3A_112 : vector<16xf32>
      %get3A_114 = arith.constant 7 : i32
      %get3A_115 = arith.index_cast %get3A_114 : i32 to index
      %get3A_116 = arith.index_cast %mul3A_79 : i32 to index
      %get3A_117 = tpu.vector_load %arg8[%get3A_115, %get3A_116] {strides = array<i32>} : memref<16x640xf32, #tpu.memory_space<vmem>>, vector<16xf32>,
      %add3A_118 = arith.addf %add3A_113, %get3A_117 : vector<16xf32>
      %get3A_119 = arith.constant 8 : i32
      %get3A_120 = arith.index_cast %get3A_119 : i32 to index
      %get3A_121 = arith.index_cast %mul3A_79 : i32 to index
      %get3A_122 = tpu.vector_load %arg8[%get3A_120, %get3A_121] {strides = array<i32>} : memref<16x640xf32, #tpu.memory_space<vmem>>, vector<16xf32>,
      %add3A_123 = arith.addf %add3A_118, %get3A_122 : vector<16xf32>
      %get3A_124 = arith.constant 9 : i32
      %get3A_125 = arith.index_cast %get3A_124 : i32 to index
      %get3A_126 = arith.index_cast %mul3A_79 : i32 to index
      %get3A_127 = tpu.vector_load %arg8[%get3A_125, %get3A_126] {strides = array<i32>} : memref<16x640xf32, #tpu.memory_space<vmem>>, vector<16xf32>,
      %add3A_128 = arith.addf %add3A_123, %get3A_127 : vector<16xf32>
      %get3A_129 = arith.constant 10 : i32
      %get3A_130 = arith.index_cast %get3A_129 : i32 to index
      %get3A_131 = arith.index_cast %mul3A_79 : i32 to index
      %get3A_132 = tpu.vector_load %arg8[%get3A_130, %get3A_131] {strides = array<i32>} : memref<16x640xf32, #tpu.memory_space<vmem>>, vector<16xf32>,
      %add3A_133 = arith.addf %add3A_128, %get3A_132 : vector<16xf32>
      %get3A_134 = arith.constant 11 : i32
      %get3A_135 = arith.index_cast %get3A_134 : i32 to index
      %get3A_136 = arith.index_cast %mul3A_79 : i32 to index
      %get3A_137 = tpu.vector_load %arg8[%get3A_135, %get3A_136] {strides = array<i32>} : memref<16x640xf32, #tpu.memory_space<vmem>>, vector<16xf32>,
      %add3A_138 = arith.addf %add3A_133, %get3A_137 : vector<16xf32>
      %get3A_139 = arith.constant 12 : i32
      %get3A_140 = arith.index_cast %get3A_139 : i32 to index
      %get3A_141 = arith.index_cast %mul3A_79 : i32 to index
      %get3A_142 = tpu.vector_load %arg8[%get3A_140, %get3A_141] {strides = array<i32>} : memref<16x640xf32, #tpu.memory_space<vmem>>, vector<16xf32>,
      %add3A_143 = arith.addf %add3A_138, %get3A_142 : vector<16xf32>
      %get3A_144 = arith.constant 13 : i32
      %get3A_145 = arith.index_cast %get3A_144 : i32 to index
      %get3A_146 = arith.index_cast %mul3A_79 : i32 to index
      %get3A_147 = tpu.vector_load %arg8[%get3A_145, %get3A_146] {strides = array<i32>} : memref<16x640xf32, #tpu.memory_space<vmem>>, vector<16xf32>,
      %add3A_148 = arith.addf %add3A_143, %get3A_147 : vector<16xf32>
      %get3A_149 = arith.constant 14 : i32
      %get3A_150 = arith.index_cast %get3A_149 : i32 to index
      %get3A_151 = arith.index_cast %mul3A_79 : i32 to index
      %get3A_152 = tpu.vector_load %arg8[%get3A_150, %get3A_151] {strides = array<i32>} : memref<16x640xf32, #tpu.memory_space<vmem>>, vector<16xf32>,
      %add3A_153 = arith.addf %add3A_148, %get3A_152 : vector<16xf32>
      %get3A_154 = arith.constant 15 : i32
      %get3A_155 = arith.index_cast %get3A_154 : i32 to index
      %get3A_156 = arith.index_cast %mul3A_79 : i32 to index
      %get3A_157 = tpu.vector_load %arg8[%get3A_155, %get3A_156] {strides = array<i32>} : memref<16x640xf32, #tpu.memory_space<vmem>>, vector<16xf32>,
      %add3A_158 = arith.addf %add3A_153, %get3A_157 : vector<16xf32>
      %add3A_159 = arith.constant 1.000000e+00 : f32
      %add3A_160 = vector.broadcast %add3A_159 : f32 to vector<16xf32>
      %add3A_161 = arith.addf %add3A_158, %add3A_160 : vector<16xf32>
      %bitcast3A = vector.bitcast %add3A_161 : vector<16xf32> to vector<16xi32>
      %shift_right_arithmetic3A = arith.constant 1 : i32
      %shift_right_arithmetic3A_162 = vector.broadcast %shift_right_arithmetic3A : i32 to vector<16xi32>
      %shift_right_arithmetic3A_163 = arith.shrsi %bitcast3A, %shift_right_arithmetic3A_162 : vector<16xi32>
      %sub3A = arith.constant 1597463007 : i32
      %sub3A_164 = vector.broadcast %sub3A : i32 to vector<16xi32>
      %sub3A_165 = arith.subi %sub3A_164, %shift_right_arithmetic3A_163 : vector<16xi32>
      %bitcast3A_166 = vector.bitcast %sub3A_165 : vector<16xi32> to vector<16xf32>
      %mul3A_167 = arith.constant 5.000000e-01 : f32
      %mul3A_168 = vector.broadcast %mul3A_167 : f32 to vector<16xf32>
      %mul3A_169 = arith.mulf %add3A_161, %mul3A_168 : vector<16xf32>
      %mul3A_170 = arith.mulf %mul3A_169, %bitcast3A_166 : vector<16xf32>
      %mul3A_171 = arith.mulf %mul3A_170, %bitcast3A_166 : vector<16xf32>
      %sub3A_172 = arith.constant 1.500000e+00 : f32
      %sub3A_173 = vector.broadcast %sub3A_172 : f32 to vector<16xf32>
      %sub3A_174 = arith.subf %sub3A_173, %mul3A_171 : vector<16xf32>
      %mul3A_175 = arith.mulf %bitcast3A_166, %sub3A_174 : vector<16xf32>
      %mul3A_176 = arith.mulf %mul3A_169, %mul3A_175 : vector<16xf32>
      %mul3A_177 = arith.mulf %mul3A_176, %mul3A_175 : vector<16xf32>
      %sub3A_178 = arith.constant 1.500000e+00 : f32
      %sub3A_179 = vector.broadcast %sub3A_178 : f32 to vector<16xf32>
      %sub3A_180 = arith.subf %sub3A_179, %mul3A_177 : vector<16xf32>
      %mul3A_181 = arith.mulf %mul3A_175, %sub3A_180 : vector<16xf32>
      %mul3A_182 = arith.mulf %mul3A_169, %mul3A_181 : vector<16xf32>
      %mul3A_183 = arith.mulf %mul3A_182, %mul3A_181 : vector<16xf32>
      %sub3A_184 = arith.constant 1.500000e+00 : f32
      %sub3A_185 = vector.broadcast %sub3A_184 : f32 to vector<16xf32>
      %sub3A_186 = arith.subf %sub3A_185, %mul3A_183 : vector<16xf32>
      %mul3A_187 = arith.mulf %mul3A_181, %sub3A_186 : vector<16xf32>
      %swap3A = arith.index_cast %mul3A_79 : i32 to index
      %swap3A_188 = tpu.vector_load %arg9[%swap3A] {strides = array<i32>} : memref<640xf32, #tpu.memory_space<vmem>>, vector<16xf32>,
      tpu.vector_store %arg9[%swap3A], %mul3A_187 {strides = array<i32>} : memref<640xf32, #tpu.memory_space<vmem>>, vector<16xf32>,
      %scan3A_189 = arith.constant 1 : i32
      %scan3A_190 = arith.addi %scan3A_77, %scan3A_189 : i32
      %mul3A_191 = arith.constant 16 : i32
      %mul3A_192 = arith.muli %scan3A_190, %mul3A_191 : i32
      %get3A_193 = arith.constant 0 : i32
      %get3A_194 = arith.index_cast %get3A_193 : i32 to index
      %get3A_195 = arith.index_cast %mul3A_192 : i32 to index
      %get3A_196 = tpu.vector_load %arg8[%get3A_194, %get3A_195] {strides = array<i32>} : memref<16x640xf32, #tpu.memory_space<vmem>>, vector<16xf32>,
      %get3A_197 = arith.constant 1 : i32
      %get3A_198 = arith.index_cast %get3A_197 : i32 to index
      %get3A_199 = arith.index_cast %mul3A_192 : i32 to index
      %get3A_200 = tpu.vector_load %arg8[%get3A_198, %get3A_199] {strides = array<i32>} : memref<16x640xf32, #tpu.memory_space<vmem>>, vector<16xf32>,
      %add3A_201 = arith.addf %get3A_196, %get3A_200 : vector<16xf32>
      %get3A_202 = arith.constant 2 : i32
      %get3A_203 = arith.index_cast %get3A_202 : i32 to index
      %get3A_204 = arith.index_cast %mul3A_192 : i32 to index
      %get3A_205 = tpu.vector_load %arg8[%get3A_203, %get3A_204] {strides = array<i32>} : memref<16x640xf32, #tpu.memory_space<vmem>>, vector<16xf32>,
      %add3A_206 = arith.addf %add3A_201, %get3A_205 : vector<16xf32>
      %get3A_207 = arith.constant 3 : i32
      %get3A_208 = arith.index_cast %get3A_207 : i32 to index
      %get3A_209 = arith.index_cast %mul3A_192 : i32 to index
      %get3A_210 = tpu.vector_load %arg8[%get3A_208, %get3A_209] {strides = array<i32>} : memref<16x640xf32, #tpu.memory_space<vmem>>, vector<16xf32>,
      %add3A_211 = arith.addf %add3A_206, %get3A_210 : vector<16xf32>
      %get3A_212 = arith.constant 4 : i32
      %get3A_213 = arith.index_cast %get3A_212 : i32 to index
      %get3A_214 = arith.index_cast %mul3A_192 : i32 to index
      %get3A_215 = tpu.vector_load %arg8[%get3A_213, %get3A_214] {strides = array<i32>} : memref<16x640xf32, #tpu.memory_space<vmem>>, vector<16xf32>,
      %add3A_216 = arith.addf %add3A_211, %get3A_215 : vector<16xf32>
      %get3A_217 = arith.constant 5 : i32
      %get3A_218 = arith.index_cast %get3A_217 : i32 to index
      %get3A_219 = arith.index_cast %mul3A_192 : i32 to index
      %get3A_220 = tpu.vector_load %arg8[%get3A_218, %get3A_219] {strides = array<i32>} : memref<16x640xf32, #tpu.memory_space<vmem>>, vector<16xf32>,
      %add3A_221 = arith.addf %add3A_216, %get3A_220 : vector<16xf32>
      %get3A_222 = arith.constant 6 : i32
      %get3A_223 = arith.index_cast %get3A_222 : i32 to index
      %get3A_224 = arith.index_cast %mul3A_192 : i32 to index
      %get3A_225 = tpu.vector_load %arg8[%get3A_223, %get3A_224] {strides = array<i32>} : memref<16x640xf32, #tpu.memory_space<vmem>>, vector<16xf32>,
      %add3A_226 = arith.addf %add3A_221, %get3A_225 : vector<16xf32>
      %get3A_227 = arith.constant 7 : i32
      %get3A_228 = arith.index_cast %get3A_227 : i32 to index
      %get3A_229 = arith.index_cast %mul3A_192 : i32 to index
      %get3A_230 = tpu.vector_load %arg8[%get3A_228, %get3A_229] {strides = array<i32>} : memref<16x640xf32, #tpu.memory_space<vmem>>, vector<16xf32>,
      %add3A_231 = arith.addf %add3A_226, %get3A_230 : vector<16xf32>
      %get3A_232 = arith.constant 8 : i32
      %get3A_233 = arith.index_cast %get3A_232 : i32 to index
      %get3A_234 = arith.index_cast %mul3A_192 : i32 to index
      %get3A_235 = tpu.vector_load %arg8[%get3A_233, %get3A_234] {strides = array<i32>} : memref<16x640xf32, #tpu.memory_space<vmem>>, vector<16xf32>,
      %add3A_236 = arith.addf %add3A_231, %get3A_235 : vector<16xf32>
      %get3A_237 = arith.constant 9 : i32
      %get3A_238 = arith.index_cast %get3A_237 : i32 to index
      %get3A_239 = arith.index_cast %mul3A_192 : i32 to index
      %get3A_240 = tpu.vector_load %arg8[%get3A_238, %get3A_239] {strides = array<i32>} : memref<16x640xf32, #tpu.memory_space<vmem>>, vector<16xf32>,
      %add3A_241 = arith.addf %add3A_236, %get3A_240 : vector<16xf32>
      %get3A_242 = arith.constant 10 : i32
      %get3A_243 = arith.index_cast %get3A_242 : i32 to index
      %get3A_244 = arith.index_cast %mul3A_192 : i32 to index
      %get3A_245 = tpu.vector_load %arg8[%get3A_243, %get3A_244] {strides = array<i32>} : memref<16x640xf32, #tpu.memory_space<vmem>>, vector<16xf32>,
      %add3A_246 = arith.addf %add3A_241, %get3A_245 : vector<16xf32>
      %get3A_247 = arith.constant 11 : i32
      %get3A_248 = arith.index_cast %get3A_247 : i32 to index
      %get3A_249 = arith.index_cast %mul3A_192 : i32 to index
      %get3A_250 = tpu.vector_load %arg8[%get3A_248, %get3A_249] {strides = array<i32>} : memref<16x640xf32, #tpu.memory_space<vmem>>, vector<16xf32>,
      %add3A_251 = arith.addf %add3A_246, %get3A_250 : vector<16xf32>
      %get3A_252 = arith.constant 12 : i32
      %get3A_253 = arith.index_cast %get3A_252 : i32 to index
      %get3A_254 = arith.index_cast %mul3A_192 : i32 to index
      %get3A_255 = tpu.vector_load %arg8[%get3A_253, %get3A_254] {strides = array<i32>} : memref<16x640xf32, #tpu.memory_space<vmem>>, vector<16xf32>,
      %add3A_256 = arith.addf %add3A_251, %get3A_255 : vector<16xf32>
      %get3A_257 = arith.constant 13 : i32
      %get3A_258 = arith.index_cast %get3A_257 : i32 to index
      %get3A_259 = arith.index_cast %mul3A_192 : i32 to index
      %get3A_260 = tpu.vector_load %arg8[%get3A_258, %get3A_259] {strides = array<i32>} : memref<16x640xf32, #tpu.memory_space<vmem>>, vector<16xf32>,
      %add3A_261 = arith.addf %add3A_256, %get3A_260 : vector<16xf32>
      %get3A_262 = arith.constant 14 : i32
      %get3A_263 = arith.index_cast %get3A_262 : i32 to index
      %get3A_264 = arith.index_cast %mul3A_192 : i32 to index
      %get3A_265 = tpu.vector_load %arg8[%get3A_263, %get3A_264] {strides = array<i32>} : memref<16x640xf32, #tpu.memory_space<vmem>>, vector<16xf32>,
      %add3A_266 = arith.addf %add3A_261, %get3A_265 : vector<16xf32>
      %get3A_267 = arith.constant 15 : i32
      %get3A_268 = arith.index_cast %get3A_267 : i32 to index
      %get3A_269 = arith.index_cast %mul3A_192 : i32 to index
      %get3A_270 = tpu.vector_load %arg8[%get3A_268, %get3A_269] {strides = array<i32>} : memref<16x640xf32, #tpu.memory_space<vmem>>, vector<16xf32>,
      %add3A_271 = arith.addf %add3A_266, %get3A_270 : vector<16xf32>
      %add3A_272 = arith.constant 1.000000e+00 : f32
      %add3A_273 = vector.broadcast %add3A_272 : f32 to vector<16xf32>
      %add3A_274 = arith.addf %add3A_271, %add3A_273 : vector<16xf32>
      %bitcast3A_275 = vector.bitcast %add3A_274 : vector<16xf32> to vector<16xi32>
      %shift_right_arithmetic3A_276 = arith.constant 1 : i32
      %shift_right_arithmetic3A_277 = vector.broadcast %shift_right_arithmetic3A_276 : i32 to vector<16xi32>
      %shift_right_arithmetic3A_278 = arith.shrsi %bitcast3A_275, %shift_right_arithmetic3A_277 : vector<16xi32>
      %sub3A_279 = arith.constant 1597463007 : i32
      %sub3A_280 = vector.broadcast %sub3A_279 : i32 to vector<16xi32>
      %sub3A_281 = arith.subi %sub3A_280, %shift_right_arithmetic3A_278 : vector<16xi32>
      %bitcast3A_282 = vector.bitcast %sub3A_281 : vector<16xi32> to vector<16xf32>
      %mul3A_283 = arith.constant 5.000000e-01 : f32
      %mul3A_284 = vector.broadcast %mul3A_283 : f32 to vector<16xf32>
      %mul3A_285 = arith.mulf %add3A_274, %mul3A_284 : vector<16xf32>
      %mul3A_286 = arith.mulf %mul3A_285, %bitcast3A_282 : vector<16xf32>
      %mul3A_287 = arith.mulf %mul3A_286, %bitcast3A_282 : vector<16xf32>
      %sub3A_288 = arith.constant 1.500000e+00 : f32
      %sub3A_289 = vector.broadcast %sub3A_288 : f32 to vector<16xf32>
      %sub3A_290 = arith.subf %sub3A_289, %mul3A_287 : vector<16xf32>
      %mul3A_291 = arith.mulf %bitcast3A_282, %sub3A_290 : vector<16xf32>
      %mul3A_292 = arith.mulf %mul3A_285, %mul3A_291 : vector<16xf32>
      %mul3A_293 = arith.mulf %mul3A_292, %mul3A_291 : vector<16xf32>
      %sub3A_294 = arith.constant 1.500000e+00 : f32
      %sub3A_295 = vector.broadcast %sub3A_294 : f32 to vector<16xf32>
      %sub3A_296 = arith.subf %sub3A_295, %mul3A_293 : vector<16xf32>
      %mul3A_297 = arith.mulf %mul3A_291, %sub3A_296 : vector<16xf32>
      %mul3A_298 = arith.mulf %mul3A_285, %mul3A_297 : vector<16xf32>
      %mul3A_299 = arith.mulf %mul3A_298, %mul3A_297 : vector<16xf32>
      %sub3A_300 = arith.constant 1.500000e+00 : f32
      %sub3A_301 = vector.broadcast %sub3A_300 : f32 to vector<16xf32>
      %sub3A_302 = arith.subf %sub3A_301, %mul3A_299 : vector<16xf32>
      %mul3A_303 = arith.mulf %mul3A_297, %sub3A_302 : vector<16xf32>
      %swap3A_304 = arith.index_cast %mul3A_192 : i32 to index
      %swap3A_305 = tpu.vector_load %arg9[%swap3A_304] {strides = array<i32>} : memref<640xf32, #tpu.memory_space<vmem>>, vector<16xf32>,
      tpu.vector_store %arg9[%swap3A_304], %mul3A_303 {strides = array<i32>} : memref<640xf32, #tpu.memory_space<vmem>>, vector<16xf32>,
      %scan3A_306 = arith.constant 2 : i32
      %scan3A_307 = arith.addi %scan3A_77, %scan3A_306 : i32
      %mul3A_308 = arith.constant 16 : i32
      %mul3A_309 = arith.muli %scan3A_307, %mul3A_308 : i32
      %get3A_310 = arith.constant 0 : i32
      %get3A_311 = arith.index_cast %get3A_310 : i32 to index
      %get3A_312 = arith.index_cast %mul3A_309 : i32 to index
      %get3A_313 = tpu.vector_load %arg8[%get3A_311, %get3A_312] {strides = array<i32>} : memref<16x640xf32, #tpu.memory_space<vmem>>, vector<16xf32>,
      %get3A_314 = arith.constant 1 : i32
      %get3A_315 = arith.index_cast %get3A_314 : i32 to index
      %get3A_316 = arith.index_cast %mul3A_309 : i32 to index
      %get3A_317 = tpu.vector_load %arg8[%get3A_315, %get3A_316] {strides = array<i32>} : memref<16x640xf32, #tpu.memory_space<vmem>>, vector<16xf32>,
      %add3A_318 = arith.addf %get3A_313, %get3A_317 : vector<16xf32>
      %get3A_319 = arith.constant 2 : i32
      %get3A_320 = arith.index_cast %get3A_319 : i32 to index
      %get3A_321 = arith.index_cast %mul3A_309 : i32 to index
      %get3A_322 = tpu.vector_load %arg8[%get3A_320, %get3A_321] {strides = array<i32>} : memref<16x640xf32, #tpu.memory_space<vmem>>, vector<16xf32>,
      %add3A_323 = arith.addf %add3A_318, %get3A_322 : vector<16xf32>
      %get3A_324 = arith.constant 3 : i32
      %get3A_325 = arith.index_cast %get3A_324 : i32 to index
      %get3A_326 = arith.index_cast %mul3A_309 : i32 to index
      %get3A_327 = tpu.vector_load %arg8[%get3A_325, %get3A_326] {strides = array<i32>} : memref<16x640xf32, #tpu.memory_space<vmem>>, vector<16xf32>,
      %add3A_328 = arith.addf %add3A_323, %get3A_327 : vector<16xf32>
      %get3A_329 = arith.constant 4 : i32
      %get3A_330 = arith.index_cast %get3A_329 : i32 to index
      %get3A_331 = arith.index_cast %mul3A_309 : i32 to index
      %get3A_332 = tpu.vector_load %arg8[%get3A_330, %get3A_331] {strides = array<i32>} : memref<16x640xf32, #tpu.memory_space<vmem>>, vector<16xf32>,
      %add3A_333 = arith.addf %add3A_328, %get3A_332 : vector<16xf32>
      %get3A_334 = arith.constant 5 : i32
      %get3A_335 = arith.index_cast %get3A_334 : i32 to index
      %get3A_336 = arith.index_cast %mul3A_309 : i32 to index
      %get3A_337 = tpu.vector_load %arg8[%get3A_335, %get3A_336] {strides = array<i32>} : memref<16x640xf32, #tpu.memory_space<vmem>>, vector<16xf32>,
      %add3A_338 = arith.addf %add3A_333, %get3A_337 : vector<16xf32>
      %get3A_339 = arith.constant 6 : i32
      %get3A_340 = arith.index_cast %get3A_339 : i32 to index
      %get3A_341 = arith.index_cast %mul3A_309 : i32 to index
      %get3A_342 = tpu.vector_load %arg8[%get3A_340, %get3A_341] {strides = array<i32>} : memref<16x640xf32, #tpu.memory_space<vmem>>, vector<16xf32>,
      %add3A_343 = arith.addf %add3A_338, %get3A_342 : vector<16xf32>
      %get3A_344 = arith.constant 7 : i32
      %get3A_345 = arith.index_cast %get3A_344 : i32 to index
      %get3A_346 = arith.index_cast %mul3A_309 : i32 to index
      %get3A_347 = tpu.vector_load %arg8[%get3A_345, %get3A_346] {strides = array<i32>} : memref<16x640xf32, #tpu.memory_space<vmem>>, vector<16xf32>,
      %add3A_348 = arith.addf %add3A_343, %get3A_347 : vector<16xf32>
      %get3A_349 = arith.constant 8 : i32
      %get3A_350 = arith.index_cast %get3A_349 : i32 to index
      %get3A_351 = arith.index_cast %mul3A_309 : i32 to index
      %get3A_352 = tpu.vector_load %arg8[%get3A_350, %get3A_351] {strides = array<i32>} : memref<16x640xf32, #tpu.memory_space<vmem>>, vector<16xf32>,
      %add3A_353 = arith.addf %add3A_348, %get3A_352 : vector<16xf32>
      %get3A_354 = arith.constant 9 : i32
      %get3A_355 = arith.index_cast %get3A_354 : i32 to index
      %get3A_356 = arith.index_cast %mul3A_309 : i32 to index
      %get3A_357 = tpu.vector_load %arg8[%get3A_355, %get3A_356] {strides = array<i32>} : memref<16x640xf32, #tpu.memory_space<vmem>>, vector<16xf32>,
      %add3A_358 = arith.addf %add3A_353, %get3A_357 : vector<16xf32>
      %get3A_359 = arith.constant 10 : i32
      %get3A_360 = arith.index_cast %get3A_359 : i32 to index
      %get3A_361 = arith.index_cast %mul3A_309 : i32 to index
      %get3A_362 = tpu.vector_load %arg8[%get3A_360, %get3A_361] {strides = array<i32>} : memref<16x640xf32, #tpu.memory_space<vmem>>, vector<16xf32>,
      %add3A_363 = arith.addf %add3A_358, %get3A_362 : vector<16xf32>
      %get3A_364 = arith.constant 11 : i32
      %get3A_365 = arith.index_cast %get3A_364 : i32 to index
      %get3A_366 = arith.index_cast %mul3A_309 : i32 to index
      %get3A_367 = tpu.vector_load %arg8[%get3A_365, %get3A_366] {strides = array<i32>} : memref<16x640xf32, #tpu.memory_space<vmem>>, vector<16xf32>,
      %add3A_368 = arith.addf %add3A_363, %get3A_367 : vector<16xf32>
      %get3A_369 = arith.constant 12 : i32
      %get3A_370 = arith.index_cast %get3A_369 : i32 to index
      %get3A_371 = arith.index_cast %mul3A_309 : i32 to index
      %get3A_372 = tpu.vector_load %arg8[%get3A_370, %get3A_371] {strides = array<i32>} : memref<16x640xf32, #tpu.memory_space<vmem>>, vector<16xf32>,
      %add3A_373 = arith.addf %add3A_368, %get3A_372 : vector<16xf32>
      %get3A_374 = arith.constant 13 : i32
      %get3A_375 = arith.index_cast %get3A_374 : i32 to index
      %get3A_376 = arith.index_cast %mul3A_309 : i32 to index
      %get3A_377 = tpu.vector_load %arg8[%get3A_375, %get3A_376] {strides = array<i32>} : memref<16x640xf32, #tpu.memory_space<vmem>>, vector<16xf32>,
      %add3A_378 = arith.addf %add3A_373, %get3A_377 : vector<16xf32>
      %get3A_379 = arith.constant 14 : i32
      %get3A_380 = arith.index_cast %get3A_379 : i32 to index
      %get3A_381 = arith.index_cast %mul3A_309 : i32 to index
      %get3A_382 = tpu.vector_load %arg8[%get3A_380, %get3A_381] {strides = array<i32>} : memref<16x640xf32, #tpu.memory_space<vmem>>, vector<16xf32>,
      %add3A_383 = arith.addf %add3A_378, %get3A_382 : vector<16xf32>
      %get3A_384 = arith.constant 15 : i32
      %get3A_385 = arith.index_cast %get3A_384 : i32 to index
      %get3A_386 = arith.index_cast %mul3A_309 : i32 to index
      %get3A_387 = tpu.vector_load %arg8[%get3A_385, %get3A_386] {strides = array<i32>} : memref<16x640xf32, #tpu.memory_space<vmem>>, vector<16xf32>,
      %add3A_388 = arith.addf %add3A_383, %get3A_387 : vector<16xf32>
      %add3A_389 = arith.constant 1.000000e+00 : f32
      %add3A_390 = vector.broadcast %add3A_389 : f32 to vector<16xf32>
      %add3A_391 = arith.addf %add3A_388, %add3A_390 : vector<16xf32>
      %bitcast3A_392 = vector.bitcast %add3A_391 : vector<16xf32> to vector<16xi32>
      %shift_right_arithmetic3A_393 = arith.constant 1 : i32
      %shift_right_arithmetic3A_394 = vector.broadcast %shift_right_arithmetic3A_393 : i32 to vector<16xi32>
      %shift_right_arithmetic3A_395 = arith.shrsi %bitcast3A_392, %shift_right_arithmetic3A_394 : vector<16xi32>
      %sub3A_396 = arith.constant 1597463007 : i32
      %sub3A_397 = vector.broadcast %sub3A_396 : i32 to vector<16xi32>
      %sub3A_398 = arith.subi %sub3A_397, %shift_right_arithmetic3A_395 : vector<16xi32>
      %bitcast3A_399 = vector.bitcast %sub3A_398 : vector<16xi32> to vector<16xf32>
      %mul3A_400 = arith.constant 5.000000e-01 : f32
      %mul3A_401 = vector.broadcast %mul3A_400 : f32 to vector<16xf32>
      %mul3A_402 = arith.mulf %add3A_391, %mul3A_401 : vector<16xf32>
      %mul3A_403 = arith.mulf %mul3A_402, %bitcast3A_399 : vector<16xf32>
      %mul3A_404 = arith.mulf %mul3A_403, %bitcast3A_399 : vector<16xf32>
      %sub3A_405 = arith.constant 1.500000e+00 : f32
      %sub3A_406 = vector.broadcast %sub3A_405 : f32 to vector<16xf32>
      %sub3A_407 = arith.subf %sub3A_406, %mul3A_404 : vector<16xf32>
      %mul3A_408 = arith.mulf %bitcast3A_399, %sub3A_407 : vector<16xf32>
      %mul3A_409 = arith.mulf %mul3A_402, %mul3A_408 : vector<16xf32>
      %mul3A_410 = arith.mulf %mul3A_409, %mul3A_408 : vector<16xf32>
      %sub3A_411 = arith.constant 1.500000e+00 : f32
      %sub3A_412 = vector.broadcast %sub3A_411 : f32 to vector<16xf32>
      %sub3A_413 = arith.subf %sub3A_412, %mul3A_410 : vector<16xf32>
      %mul3A_414 = arith.mulf %mul3A_408, %sub3A_413 : vector<16xf32>
      %mul3A_415 = arith.mulf %mul3A_402, %mul3A_414 : vector<16xf32>
      %mul3A_416 = arith.mulf %mul3A_415, %mul3A_414 : vector<16xf32>
      %sub3A_417 = arith.constant 1.500000e+00 : f32
      %sub3A_418 = vector.broadcast %sub3A_417 : f32 to vector<16xf32>
      %sub3A_419 = arith.subf %sub3A_418, %mul3A_416 : vector<16xf32>
      %mul3A_420 = arith.mulf %mul3A_414, %sub3A_419 : vector<16xf32>
      %swap3A_421 = arith.index_cast %mul3A_309 : i32 to index
      %swap3A_422 = tpu.vector_load %arg9[%swap3A_421] {strides = array<i32>} : memref<640xf32, #tpu.memory_space<vmem>>, vector<16xf32>,
      tpu.vector_store %arg9[%swap3A_421], %mul3A_420 {strides = array<i32>} : memref<640xf32, #tpu.memory_space<vmem>>, vector<16xf32>,
      %scan3A_423 = arith.constant 3 : i32
      %scan3A_424 = arith.addi %scan3A_77, %scan3A_423 : i32
      %mul3A_425 = arith.constant 16 : i32
      %mul3A_426 = arith.muli %scan3A_424, %mul3A_425 : i32
      %get3A_427 = arith.constant 0 : i32
      %get3A_428 = arith.index_cast %get3A_427 : i32 to index
      %get3A_429 = arith.index_cast %mul3A_426 : i32 to index
      %get3A_430 = tpu.vector_load %arg8[%get3A_428, %get3A_429] {strides = array<i32>} : memref<16x640xf32, #tpu.memory_space<vmem>>, vector<16xf32>,
      %get3A_431 = arith.constant 1 : i32
      %get3A_432 = arith.index_cast %get3A_431 : i32 to index
      %get3A_433 = arith.index_cast %mul3A_426 : i32 to index
      %get3A_434 = tpu.vector_load %arg8[%get3A_432, %get3A_433] {strides = array<i32>} : memref<16x640xf32, #tpu.memory_space<vmem>>, vector<16xf32>,
      %add3A_435 = arith.addf %get3A_430, %get3A_434 : vector<16xf32>
      %get3A_436 = arith.constant 2 : i32
      %get3A_437 = arith.index_cast %get3A_436 : i32 to index
      %get3A_438 = arith.index_cast %mul3A_426 : i32 to index
      %get3A_439 = tpu.vector_load %arg8[%get3A_437, %get3A_438] {strides = array<i32>} : memref<16x640xf32, #tpu.memory_space<vmem>>, vector<16xf32>,
      %add3A_440 = arith.addf %add3A_435, %get3A_439 : vector<16xf32>
      %get3A_441 = arith.constant 3 : i32
      %get3A_442 = arith.index_cast %get3A_441 : i32 to index
      %get3A_443 = arith.index_cast %mul3A_426 : i32 to index
      %get3A_444 = tpu.vector_load %arg8[%get3A_442, %get3A_443] {strides = array<i32>} : memref<16x640xf32, #tpu.memory_space<vmem>>, vector<16xf32>,
      %add3A_445 = arith.addf %add3A_440, %get3A_444 : vector<16xf32>
      %get3A_446 = arith.constant 4 : i32
      %get3A_447 = arith.index_cast %get3A_446 : i32 to index
      %get3A_448 = arith.index_cast %mul3A_426 : i32 to index
      %get3A_449 = tpu.vector_load %arg8[%get3A_447, %get3A_448] {strides = array<i32>} : memref<16x640xf32, #tpu.memory_space<vmem>>, vector<16xf32>,
      %add3A_450 = arith.addf %add3A_445, %get3A_449 : vector<16xf32>
      %get3A_451 = arith.constant 5 : i32
      %get3A_452 = arith.index_cast %get3A_451 : i32 to index
      %get3A_453 = arith.index_cast %mul3A_426 : i32 to index
      %get3A_454 = tpu.vector_load %arg8[%get3A_452, %get3A_453] {strides = array<i32>} : memref<16x640xf32, #tpu.memory_space<vmem>>, vector<16xf32>,
      %add3A_455 = arith.addf %add3A_450, %get3A_454 : vector<16xf32>
      %get3A_456 = arith.constant 6 : i32
      %get3A_457 = arith.index_cast %get3A_456 : i32 to index
      %get3A_458 = arith.index_cast %mul3A_426 : i32 to index
      %get3A_459 = tpu.vector_load %arg8[%get3A_457, %get3A_458] {strides = array<i32>} : memref<16x640xf32, #tpu.memory_space<vmem>>, vector<16xf32>,
      %add3A_460 = arith.addf %add3A_455, %get3A_459 : vector<16xf32>
      %get3A_461 = arith.constant 7 : i32
      %get3A_462 = arith.index_cast %get3A_461 : i32 to index
      %get3A_463 = arith.index_cast %mul3A_426 : i32 to index
      %get3A_464 = tpu.vector_load %arg8[%get3A_462, %get3A_463] {strides = array<i32>} : memref<16x640xf32, #tpu.memory_space<vmem>>, vector<16xf32>,
      %add3A_465 = arith.addf %add3A_460, %get3A_464 : vector<16xf32>
      %get3A_466 = arith.constant 8 : i32
      %get3A_467 = arith.index_cast %get3A_466 : i32 to index
      %get3A_468 = arith.index_cast %mul3A_426 : i32 to index
      %get3A_469 = tpu.vector_load %arg8[%get3A_467, %get3A_468] {strides = array<i32>} : memref<16x640xf32, #tpu.memory_space<vmem>>, vector<16xf32>,
      %add3A_470 = arith.addf %add3A_465, %get3A_469 : vector<16xf32>
      %get3A_471 = arith.constant 9 : i32
      %get3A_472 = arith.index_cast %get3A_471 : i32 to index
      %get3A_473 = arith.index_cast %mul3A_426 : i32 to index
      %get3A_474 = tpu.vector_load %arg8[%get3A_472, %get3A_473] {strides = array<i32>} : memref<16x640xf32, #tpu.memory_space<vmem>>, vector<16xf32>,
      %add3A_475 = arith.addf %add3A_470, %get3A_474 : vector<16xf32>
      %get3A_476 = arith.constant 10 : i32
      %get3A_477 = arith.index_cast %get3A_476 : i32 to index
      %get3A_478 = arith.index_cast %mul3A_426 : i32 to index
      %get3A_479 = tpu.vector_load %arg8[%get3A_477, %get3A_478] {strides = array<i32>} : memref<16x640xf32, #tpu.memory_space<vmem>>, vector<16xf32>,
      %add3A_480 = arith.addf %add3A_475, %get3A_479 : vector<16xf32>
      %get3A_481 = arith.constant 11 : i32
      %get3A_482 = arith.index_cast %get3A_481 : i32 to index
      %get3A_483 = arith.index_cast %mul3A_426 : i32 to index
      %get3A_484 = tpu.vector_load %arg8[%get3A_482, %get3A_483] {strides = array<i32>} : memref<16x640xf32, #tpu.memory_space<vmem>>, vector<16xf32>,
      %add3A_485 = arith.addf %add3A_480, %get3A_484 : vector<16xf32>
      %get3A_486 = arith.constant 12 : i32
      %get3A_487 = arith.index_cast %get3A_486 : i32 to index
      %get3A_488 = arith.index_cast %mul3A_426 : i32 to index
      %get3A_489 = tpu.vector_load %arg8[%get3A_487, %get3A_488] {strides = array<i32>} : memref<16x640xf32, #tpu.memory_space<vmem>>, vector<16xf32>,
      %add3A_490 = arith.addf %add3A_485, %get3A_489 : vector<16xf32>
      %get3A_491 = arith.constant 13 : i32
      %get3A_492 = arith.index_cast %get3A_491 : i32 to index
      %get3A_493 = arith.index_cast %mul3A_426 : i32 to index
      %get3A_494 = tpu.vector_load %arg8[%get3A_492, %get3A_493] {strides = array<i32>} : memref<16x640xf32, #tpu.memory_space<vmem>>, vector<16xf32>,
      %add3A_495 = arith.addf %add3A_490, %get3A_494 : vector<16xf32>
      %get3A_496 = arith.constant 14 : i32
      %get3A_497 = arith.index_cast %get3A_496 : i32 to index
      %get3A_498 = arith.index_cast %mul3A_426 : i32 to index
      %get3A_499 = tpu.vector_load %arg8[%get3A_497, %get3A_498] {strides = array<i32>} : memref<16x640xf32, #tpu.memory_space<vmem>>, vector<16xf32>,
      %add3A_500 = arith.addf %add3A_495, %get3A_499 : vector<16xf32>
      %get3A_501 = arith.constant 15 : i32
      %get3A_502 = arith.index_cast %get3A_501 : i32 to index
      %get3A_503 = arith.index_cast %mul3A_426 : i32 to index
      %get3A_504 = tpu.vector_load %arg8[%get3A_502, %get3A_503] {strides = array<i32>} : memref<16x640xf32, #tpu.memory_space<vmem>>, vector<16xf32>,
      %add3A_505 = arith.addf %add3A_500, %get3A_504 : vector<16xf32>
      %add3A_506 = arith.constant 1.000000e+00 : f32
      %add3A_507 = vector.broadcast %add3A_506 : f32 to vector<16xf32>
      %add3A_508 = arith.addf %add3A_505, %add3A_507 : vector<16xf32>
      %bitcast3A_509 = vector.bitcast %add3A_508 : vector<16xf32> to vector<16xi32>
      %shift_right_arithmetic3A_510 = arith.constant 1 : i32
      %shift_right_arithmetic3A_511 = vector.broadcast %shift_right_arithmetic3A_510 : i32 to vector<16xi32>
      %shift_right_arithmetic3A_512 = arith.shrsi %bitcast3A_509, %shift_right_arithmetic3A_511 : vector<16xi32>
      %sub3A_513 = arith.constant 1597463007 : i32
      %sub3A_514 = vector.broadcast %sub3A_513 : i32 to vector<16xi32>
      %sub3A_515 = arith.subi %sub3A_514, %shift_right_arithmetic3A_512 : vector<16xi32>
      %bitcast3A_516 = vector.bitcast %sub3A_515 : vector<16xi32> to vector<16xf32>
      %mul3A_517 = arith.constant 5.000000e-01 : f32
      %mul3A_518 = vector.broadcast %mul3A_517 : f32 to vector<16xf32>
      %mul3A_519 = arith.mulf %add3A_508, %mul3A_518 : vector<16xf32>
      %mul3A_520 = arith.mulf %mul3A_519, %bitcast3A_516 : vector<16xf32>
      %mul3A_521 = arith.mulf %mul3A_520, %bitcast3A_516 : vector<16xf32>
      %sub3A_522 = arith.constant 1.500000e+00 : f32
      %sub3A_523 = vector.broadcast %sub3A_522 : f32 to vector<16xf32>
      %sub3A_524 = arith.subf %sub3A_523, %mul3A_521 : vector<16xf32>
      %mul3A_525 = arith.mulf %bitcast3A_516, %sub3A_524 : vector<16xf32>
      %mul3A_526 = arith.mulf %mul3A_519, %mul3A_525 : vector<16xf32>
      %mul3A_527 = arith.mulf %mul3A_526, %mul3A_525 : vector<16xf32>
      %sub3A_528 = arith.constant 1.500000e+00 : f32
      %sub3A_529 = vector.broadcast %sub3A_528 : f32 to vector<16xf32>
      %sub3A_530 = arith.subf %sub3A_529, %mul3A_527 : vector<16xf32>
      %mul3A_531 = arith.mulf %mul3A_525, %sub3A_530 : vector<16xf32>
      %mul3A_532 = arith.mulf %mul3A_519, %mul3A_531 : vector<16xf32>
      %mul3A_533 = arith.mulf %mul3A_532, %mul3A_531 : vector<16xf32>
      %sub3A_534 = arith.constant 1.500000e+00 : f32
      %sub3A_535 = vector.broadcast %sub3A_534 : f32 to vector<16xf32>
      %sub3A_536 = arith.subf %sub3A_535, %mul3A_533 : vector<16xf32>
      %mul3A_537 = arith.mulf %mul3A_531, %sub3A_536 : vector<16xf32>
      %swap3A_538 = arith.index_cast %mul3A_426 : i32 to index
      %swap3A_539 = tpu.vector_load %arg9[%swap3A_538] {strides = array<i32>} : memref<640xf32, #tpu.memory_space<vmem>>, vector<16xf32>,
      tpu.vector_store %arg9[%swap3A_538], %mul3A_537 {strides = array<i32>} : memref<640xf32, #tpu.memory_space<vmem>>, vector<16xf32>,
    }
    %scan3A_45 = arith.constant 40 : i32
    "tpu.region"() ({
      %run_scoped3A_77 = tpu.sem_alloc : memref<!tpu.dma_semaphore, #tpu.memory_space<semaphore_mem>>
      %dma_start3A_78 = arith.constant 0 : i32
      %dma_start3A_79 = tpu.memref_slice %arg3[%mul3A_2, %dma_start3A_78] : memref<10240x16xf32, #tpu.memory_space<hbm>> -> memref<640x16xf32, #tpu.memory_space<hbm>>
      %dma_start3A_80 = arith.constant 0 : i32
      %dma_start3A_81 = tpu.memref_slice %arg3[%mul3A_2, %dma_start3A_80] : memref<10240x16xf32, #tpu.memory_space<hbm>> -> memref<640x16xf32, #tpu.memory_space<hbm>>
      tpu.enqueue_dma source(%dma_start3A_81 : memref<640x16xf32, #tpu.memory_space<hbm>>) target(%arg10 : memref<640x16xf32, #tpu.memory_space<vmem>>) target_semaphore(%run_scoped3A_77 : memref<!tpu.dma_semaphore, #tpu.memory_space<semaphore_mem>>)
      %dma_wait3A = arith.constant 0 : i32
      %dma_wait3A_82 = tpu.memref_slice %arg3[%mul3A_2, %dma_wait3A] : memref<10240x16xf32, #tpu.memory_space<hbm>> -> memref<640x16xf32, #tpu.memory_space<hbm>>
      %dma_wait3A_83 = arith.constant 0 : i32
      %dma_wait3A_84 = tpu.memref_slice %arg3[%mul3A_2, %dma_wait3A_83] : memref<10240x16xf32, #tpu.memory_space<hbm>> -> memref<640x16xf32, #tpu.memory_space<hbm>>
      tpu.wait_dma2 semaphore(%run_scoped3A_77 : memref<!tpu.dma_semaphore, #tpu.memory_space<semaphore_mem>>) src(%dma_wait3A_84 : memref<640x16xf32, #tpu.memory_space<hbm>>) dst(%arg10 : memref<640x16xf32, #tpu.memory_space<vmem>>)
      tpu.yield
    }) : () -> ()
    %scan3A_46 = arith.constant 0 : i32
    %scan3A_47 = arith.constant 0 : i32
    %scan3A_48 = arith.constant 640 : i32
    %scan3A_49 = arith.addi %scan3A_47, %scan3A_48 : i32
    %scan3A_50 = arith.constant 8 : i32
    scf.for %scan3A_77 = %scan3A_47 to %scan3A_49 step %scan3A_50  : i32 {
      %broadcast_in_dim3A_78 = vector.broadcast %scan3A_77 : i32 to vector<16xi32>
      %gather3A = tpu.vector_load_idx %arg9[%broadcast_in_dim3A_78] : memref<640xf32, #tpu.memory_space<vmem>>[vector<16xi32>], vector<16xf32>,
      %get3A_79 = arith.index_cast %scan3A_77 : i32 to index
      %get3A_80 = arith.constant 0 : index
      %get3A_81 = tpu.vector_load %arg10[%get3A_79, %get3A_80] {strides = array<i32>} : memref<640x16xf32, #tpu.memory_space<vmem>>, vector<16xf32>,
      %mul3A_82 = arith.mulf %get3A_81, %gather3A : vector<16xf32>
      %swap3A = arith.index_cast %scan3A_77 : i32 to index
      %swap3A_83 = arith.constant 0 : index
      %swap3A_84 = tpu.vector_load %arg10[%swap3A, %swap3A_83] {strides = array<i32>} : memref<640x16xf32, #tpu.memory_space<vmem>>, vector<16xf32>,
      tpu.vector_store %arg10[%swap3A, %swap3A_83], %mul3A_82 {strides = array<i32>} : memref<640x16xf32, #tpu.memory_space<vmem>>, vector<16xf32>,
      %scan3A_85 = arith.constant 1 : i32
      %scan3A_86 = arith.addi %scan3A_77, %scan3A_85 : i32
      %broadcast_in_dim3A_87 = vector.broadcast %scan3A_86 : i32 to vector<16xi32>
      %gather3A_88 = tpu.vector_load_idx %arg9[%broadcast_in_dim3A_87] : memref<640xf32, #tpu.memory_space<vmem>>[vector<16xi32>], vector<16xf32>,
      %get3A_89 = arith.index_cast %scan3A_86 : i32 to index
      %get3A_90 = arith.constant 0 : index
      %get3A_91 = tpu.vector_load %arg10[%get3A_89, %get3A_90] {strides = array<i32>} : memref<640x16xf32, #tpu.memory_space<vmem>>, vector<16xf32>,
      %mul3A_92 = arith.mulf %get3A_91, %gather3A_88 : vector<16xf32>
      %swap3A_93 = arith.index_cast %scan3A_86 : i32 to index
      %swap3A_94 = arith.constant 0 : index
      %swap3A_95 = tpu.vector_load %arg10[%swap3A_93, %swap3A_94] {strides = array<i32>} : memref<640x16xf32, #tpu.memory_space<vmem>>, vector<16xf32>,
      tpu.vector_store %arg10[%swap3A_93, %swap3A_94], %mul3A_92 {strides = array<i32>} : memref<640x16xf32, #tpu.memory_space<vmem>>, vector<16xf32>,
      %scan3A_96 = arith.constant 2 : i32
      %scan3A_97 = arith.addi %scan3A_77, %scan3A_96 : i32
      %broadcast_in_dim3A_98 = vector.broadcast %scan3A_97 : i32 to vector<16xi32>
      %gather3A_99 = tpu.vector_load_idx %arg9[%broadcast_in_dim3A_98] : memref<640xf32, #tpu.memory_space<vmem>>[vector<16xi32>], vector<16xf32>,
      %get3A_100 = arith.index_cast %scan3A_97 : i32 to index
      %get3A_101 = arith.constant 0 : index
      %get3A_102 = tpu.vector_load %arg10[%get3A_100, %get3A_101] {strides = array<i32>} : memref<640x16xf32, #tpu.memory_space<vmem>>, vector<16xf32>,
      %mul3A_103 = arith.mulf %get3A_102, %gather3A_99 : vector<16xf32>
      %swap3A_104 = arith.index_cast %scan3A_97 : i32 to index
      %swap3A_105 = arith.constant 0 : index
      %swap3A_106 = tpu.vector_load %arg10[%swap3A_104, %swap3A_105] {strides = array<i32>} : memref<640x16xf32, #tpu.memory_space<vmem>>, vector<16xf32>,
      tpu.vector_store %arg10[%swap3A_104, %swap3A_105], %mul3A_103 {strides = array<i32>} : memref<640x16xf32, #tpu.memory_space<vmem>>, vector<16xf32>,
      %scan3A_107 = arith.constant 3 : i32
      %scan3A_108 = arith.addi %scan3A_77, %scan3A_107 : i32
      %broadcast_in_dim3A_109 = vector.broadcast %scan3A_108 : i32 to vector<16xi32>
      %gather3A_110 = tpu.vector_load_idx %arg9[%broadcast_in_dim3A_109] : memref<640xf32, #tpu.memory_space<vmem>>[vector<16xi32>], vector<16xf32>,
      %get3A_111 = arith.index_cast %scan3A_108 : i32 to index
      %get3A_112 = arith.constant 0 : index
      %get3A_113 = tpu.vector_load %arg10[%get3A_111, %get3A_112] {strides = array<i32>} : memref<640x16xf32, #tpu.memory_space<vmem>>, vector<16xf32>,
      %mul3A_114 = arith.mulf %get3A_113, %gather3A_110 : vector<16xf32>
      %swap3A_115 = arith.index_cast %scan3A_108 : i32 to index
      %swap3A_116 = arith.constant 0 : index
      %swap3A_117 = tpu.vector_load %arg10[%swap3A_115, %swap3A_116] {strides = array<i32>} : memref<640x16xf32, #tpu.memory_space<vmem>>, vector<16xf32>,
      tpu.vector_store %arg10[%swap3A_115, %swap3A_116], %mul3A_114 {strides = array<i32>} : memref<640x16xf32, #tpu.memory_space<vmem>>, vector<16xf32>,
      %scan3A_118 = arith.constant 4 : i32
      %scan3A_119 = arith.addi %scan3A_77, %scan3A_118 : i32
      %broadcast_in_dim3A_120 = vector.broadcast %scan3A_119 : i32 to vector<16xi32>
      %gather3A_121 = tpu.vector_load_idx %arg9[%broadcast_in_dim3A_120] : memref<640xf32, #tpu.memory_space<vmem>>[vector<16xi32>], vector<16xf32>,
      %get3A_122 = arith.index_cast %scan3A_119 : i32 to index
      %get3A_123 = arith.constant 0 : index
      %get3A_124 = tpu.vector_load %arg10[%get3A_122, %get3A_123] {strides = array<i32>} : memref<640x16xf32, #tpu.memory_space<vmem>>, vector<16xf32>,
      %mul3A_125 = arith.mulf %get3A_124, %gather3A_121 : vector<16xf32>
      %swap3A_126 = arith.index_cast %scan3A_119 : i32 to index
      %swap3A_127 = arith.constant 0 : index
      %swap3A_128 = tpu.vector_load %arg10[%swap3A_126, %swap3A_127] {strides = array<i32>} : memref<640x16xf32, #tpu.memory_space<vmem>>, vector<16xf32>,
      tpu.vector_store %arg10[%swap3A_126, %swap3A_127], %mul3A_125 {strides = array<i32>} : memref<640x16xf32, #tpu.memory_space<vmem>>, vector<16xf32>,
      %scan3A_129 = arith.constant 5 : i32
      %scan3A_130 = arith.addi %scan3A_77, %scan3A_129 : i32
      %broadcast_in_dim3A_131 = vector.broadcast %scan3A_130 : i32 to vector<16xi32>
      %gather3A_132 = tpu.vector_load_idx %arg9[%broadcast_in_dim3A_131] : memref<640xf32, #tpu.memory_space<vmem>>[vector<16xi32>], vector<16xf32>,
      %get3A_133 = arith.index_cast %scan3A_130 : i32 to index
      %get3A_134 = arith.constant 0 : index
      %get3A_135 = tpu.vector_load %arg10[%get3A_133, %get3A_134] {strides = array<i32>} : memref<640x16xf32, #tpu.memory_space<vmem>>, vector<16xf32>,
      %mul3A_136 = arith.mulf %get3A_135, %gather3A_132 : vector<16xf32>
      %swap3A_137 = arith.index_cast %scan3A_130 : i32 to index
      %swap3A_138 = arith.constant 0 : index
      %swap3A_139 = tpu.vector_load %arg10[%swap3A_137, %swap3A_138] {strides = array<i32>} : memref<640x16xf32, #tpu.memory_space<vmem>>, vector<16xf32>,
      tpu.vector_store %arg10[%swap3A_137, %swap3A_138], %mul3A_136 {strides = array<i32>} : memref<640x16xf32, #tpu.memory_space<vmem>>, vector<16xf32>,
      %scan3A_140 = arith.constant 6 : i32
      %scan3A_141 = arith.addi %scan3A_77, %scan3A_140 : i32
      %broadcast_in_dim3A_142 = vector.broadcast %scan3A_141 : i32 to vector<16xi32>
      %gather3A_143 = tpu.vector_load_idx %arg9[%broadcast_in_dim3A_142] : memref<640xf32, #tpu.memory_space<vmem>>[vector<16xi32>], vector<16xf32>,
      %get3A_144 = arith.index_cast %scan3A_141 : i32 to index
      %get3A_145 = arith.constant 0 : index
      %get3A_146 = tpu.vector_load %arg10[%get3A_144, %get3A_145] {strides = array<i32>} : memref<640x16xf32, #tpu.memory_space<vmem>>, vector<16xf32>,
      %mul3A_147 = arith.mulf %get3A_146, %gather3A_143 : vector<16xf32>
      %swap3A_148 = arith.index_cast %scan3A_141 : i32 to index
      %swap3A_149 = arith.constant 0 : index
      %swap3A_150 = tpu.vector_load %arg10[%swap3A_148, %swap3A_149] {strides = array<i32>} : memref<640x16xf32, #tpu.memory_space<vmem>>, vector<16xf32>,
      tpu.vector_store %arg10[%swap3A_148, %swap3A_149], %mul3A_147 {strides = array<i32>} : memref<640x16xf32, #tpu.memory_space<vmem>>, vector<16xf32>,
      %scan3A_151 = arith.constant 7 : i32
      %scan3A_152 = arith.addi %scan3A_77, %scan3A_151 : i32
      %broadcast_in_dim3A_153 = vector.broadcast %scan3A_152 : i32 to vector<16xi32>
      %gather3A_154 = tpu.vector_load_idx %arg9[%broadcast_in_dim3A_153] : memref<640xf32, #tpu.memory_space<vmem>>[vector<16xi32>], vector<16xf32>,
      %get3A_155 = arith.index_cast %scan3A_152 : i32 to index
      %get3A_156 = arith.constant 0 : index
      %get3A_157 = tpu.vector_load %arg10[%get3A_155, %get3A_156] {strides = array<i32>} : memref<640x16xf32, #tpu.memory_space<vmem>>, vector<16xf32>,
      %mul3A_158 = arith.mulf %get3A_157, %gather3A_154 : vector<16xf32>
      %swap3A_159 = arith.index_cast %scan3A_152 : i32 to index
      %swap3A_160 = arith.constant 0 : index
      %swap3A_161 = tpu.vector_load %arg10[%swap3A_159, %swap3A_160] {strides = array<i32>} : memref<640x16xf32, #tpu.memory_space<vmem>>, vector<16xf32>,
      tpu.vector_store %arg10[%swap3A_159, %swap3A_160], %mul3A_158 {strides = array<i32>} : memref<640x16xf32, #tpu.memory_space<vmem>>, vector<16xf32>,
    }
    %scan3A_51 = arith.constant 640 : i32
    "tpu.region"() ({
      %run_scoped3A_77 = tpu.sem_alloc : memref<!tpu.dma_semaphore, #tpu.memory_space<semaphore_mem>>
      %dma_start3A_78 = arith.constant 0 : i32
      %dma_start3A_79 = tpu.memref_slice %arg5[%mul3A_2, %dma_start3A_78] : memref<10240x16xf32, #tpu.memory_space<hbm>> -> memref<640x16xf32, #tpu.memory_space<hbm>>
      %dma_start3A_80 = arith.constant 0 : i32
      %dma_start3A_81 = tpu.memref_slice %arg5[%mul3A_2, %dma_start3A_80] : memref<10240x16xf32, #tpu.memory_space<hbm>> -> memref<640x16xf32, #tpu.memory_space<hbm>>
      tpu.enqueue_dma source(%arg10 : memref<640x16xf32, #tpu.memory_space<vmem>>) target(%dma_start3A_81 : memref<640x16xf32, #tpu.memory_space<hbm>>) target_semaphore(%run_scoped3A_77 : memref<!tpu.dma_semaphore, #tpu.memory_space<semaphore_mem>>)
      %dma_wait3A = arith.constant 0 : i32
      %dma_wait3A_82 = tpu.memref_slice %arg5[%mul3A_2, %dma_wait3A] : memref<10240x16xf32, #tpu.memory_space<hbm>> -> memref<640x16xf32, #tpu.memory_space<hbm>>
      %dma_wait3A_83 = arith.constant 0 : i32
      %dma_wait3A_84 = tpu.memref_slice %arg5[%mul3A_2, %dma_wait3A_83] : memref<10240x16xf32, #tpu.memory_space<hbm>> -> memref<640x16xf32, #tpu.memory_space<hbm>>
      tpu.wait_dma2 semaphore(%run_scoped3A_77 : memref<!tpu.dma_semaphore, #tpu.memory_space<semaphore_mem>>) src(%arg10 : memref<640x16xf32, #tpu.memory_space<vmem>>) dst(%dma_wait3A_84 : memref<640x16xf32, #tpu.memory_space<hbm>>)
      tpu.yield
    }) : () -> ()
    %barrier3A_52 = arith.constant 0 : index
    tpu.barrier barrier_id(%barrier3A_52)
    %dma_start3A = arith.constant 0 : i32
    %dma_start3A_53 = arith.constant 0 : i32
    %dma_start3A_54 = arith.constant 0 : i32
    %dma_start3A_55 = tpu.memref_slice %arg13[%dma_start3A, %dma_start3A_53, %dma_start3A_54] : memref<2x1000x16xf32, #tpu.memory_space<vmem>> -> memref<1x1000x16xf32, #tpu.memory_space<vmem>>
    %dma_start3A_56 = tpu.memref_squeeze %dma_start3A_55 : memref<1x1000x16xf32, #tpu.memory_space<vmem>> -> memref<1000x16xf32, #tpu.memory_space<vmem>>
    %dma_start3A_57 = arith.constant 0 : i32
    %dma_start3A_58 = tpu.memref_slice %arg11[%dma_start3A_57] : memref<10000xi32, #tpu.memory_space<vmem>> -> memref<1000xi32, #tpu.memory_space<vmem>>
    %dma_start3A_59 = arith.constant 0 : i32
    %dma_start3A_60 = arith.constant 0 : i32
    %dma_start3A_61 = tpu.memref_slice %arg5[%dma_start3A_59, %dma_start3A_60] : memref<10240x16xf32, #tpu.memory_space<hbm>> -> memref<10240x16xf32, #tpu.memory_space<hbm>>
    tpu.enqueue_indirect_dma source(%dma_start3A_61 : memref<10240x16xf32, #tpu.memory_space<hbm>>) target(%dma_start3A_56 : memref<1000x16xf32, #tpu.memory_space<vmem>>) offsets(%dma_start3A_58 : memref<1000xi32, #tpu.memory_space<vmem>>) semaphore(%arg16 : memref<!tpu.dma_semaphore, #tpu.memory_space<semaphore_mem>>)
    %scan3A_62 = arith.constant 0 : i32
    %scan3A_63 = arith.constant 0 : i32
    %scan3A_64 = arith.constant 10 : i32
    %scan3A_65 = arith.addi %scan3A_63, %scan3A_64 : i32
    %scan3A_66 = arith.constant 1 : i32
    scf.for %scan3A_77 = %scan3A_63 to %scan3A_65 step %scan3A_66  : i32 {
      %rem3A = arith.constant 2 : i32
      %rem3A_78 = arith.remsi %scan3A_77, %rem3A : i32
      %add3A_79 = arith.constant 1 : i32
      %add3A_80 = arith.addi %scan3A_77, %add3A_79 : i32
      %lt3A = arith.constant 10 : i32
      %lt3A_81 = arith.cmpi slt, %add3A_80, %lt3A : i32
      %convert_element_type3A_82 = arith.extui %lt3A_81 : i1 to i32
      %cond3A_83 = arith.constant 0 : i32
      %cond3A_84 = arith.cmpi ne, %convert_element_type3A_82, %cond3A_83 : i32
      scf.if %cond3A_84 {
        %add3A_95 = arith.constant 1 : i32
        %add3A_96 = arith.addi %scan3A_77, %add3A_95 : i32
        %rem3A_97 = arith.constant 2 : i32
        %rem3A_98 = arith.remsi %add3A_96, %rem3A_97 : i32
        %eq3A_99 = arith.constant 0 : i32
        %eq3A_100 = arith.cmpi eq, %rem3A_98, %eq3A_99 : i32
        %convert_element_type3A_101 = arith.extui %eq3A_100 : i1 to i32
        %cond3A_102 = arith.constant 0 : i32
        %cond3A_103 = arith.cmpi ne, %convert_element_type3A_101, %cond3A_102 : i32
        scf.if %cond3A_103 {
          %add3A_109 = arith.constant 1 : i32
          %add3A_110 = arith.addi %scan3A_77, %add3A_109 : i32
          %mul3A_111 = arith.constant 1000 : i32
          %mul3A_112 = arith.muli %add3A_110, %mul3A_111 : i32
          %dma_start3A_113 = arith.constant 0 : i32
          %dma_start3A_114 = arith.constant 0 : i32
          %dma_start3A_115 = arith.constant 0 : i32
          %dma_start3A_116 = tpu.memref_slice %arg13[%dma_start3A_113, %dma_start3A_114, %dma_start3A_115] : memref<2x1000x16xf32, #tpu.memory_space<vmem>> -> memref<1x1000x16xf32, #tpu.memory_space<vmem>>
          %dma_start3A_117 = tpu.memref_squeeze %dma_start3A_116 : memref<1x1000x16xf32, #tpu.memory_space<vmem>> -> memref<1000x16xf32, #tpu.memory_space<vmem>>
          %dma_start3A_118 = tpu.memref_slice %arg11[%mul3A_112] : memref<10000xi32, #tpu.memory_space<vmem>> -> memref<1000xi32, #tpu.memory_space<vmem>>
          %dma_start3A_119 = arith.constant 0 : i32
          %dma_start3A_120 = arith.constant 0 : i32
          %dma_start3A_121 = tpu.memref_slice %arg5[%dma_start3A_119, %dma_start3A_120] : memref<10240x16xf32, #tpu.memory_space<hbm>> -> memref<10240x16xf32, #tpu.memory_space<hbm>>
          tpu.enqueue_indirect_dma source(%dma_start3A_121 : memref<10240x16xf32, #tpu.memory_space<hbm>>) target(%dma_start3A_117 : memref<1000x16xf32, #tpu.memory_space<vmem>>) offsets(%dma_start3A_118 : memref<1000xi32, #tpu.memory_space<vmem>>) semaphore(%arg16 : memref<!tpu.dma_semaphore, #tpu.memory_space<semaphore_mem>>)
        } else {
        }
        %eq3A_104 = arith.constant 1 : i32
        %eq3A_105 = arith.cmpi eq, %rem3A_98, %eq3A_104 : i32
        %convert_element_type3A_106 = arith.extui %eq3A_105 : i1 to i32
        %cond3A_107 = arith.constant 0 : i32
        %cond3A_108 = arith.cmpi ne, %convert_element_type3A_106, %cond3A_107 : i32
        scf.if %cond3A_108 {
          %add3A_109 = arith.constant 1 : i32
          %add3A_110 = arith.addi %scan3A_77, %add3A_109 : i32
          %mul3A_111 = arith.constant 1000 : i32
          %mul3A_112 = arith.muli %add3A_110, %mul3A_111 : i32
          %dma_start3A_113 = arith.constant 1 : i32
          %dma_start3A_114 = arith.constant 0 : i32
          %dma_start3A_115 = arith.constant 0 : i32
          %dma_start3A_116 = tpu.memref_slice %arg13[%dma_start3A_113, %dma_start3A_114, %dma_start3A_115] : memref<2x1000x16xf32, #tpu.memory_space<vmem>> -> memref<1x1000x16xf32, #tpu.memory_space<vmem>>
          %dma_start3A_117 = tpu.memref_squeeze %dma_start3A_116 : memref<1x1000x16xf32, #tpu.memory_space<vmem>> -> memref<1000x16xf32, #tpu.memory_space<vmem>>
          %dma_start3A_118 = tpu.memref_slice %arg11[%mul3A_112] : memref<10000xi32, #tpu.memory_space<vmem>> -> memref<1000xi32, #tpu.memory_space<vmem>>
          %dma_start3A_119 = arith.constant 0 : i32
          %dma_start3A_120 = arith.constant 0 : i32
          %dma_start3A_121 = tpu.memref_slice %arg5[%dma_start3A_119, %dma_start3A_120] : memref<10240x16xf32, #tpu.memory_space<hbm>> -> memref<10240x16xf32, #tpu.memory_space<hbm>>
          tpu.enqueue_indirect_dma source(%dma_start3A_121 : memref<10240x16xf32, #tpu.memory_space<hbm>>) target(%dma_start3A_117 : memref<1000x16xf32, #tpu.memory_space<vmem>>) offsets(%dma_start3A_118 : memref<1000xi32, #tpu.memory_space<vmem>>) semaphore(%arg17 : memref<!tpu.dma_semaphore, #tpu.memory_space<semaphore_mem>>)
        } else {
        }
      } else {
      }
      %eq3A_85 = arith.constant 0 : i32
      %eq3A_86 = arith.cmpi eq, %rem3A_78, %eq3A_85 : i32
      %convert_element_type3A_87 = arith.extui %eq3A_86 : i1 to i32
      %cond3A_88 = arith.constant 0 : i32
      %cond3A_89 = arith.cmpi ne, %convert_element_type3A_87, %cond3A_88 : i32
      scf.if %cond3A_89 {
        %mul3A_95 = arith.constant 1000 : i32
        %mul3A_96 = arith.muli %scan3A_77, %mul3A_95 : i32
        %dma_wait3A = arith.constant 0 : i32
        %dma_wait3A_97 = arith.constant 0 : i32
        %dma_wait3A_98 = arith.constant 0 : i32
        %dma_wait3A_99 = tpu.memref_slice %arg13[%dma_wait3A, %dma_wait3A_97, %dma_wait3A_98] : memref<2x1000x16xf32, #tpu.memory_space<vmem>> -> memref<1x1000x16xf32, #tpu.memory_space<vmem>>
        %dma_wait3A_100 = tpu.memref_squeeze %dma_wait3A_99 : memref<1x1000x16xf32, #tpu.memory_space<vmem>> -> memref<1000x16xf32, #tpu.memory_space<vmem>>
        %dma_wait3A_101 = tpu.memref_slice %arg11[%mul3A_96] : memref<10000xi32, #tpu.memory_space<vmem>> -> memref<1000xi32, #tpu.memory_space<vmem>>
        %dma_wait3A_102 = arith.constant 0 : i32
        %dma_wait3A_103 = arith.constant 0 : i32
        %dma_wait3A_104 = tpu.memref_slice %arg5[%dma_wait3A_102, %dma_wait3A_103] : memref<10240x16xf32, #tpu.memory_space<hbm>> -> memref<10240x16xf32, #tpu.memory_space<hbm>>
        tpu.wait_indirect_dma semaphore(%arg16 : memref<!tpu.dma_semaphore, #tpu.memory_space<semaphore_mem>>) src(%dma_wait3A_104 : memref<10240x16xf32, #tpu.memory_space<hbm>>) dst(%dma_wait3A_100 : memref<1000x16xf32, #tpu.memory_space<vmem>>)
        %mul3A_105 = arith.constant 1000 : i32
        %mul3A_106 = arith.muli %scan3A_77, %mul3A_105 : i32
        %run_scoped3A_107 = arith.constant 0 : i32
        "tpu.region"() ({
          %run_scoped3A_108 = tpu.sem_alloc : memref<!tpu.dma_semaphore, #tpu.memory_space<semaphore_mem>>
          %dma_start3A_109 = arith.constant 0 : i32
          %dma_start3A_110 = arith.constant 0 : i32
          %dma_start3A_111 = tpu.memref_slice %arg13[%run_scoped3A_107, %dma_start3A_109, %dma_start3A_110] : memref<2x1000x16xf32, #tpu.memory_space<vmem>> -> memref<1x1000x16xf32, #tpu.memory_space<vmem>>
          %dma_start3A_112 = tpu.memref_squeeze %dma_start3A_111 : memref<1x1000x16xf32, #tpu.memory_space<vmem>> -> memref<1000x16xf32, #tpu.memory_space<vmem>>
          %dma_start3A_113 = tpu.memref_slice %arg12[%mul3A_106] : memref<10000xi32, #tpu.memory_space<vmem>> -> memref<1000xi32, #tpu.memory_space<vmem>>
          %dma_start3A_114 = arith.constant 0 : i32
          %dma_start3A_115 = arith.constant 0 : i32
          %dma_start3A_116 = tpu.memref_slice %arg15[%dma_start3A_114, %dma_start3A_115] : memref<10240x16xf32, #tpu.memory_space<vmem_shared>> -> memref<10240x16xf32, #tpu.memory_space<vmem_shared>>
          tpu.enqueue_indirect_dma source(%dma_start3A_112 : memref<1000x16xf32, #tpu.memory_space<vmem>>) target(%dma_start3A_116 : memref<10240x16xf32, #tpu.memory_space<vmem_shared>>) offsets(%dma_start3A_113 : memref<1000xi32, #tpu.memory_space<vmem>>) semaphore(%run_scoped3A_108 : memref<!tpu.dma_semaphore, #tpu.memory_space<semaphore_mem>>) {add = true}
          %dma_wait3A_117 = arith.constant 0 : i32
          %dma_wait3A_118 = arith.constant 0 : i32
          %dma_wait3A_119 = tpu.memref_slice %arg13[%run_scoped3A_107, %dma_wait3A_117, %dma_wait3A_118] : memref<2x1000x16xf32, #tpu.memory_space<vmem>> -> memref<1x1000x16xf32, #tpu.memory_space<vmem>>
          %dma_wait3A_120 = tpu.memref_squeeze %dma_wait3A_119 : memref<1x1000x16xf32, #tpu.memory_space<vmem>> -> memref<1000x16xf32, #tpu.memory_space<vmem>>
          %dma_wait3A_121 = tpu.memref_slice %arg12[%mul3A_106] : memref<10000xi32, #tpu.memory_space<vmem>> -> memref<1000xi32, #tpu.memory_space<vmem>>
          %dma_wait3A_122 = arith.constant 0 : i32
          %dma_wait3A_123 = arith.constant 0 : i32
          %dma_wait3A_124 = tpu.memref_slice %arg15[%dma_wait3A_122, %dma_wait3A_123] : memref<10240x16xf32, #tpu.memory_space<vmem_shared>> -> memref<10240x16xf32, #tpu.memory_space<vmem_shared>>
          tpu.wait_indirect_dma semaphore(%run_scoped3A_108 : memref<!tpu.dma_semaphore, #tpu.memory_space<semaphore_mem>>) src(%dma_wait3A_120 : memref<1000x16xf32, #tpu.memory_space<vmem>>) dst(%dma_wait3A_124 : memref<10240x16xf32, #tpu.memory_space<vmem_shared>>)
          tpu.yield
        }) : () -> ()
      } else {
      }
      %eq3A_90 = arith.constant 1 : i32
      %eq3A_91 = arith.cmpi eq, %rem3A_78, %eq3A_90 : i32
      %convert_element_type3A_92 = arith.extui %eq3A_91 : i1 to i32
      %cond3A_93 = arith.constant 0 : i32
      %cond3A_94 = arith.cmpi ne, %convert_element_type3A_92, %cond3A_93 : i32
      scf.if %cond3A_94 {
        %mul3A_95 = arith.constant 1000 : i32
        %mul3A_96 = arith.muli %scan3A_77, %mul3A_95 : i32
        %dma_wait3A = arith.constant 1 : i32
        %dma_wait3A_97 = arith.constant 0 : i32
        %dma_wait3A_98 = arith.constant 0 : i32
        %dma_wait3A_99 = tpu.memref_slice %arg13[%dma_wait3A, %dma_wait3A_97, %dma_wait3A_98] : memref<2x1000x16xf32, #tpu.memory_space<vmem>> -> memref<1x1000x16xf32, #tpu.memory_space<vmem>>
        %dma_wait3A_100 = tpu.memref_squeeze %dma_wait3A_99 : memref<1x1000x16xf32, #tpu.memory_space<vmem>> -> memref<1000x16xf32, #tpu.memory_space<vmem>>
        %dma_wait3A_101 = tpu.memref_slice %arg11[%mul3A_96] : memref<10000xi32, #tpu.memory_space<vmem>> -> memref<1000xi32, #tpu.memory_space<vmem>>
        %dma_wait3A_102 = arith.constant 0 : i32
        %dma_wait3A_103 = arith.constant 0 : i32
        %dma_wait3A_104 = tpu.memref_slice %arg5[%dma_wait3A_102, %dma_wait3A_103] : memref<10240x16xf32, #tpu.memory_space<hbm>> -> memref<10240x16xf32, #tpu.memory_space<hbm>>
        tpu.wait_indirect_dma semaphore(%arg17 : memref<!tpu.dma_semaphore, #tpu.memory_space<semaphore_mem>>) src(%dma_wait3A_104 : memref<10240x16xf32, #tpu.memory_space<hbm>>) dst(%dma_wait3A_100 : memref<1000x16xf32, #tpu.memory_space<vmem>>)
        %mul3A_105 = arith.constant 1000 : i32
        %mul3A_106 = arith.muli %scan3A_77, %mul3A_105 : i32
        %run_scoped3A_107 = arith.constant 1 : i32
        "tpu.region"() ({
          %run_scoped3A_108 = tpu.sem_alloc : memref<!tpu.dma_semaphore, #tpu.memory_space<semaphore_mem>>
          %dma_start3A_109 = arith.constant 0 : i32
          %dma_start3A_110 = arith.constant 0 : i32
          %dma_start3A_111 = tpu.memref_slice %arg13[%run_scoped3A_107, %dma_start3A_109, %dma_start3A_110] : memref<2x1000x16xf32, #tpu.memory_space<vmem>> -> memref<1x1000x16xf32, #tpu.memory_space<vmem>>
          %dma_start3A_112 = tpu.memref_squeeze %dma_start3A_111 : memref<1x1000x16xf32, #tpu.memory_space<vmem>> -> memref<1000x16xf32, #tpu.memory_space<vmem>>
          %dma_start3A_113 = tpu.memref_slice %arg12[%mul3A_106] : memref<10000xi32, #tpu.memory_space<vmem>> -> memref<1000xi32, #tpu.memory_space<vmem>>
          %dma_start3A_114 = arith.constant 0 : i32
          %dma_start3A_115 = arith.constant 0 : i32
          %dma_start3A_116 = tpu.memref_slice %arg15[%dma_start3A_114, %dma_start3A_115] : memref<10240x16xf32, #tpu.memory_space<vmem_shared>> -> memref<10240x16xf32, #tpu.memory_space<vmem_shared>>
          tpu.enqueue_indirect_dma source(%dma_start3A_112 : memref<1000x16xf32, #tpu.memory_space<vmem>>) target(%dma_start3A_116 : memref<10240x16xf32, #tpu.memory_space<vmem_shared>>) offsets(%dma_start3A_113 : memref<1000xi32, #tpu.memory_space<vmem>>) semaphore(%run_scoped3A_108 : memref<!tpu.dma_semaphore, #tpu.memory_space<semaphore_mem>>) {add = true}
          %dma_wait3A_117 = arith.constant 0 : i32
          %dma_wait3A_118 = arith.constant 0 : i32
          %dma_wait3A_119 = tpu.memref_slice %arg13[%run_scoped3A_107, %dma_wait3A_117, %dma_wait3A_118] : memref<2x1000x16xf32, #tpu.memory_space<vmem>> -> memref<1x1000x16xf32, #tpu.memory_space<vmem>>
          %dma_wait3A_120 = tpu.memref_squeeze %dma_wait3A_119 : memref<1x1000x16xf32, #tpu.memory_space<vmem>> -> memref<1000x16xf32, #tpu.memory_space<vmem>>
          %dma_wait3A_121 = tpu.memref_slice %arg12[%mul3A_106] : memref<10000xi32, #tpu.memory_space<vmem>> -> memref<1000xi32, #tpu.memory_space<vmem>>
          %dma_wait3A_122 = arith.constant 0 : i32
          %dma_wait3A_123 = arith.constant 0 : i32
          %dma_wait3A_124 = tpu.memref_slice %arg15[%dma_wait3A_122, %dma_wait3A_123] : memref<10240x16xf32, #tpu.memory_space<vmem_shared>> -> memref<10240x16xf32, #tpu.memory_space<vmem_shared>>
          tpu.wait_indirect_dma semaphore(%run_scoped3A_108 : memref<!tpu.dma_semaphore, #tpu.memory_space<semaphore_mem>>) src(%dma_wait3A_120 : memref<1000x16xf32, #tpu.memory_space<vmem>>) dst(%dma_wait3A_124 : memref<10240x16xf32, #tpu.memory_space<vmem_shared>>)
          tpu.yield
        }) : () -> ()
      } else {
      }
    }
    %scan3A_67 = arith.constant 10 : i32
    %barrier3A_68 = arith.constant 0 : index
    tpu.barrier barrier_id(%barrier3A_68)
    "tpu.region"() ({
      %run_scoped3A_77 = tpu.sem_alloc : memref<!tpu.dma_semaphore, #tpu.memory_space<semaphore_mem>>
      %dma_start3A_78 = arith.constant 0 : i32
      %dma_start3A_79 = tpu.memref_slice %arg15[%mul3A_2, %dma_start3A_78] : memref<10240x16xf32, #tpu.memory_space<vmem_shared>> -> memref<640x16xf32, #tpu.memory_space<vmem_shared>>
      %dma_start3A_80 = arith.constant 0 : i32
      %dma_start3A_81 = tpu.memref_slice %arg15[%mul3A_2, %dma_start3A_80] : memref<10240x16xf32, #tpu.memory_space<vmem_shared>> -> memref<640x16xf32, #tpu.memory_space<vmem_shared>>
      tpu.enqueue_dma source(%dma_start3A_81 : memref<640x16xf32, #tpu.memory_space<vmem_shared>>) target(%arg10 : memref<640x16xf32, #tpu.memory_space<vmem>>) target_semaphore(%run_scoped3A_77 : memref<!tpu.dma_semaphore, #tpu.memory_space<semaphore_mem>>)
      %dma_wait3A = arith.constant 0 : i32
      %dma_wait3A_82 = tpu.memref_slice %arg15[%mul3A_2, %dma_wait3A] : memref<10240x16xf32, #tpu.memory_space<vmem_shared>> -> memref<640x16xf32, #tpu.memory_space<vmem_shared>>
      %dma_wait3A_83 = arith.constant 0 : i32
      %dma_wait3A_84 = tpu.memref_slice %arg15[%mul3A_2, %dma_wait3A_83] : memref<10240x16xf32, #tpu.memory_space<vmem_shared>> -> memref<640x16xf32, #tpu.memory_space<vmem_shared>>
      tpu.wait_dma2 semaphore(%run_scoped3A_77 : memref<!tpu.dma_semaphore, #tpu.memory_space<semaphore_mem>>) src(%dma_wait3A_84 : memref<640x16xf32, #tpu.memory_space<vmem_shared>>) dst(%arg10 : memref<640x16xf32, #tpu.memory_space<vmem>>)
      tpu.yield
    }) : () -> ()
    %eq3A = arith.constant 0 : i32
    %eq3A_69 = arith.cmpi eq, %arg0, %eq3A : i32
    %convert_element_type3A = arith.extui %eq3A_69 : i1 to i32
    %cond3A = arith.constant 0 : i32
    %cond3A_70 = arith.cmpi ne, %convert_element_type3A, %cond3A : i32
    scf.if %cond3A_70 {
      %run_scoped3A_77 = arith.constant 0 : i32
      "tpu.region"() ({
        %run_scoped3A_84 = tpu.sem_alloc : memref<!tpu.dma_semaphore, #tpu.memory_space<semaphore_mem>>
        %dma_start3A_85 = arith.constant 0 : i32
        %dma_start3A_86 = arith.constant 0 : i32
        %dma_start3A_87 = tpu.memref_slice %arg13[%run_scoped3A_77, %dma_start3A_85, %dma_start3A_86] : memref<2x1000x16xf32, #tpu.memory_space<vmem>> -> memref<1x640x16xf32, #tpu.memory_space<vmem>>
        %dma_start3A_88 = tpu.memref_squeeze %dma_start3A_87 : memref<1x640x16xf32, #tpu.memory_space<vmem>> -> memref<640x16xf32, #tpu.memory_space<vmem>>
        %dma_start3A_89 = arith.constant 0 : i32
        %dma_start3A_90 = tpu.memref_slice %arg5[%mul3A_2, %dma_start3A_89] : memref<10240x16xf32, #tpu.memory_space<hbm>> -> memref<640x16xf32, #tpu.memory_space<hbm>>
        %dma_start3A_91 = arith.constant 0 : i32
        %dma_start3A_92 = arith.constant 0 : i32
        %dma_start3A_93 = tpu.memref_slice %arg13[%run_scoped3A_77, %dma_start3A_91, %dma_start3A_92] : memref<2x1000x16xf32, #tpu.memory_space<vmem>> -> memref<1x640x16xf32, #tpu.memory_space<vmem>>
        %dma_start3A_94 = tpu.memref_squeeze %dma_start3A_93 : memref<1x640x16xf32, #tpu.memory_space<vmem>> -> memref<640x16xf32, #tpu.memory_space<vmem>>
        %dma_start3A_95 = arith.constant 0 : i32
        %dma_start3A_96 = tpu.memref_slice %arg5[%mul3A_2, %dma_start3A_95] : memref<10240x16xf32, #tpu.memory_space<hbm>> -> memref<640x16xf32, #tpu.memory_space<hbm>>
        tpu.enqueue_dma source(%dma_start3A_96 : memref<640x16xf32, #tpu.memory_space<hbm>>) target(%dma_start3A_94 : memref<640x16xf32, #tpu.memory_space<vmem>>) target_semaphore(%run_scoped3A_84 : memref<!tpu.dma_semaphore, #tpu.memory_space<semaphore_mem>>)
        %dma_wait3A = arith.constant 0 : i32
        %dma_wait3A_97 = arith.constant 0 : i32
        %dma_wait3A_98 = tpu.memref_slice %arg13[%run_scoped3A_77, %dma_wait3A, %dma_wait3A_97] : memref<2x1000x16xf32, #tpu.memory_space<vmem>> -> memref<1x640x16xf32, #tpu.memory_space<vmem>>
        %dma_wait3A_99 = tpu.memref_squeeze %dma_wait3A_98 : memref<1x640x16xf32, #tpu.memory_space<vmem>> -> memref<640x16xf32, #tpu.memory_space<vmem>>
        %dma_wait3A_100 = arith.constant 0 : i32
        %dma_wait3A_101 = tpu.memref_slice %arg5[%mul3A_2, %dma_wait3A_100] : memref<10240x16xf32, #tpu.memory_space<hbm>> -> memref<640x16xf32, #tpu.memory_space<hbm>>
        %dma_wait3A_102 = arith.constant 0 : i32
        %dma_wait3A_103 = arith.constant 0 : i32
        %dma_wait3A_104 = tpu.memref_slice %arg13[%run_scoped3A_77, %dma_wait3A_102, %dma_wait3A_103] : memref<2x1000x16xf32, #tpu.memory_space<vmem>> -> memref<1x640x16xf32, #tpu.memory_space<vmem>>
        %dma_wait3A_105 = tpu.memref_squeeze %dma_wait3A_104 : memref<1x640x16xf32, #tpu.memory_space<vmem>> -> memref<640x16xf32, #tpu.memory_space<vmem>>
        %dma_wait3A_106 = arith.constant 0 : i32
        %dma_wait3A_107 = tpu.memref_slice %arg5[%mul3A_2, %dma_wait3A_106] : memref<10240x16xf32, #tpu.memory_space<hbm>> -> memref<640x16xf32, #tpu.memory_space<hbm>>
        tpu.wait_dma2 semaphore(%run_scoped3A_84 : memref<!tpu.dma_semaphore, #tpu.memory_space<semaphore_mem>>) src(%dma_wait3A_107 : memref<640x16xf32, #tpu.memory_space<hbm>>) dst(%dma_wait3A_105 : memref<640x16xf32, #tpu.memory_space<vmem>>)
        tpu.yield
      }) : () -> ()
      %scan3A_78 = arith.constant 0 : i32
      %scan3A_79 = arith.constant 0 : i32
      %scan3A_80 = arith.constant 640 : i32
      %scan3A_81 = arith.addi %scan3A_79, %scan3A_80 : i32
      %scan3A_82 = arith.constant 8 : i32
      scf.for %scan3A_84 = %scan3A_79 to %scan3A_81 step %scan3A_82  : i32 {
        %get3A_85 = arith.index_cast %scan3A_84 : i32 to index
        %get3A_86 = arith.constant 0 : index
        %get3A_87 = tpu.vector_load %arg10[%get3A_85, %get3A_86] {strides = array<i32>} : memref<640x16xf32, #tpu.memory_space<vmem>>, vector<16xf32>,
        %get3A_88 = arith.constant 0 : i32
        %get3A_89 = arith.index_cast %get3A_88 : i32 to index
        %get3A_90 = arith.index_cast %scan3A_84 : i32 to index
        %get3A_91 = arith.constant 0 : index
        %get3A_92 = tpu.vector_load %arg13[%get3A_89, %get3A_90, %get3A_91] {strides = array<i32>} : memref<2x1000x16xf32, #tpu.memory_space<vmem>>, vector<16xf32>,
        %add3A_93 = arith.addf %get3A_87, %get3A_92 : vector<16xf32>
        %swap3A = arith.index_cast %scan3A_84 : i32 to index
        %swap3A_94 = arith.constant 0 : index
        %swap3A_95 = tpu.vector_load %arg10[%swap3A, %swap3A_94] {strides = array<i32>} : memref<640x16xf32, #tpu.memory_space<vmem>>, vector<16xf32>,
        tpu.vector_store %arg10[%swap3A, %swap3A_94], %add3A_93 {strides = array<i32>} : memref<640x16xf32, #tpu.memory_space<vmem>>, vector<16xf32>,
        %scan3A_96 = arith.constant 1 : i32
        %scan3A_97 = arith.addi %scan3A_84, %scan3A_96 : i32
        %get3A_98 = arith.index_cast %scan3A_97 : i32 to index
        %get3A_99 = arith.constant 0 : index
        %get3A_100 = tpu.vector_load %arg10[%get3A_98, %get3A_99] {strides = array<i32>} : memref<640x16xf32, #tpu.memory_space<vmem>>, vector<16xf32>,
        %get3A_101 = arith.constant 0 : i32
        %get3A_102 = arith.index_cast %get3A_101 : i32 to index
        %get3A_103 = arith.index_cast %scan3A_97 : i32 to index
        %get3A_104 = arith.constant 0 : index
        %get3A_105 = tpu.vector_load %arg13[%get3A_102, %get3A_103, %get3A_104] {strides = array<i32>} : memref<2x1000x16xf32, #tpu.memory_space<vmem>>, vector<16xf32>,
        %add3A_106 = arith.addf %get3A_100, %get3A_105 : vector<16xf32>
        %swap3A_107 = arith.index_cast %scan3A_97 : i32 to index
        %swap3A_108 = arith.constant 0 : index
        %swap3A_109 = tpu.vector_load %arg10[%swap3A_107, %swap3A_108] {strides = array<i32>} : memref<640x16xf32, #tpu.memory_space<vmem>>, vector<16xf32>,
        tpu.vector_store %arg10[%swap3A_107, %swap3A_108], %add3A_106 {strides = array<i32>} : memref<640x16xf32, #tpu.memory_space<vmem>>, vector<16xf32>,
        %scan3A_110 = arith.constant 2 : i32
        %scan3A_111 = arith.addi %scan3A_84, %scan3A_110 : i32
        %get3A_112 = arith.index_cast %scan3A_111 : i32 to index
        %get3A_113 = arith.constant 0 : index
        %get3A_114 = tpu.vector_load %arg10[%get3A_112, %get3A_113] {strides = array<i32>} : memref<640x16xf32, #tpu.memory_space<vmem>>, vector<16xf32>,
        %get3A_115 = arith.constant 0 : i32
        %get3A_116 = arith.index_cast %get3A_115 : i32 to index
        %get3A_117 = arith.index_cast %scan3A_111 : i32 to index
        %get3A_118 = arith.constant 0 : index
        %get3A_119 = tpu.vector_load %arg13[%get3A_116, %get3A_117, %get3A_118] {strides = array<i32>} : memref<2x1000x16xf32, #tpu.memory_space<vmem>>, vector<16xf32>,
        %add3A_120 = arith.addf %get3A_114, %get3A_119 : vector<16xf32>
        %swap3A_121 = arith.index_cast %scan3A_111 : i32 to index
        %swap3A_122 = arith.constant 0 : index
        %swap3A_123 = tpu.vector_load %arg10[%swap3A_121, %swap3A_122] {strides = array<i32>} : memref<640x16xf32, #tpu.memory_space<vmem>>, vector<16xf32>,
        tpu.vector_store %arg10[%swap3A_121, %swap3A_122], %add3A_120 {strides = array<i32>} : memref<640x16xf32, #tpu.memory_space<vmem>>, vector<16xf32>,
        %scan3A_124 = arith.constant 3 : i32
        %scan3A_125 = arith.addi %scan3A_84, %scan3A_124 : i32
        %get3A_126 = arith.index_cast %scan3A_125 : i32 to index
        %get3A_127 = arith.constant 0 : index
        %get3A_128 = tpu.vector_load %arg10[%get3A_126, %get3A_127] {strides = array<i32>} : memref<640x16xf32, #tpu.memory_space<vmem>>, vector<16xf32>,
        %get3A_129 = arith.constant 0 : i32
        %get3A_130 = arith.index_cast %get3A_129 : i32 to index
        %get3A_131 = arith.index_cast %scan3A_125 : i32 to index
        %get3A_132 = arith.constant 0 : index
        %get3A_133 = tpu.vector_load %arg13[%get3A_130, %get3A_131, %get3A_132] {strides = array<i32>} : memref<2x1000x16xf32, #tpu.memory_space<vmem>>, vector<16xf32>,
        %add3A_134 = arith.addf %get3A_128, %get3A_133 : vector<16xf32>
        %swap3A_135 = arith.index_cast %scan3A_125 : i32 to index
        %swap3A_136 = arith.constant 0 : index
        %swap3A_137 = tpu.vector_load %arg10[%swap3A_135, %swap3A_136] {strides = array<i32>} : memref<640x16xf32, #tpu.memory_space<vmem>>, vector<16xf32>,
        tpu.vector_store %arg10[%swap3A_135, %swap3A_136], %add3A_134 {strides = array<i32>} : memref<640x16xf32, #tpu.memory_space<vmem>>, vector<16xf32>,
        %scan3A_138 = arith.constant 4 : i32
        %scan3A_139 = arith.addi %scan3A_84, %scan3A_138 : i32
        %get3A_140 = arith.index_cast %scan3A_139 : i32 to index
        %get3A_141 = arith.constant 0 : index
        %get3A_142 = tpu.vector_load %arg10[%get3A_140, %get3A_141] {strides = array<i32>} : memref<640x16xf32, #tpu.memory_space<vmem>>, vector<16xf32>,
        %get3A_143 = arith.constant 0 : i32
        %get3A_144 = arith.index_cast %get3A_143 : i32 to index
        %get3A_145 = arith.index_cast %scan3A_139 : i32 to index
        %get3A_146 = arith.constant 0 : index
        %get3A_147 = tpu.vector_load %arg13[%get3A_144, %get3A_145, %get3A_146] {strides = array<i32>} : memref<2x1000x16xf32, #tpu.memory_space<vmem>>, vector<16xf32>,
        %add3A_148 = arith.addf %get3A_142, %get3A_147 : vector<16xf32>
        %swap3A_149 = arith.index_cast %scan3A_139 : i32 to index
        %swap3A_150 = arith.constant 0 : index
        %swap3A_151 = tpu.vector_load %arg10[%swap3A_149, %swap3A_150] {strides = array<i32>} : memref<640x16xf32, #tpu.memory_space<vmem>>, vector<16xf32>,
        tpu.vector_store %arg10[%swap3A_149, %swap3A_150], %add3A_148 {strides = array<i32>} : memref<640x16xf32, #tpu.memory_space<vmem>>, vector<16xf32>,
        %scan3A_152 = arith.constant 5 : i32
        %scan3A_153 = arith.addi %scan3A_84, %scan3A_152 : i32
        %get3A_154 = arith.index_cast %scan3A_153 : i32 to index
        %get3A_155 = arith.constant 0 : index
        %get3A_156 = tpu.vector_load %arg10[%get3A_154, %get3A_155] {strides = array<i32>} : memref<640x16xf32, #tpu.memory_space<vmem>>, vector<16xf32>,
        %get3A_157 = arith.constant 0 : i32
        %get3A_158 = arith.index_cast %get3A_157 : i32 to index
        %get3A_159 = arith.index_cast %scan3A_153 : i32 to index
        %get3A_160 = arith.constant 0 : index
        %get3A_161 = tpu.vector_load %arg13[%get3A_158, %get3A_159, %get3A_160] {strides = array<i32>} : memref<2x1000x16xf32, #tpu.memory_space<vmem>>, vector<16xf32>,
        %add3A_162 = arith.addf %get3A_156, %get3A_161 : vector<16xf32>
        %swap3A_163 = arith.index_cast %scan3A_153 : i32 to index
        %swap3A_164 = arith.constant 0 : index
        %swap3A_165 = tpu.vector_load %arg10[%swap3A_163, %swap3A_164] {strides = array<i32>} : memref<640x16xf32, #tpu.memory_space<vmem>>, vector<16xf32>,
        tpu.vector_store %arg10[%swap3A_163, %swap3A_164], %add3A_162 {strides = array<i32>} : memref<640x16xf32, #tpu.memory_space<vmem>>, vector<16xf32>,
        %scan3A_166 = arith.constant 6 : i32
        %scan3A_167 = arith.addi %scan3A_84, %scan3A_166 : i32
        %get3A_168 = arith.index_cast %scan3A_167 : i32 to index
        %get3A_169 = arith.constant 0 : index
        %get3A_170 = tpu.vector_load %arg10[%get3A_168, %get3A_169] {strides = array<i32>} : memref<640x16xf32, #tpu.memory_space<vmem>>, vector<16xf32>,
        %get3A_171 = arith.constant 0 : i32
        %get3A_172 = arith.index_cast %get3A_171 : i32 to index
        %get3A_173 = arith.index_cast %scan3A_167 : i32 to index
        %get3A_174 = arith.constant 0 : index
        %get3A_175 = tpu.vector_load %arg13[%get3A_172, %get3A_173, %get3A_174] {strides = array<i32>} : memref<2x1000x16xf32, #tpu.memory_space<vmem>>, vector<16xf32>,
        %add3A_176 = arith.addf %get3A_170, %get3A_175 : vector<16xf32>
        %swap3A_177 = arith.index_cast %scan3A_167 : i32 to index
        %swap3A_178 = arith.constant 0 : index
        %swap3A_179 = tpu.vector_load %arg10[%swap3A_177, %swap3A_178] {strides = array<i32>} : memref<640x16xf32, #tpu.memory_space<vmem>>, vector<16xf32>,
        tpu.vector_store %arg10[%swap3A_177, %swap3A_178], %add3A_176 {strides = array<i32>} : memref<640x16xf32, #tpu.memory_space<vmem>>, vector<16xf32>,
        %scan3A_180 = arith.constant 7 : i32
        %scan3A_181 = arith.addi %scan3A_84, %scan3A_180 : i32
        %get3A_182 = arith.index_cast %scan3A_181 : i32 to index
        %get3A_183 = arith.constant 0 : index
        %get3A_184 = tpu.vector_load %arg10[%get3A_182, %get3A_183] {strides = array<i32>} : memref<640x16xf32, #tpu.memory_space<vmem>>, vector<16xf32>,
        %get3A_185 = arith.constant 0 : i32
        %get3A_186 = arith.index_cast %get3A_185 : i32 to index
        %get3A_187 = arith.index_cast %scan3A_181 : i32 to index
        %get3A_188 = arith.constant 0 : index
        %get3A_189 = tpu.vector_load %arg13[%get3A_186, %get3A_187, %get3A_188] {strides = array<i32>} : memref<2x1000x16xf32, #tpu.memory_space<vmem>>, vector<16xf32>,
        %add3A_190 = arith.addf %get3A_184, %get3A_189 : vector<16xf32>
        %swap3A_191 = arith.index_cast %scan3A_181 : i32 to index
        %swap3A_192 = arith.constant 0 : index
        %swap3A_193 = tpu.vector_load %arg10[%swap3A_191, %swap3A_192] {strides = array<i32>} : memref<640x16xf32, #tpu.memory_space<vmem>>, vector<16xf32>,
        tpu.vector_store %arg10[%swap3A_191, %swap3A_192], %add3A_190 {strides = array<i32>} : memref<640x16xf32, #tpu.memory_space<vmem>>, vector<16xf32>,
      }
      %scan3A_83 = arith.constant 640 : i32
    } else {
    }
    %scan3A_71 = arith.constant 0 : i32
    %scan3A_72 = arith.constant 0 : i32
    %scan3A_73 = arith.constant 640 : i32
    %scan3A_74 = arith.addi %scan3A_72, %scan3A_73 : i32
    %scan3A_75 = arith.constant 8 : i32
    scf.for %scan3A_77 = %scan3A_72 to %scan3A_74 step %scan3A_75  : i32 {
      %broadcast_in_dim3A_78 = vector.broadcast %scan3A_77 : i32 to vector<16xi32>
      %gather3A = tpu.vector_load_idx %arg9[%broadcast_in_dim3A_78] : memref<640xf32, #tpu.memory_space<vmem>>[vector<16xi32>], vector<16xf32>,
      %get3A_79 = arith.index_cast %scan3A_77 : i32 to index
      %get3A_80 = arith.constant 0 : index
      %get3A_81 = tpu.vector_load %arg10[%get3A_79, %get3A_80] {strides = array<i32>} : memref<640x16xf32, #tpu.memory_space<vmem>>, vector<16xf32>,
      %mul3A_82 = arith.mulf %get3A_81, %gather3A : vector<16xf32>
      %swap3A = arith.index_cast %scan3A_77 : i32 to index
      %swap3A_83 = arith.constant 0 : index
      %swap3A_84 = tpu.vector_load %arg10[%swap3A, %swap3A_83] {strides = array<i32>} : memref<640x16xf32, #tpu.memory_space<vmem>>, vector<16xf32>,
      tpu.vector_store %arg10[%swap3A, %swap3A_83], %mul3A_82 {strides = array<i32>} : memref<640x16xf32, #tpu.memory_space<vmem>>, vector<16xf32>,
      %scan3A_85 = arith.constant 1 : i32
      %scan3A_86 = arith.addi %scan3A_77, %scan3A_85 : i32
      %broadcast_in_dim3A_87 = vector.broadcast %scan3A_86 : i32 to vector<16xi32>
      %gather3A_88 = tpu.vector_load_idx %arg9[%broadcast_in_dim3A_87] : memref<640xf32, #tpu.memory_space<vmem>>[vector<16xi32>], vector<16xf32>,
      %get3A_89 = arith.index_cast %scan3A_86 : i32 to index
      %get3A_90 = arith.constant 0 : index
      %get3A_91 = tpu.vector_load %arg10[%get3A_89, %get3A_90] {strides = array<i32>} : memref<640x16xf32, #tpu.memory_space<vmem>>, vector<16xf32>,
      %mul3A_92 = arith.mulf %get3A_91, %gather3A_88 : vector<16xf32>
      %swap3A_93 = arith.index_cast %scan3A_86 : i32 to index
      %swap3A_94 = arith.constant 0 : index
      %swap3A_95 = tpu.vector_load %arg10[%swap3A_93, %swap3A_94] {strides = array<i32>} : memref<640x16xf32, #tpu.memory_space<vmem>>, vector<16xf32>,
      tpu.vector_store %arg10[%swap3A_93, %swap3A_94], %mul3A_92 {strides = array<i32>} : memref<640x16xf32, #tpu.memory_space<vmem>>, vector<16xf32>,
      %scan3A_96 = arith.constant 2 : i32
      %scan3A_97 = arith.addi %scan3A_77, %scan3A_96 : i32
      %broadcast_in_dim3A_98 = vector.broadcast %scan3A_97 : i32 to vector<16xi32>
      %gather3A_99 = tpu.vector_load_idx %arg9[%broadcast_in_dim3A_98] : memref<640xf32, #tpu.memory_space<vmem>>[vector<16xi32>], vector<16xf32>,
      %get3A_100 = arith.index_cast %scan3A_97 : i32 to index
      %get3A_101 = arith.constant 0 : index
      %get3A_102 = tpu.vector_load %arg10[%get3A_100, %get3A_101] {strides = array<i32>} : memref<640x16xf32, #tpu.memory_space<vmem>>, vector<16xf32>,
      %mul3A_103 = arith.mulf %get3A_102, %gather3A_99 : vector<16xf32>
      %swap3A_104 = arith.index_cast %scan3A_97 : i32 to index
      %swap3A_105 = arith.constant 0 : index
      %swap3A_106 = tpu.vector_load %arg10[%swap3A_104, %swap3A_105] {strides = array<i32>} : memref<640x16xf32, #tpu.memory_space<vmem>>, vector<16xf32>,
      tpu.vector_store %arg10[%swap3A_104, %swap3A_105], %mul3A_103 {strides = array<i32>} : memref<640x16xf32, #tpu.memory_space<vmem>>, vector<16xf32>,
      %scan3A_107 = arith.constant 3 : i32
      %scan3A_108 = arith.addi %scan3A_77, %scan3A_107 : i32
      %broadcast_in_dim3A_109 = vector.broadcast %scan3A_108 : i32 to vector<16xi32>
      %gather3A_110 = tpu.vector_load_idx %arg9[%broadcast_in_dim3A_109] : memref<640xf32, #tpu.memory_space<vmem>>[vector<16xi32>], vector<16xf32>,
      %get3A_111 = arith.index_cast %scan3A_108 : i32 to index
      %get3A_112 = arith.constant 0 : index
      %get3A_113 = tpu.vector_load %arg10[%get3A_111, %get3A_112] {strides = array<i32>} : memref<640x16xf32, #tpu.memory_space<vmem>>, vector<16xf32>,
      %mul3A_114 = arith.mulf %get3A_113, %gather3A_110 : vector<16xf32>
      %swap3A_115 = arith.index_cast %scan3A_108 : i32 to index
      %swap3A_116 = arith.constant 0 : index
      %swap3A_117 = tpu.vector_load %arg10[%swap3A_115, %swap3A_116] {strides = array<i32>} : memref<640x16xf32, #tpu.memory_space<vmem>>, vector<16xf32>,
      tpu.vector_store %arg10[%swap3A_115, %swap3A_116], %mul3A_114 {strides = array<i32>} : memref<640x16xf32, #tpu.memory_space<vmem>>, vector<16xf32>,
      %scan3A_118 = arith.constant 4 : i32
      %scan3A_119 = arith.addi %scan3A_77, %scan3A_118 : i32
      %broadcast_in_dim3A_120 = vector.broadcast %scan3A_119 : i32 to vector<16xi32>
      %gather3A_121 = tpu.vector_load_idx %arg9[%broadcast_in_dim3A_120] : memref<640xf32, #tpu.memory_space<vmem>>[vector<16xi32>], vector<16xf32>,
      %get3A_122 = arith.index_cast %scan3A_119 : i32 to index
      %get3A_123 = arith.constant 0 : index
      %get3A_124 = tpu.vector_load %arg10[%get3A_122, %get3A_123] {strides = array<i32>} : memref<640x16xf32, #tpu.memory_space<vmem>>, vector<16xf32>,
      %mul3A_125 = arith.mulf %get3A_124, %gather3A_121 : vector<16xf32>
      %swap3A_126 = arith.index_cast %scan3A_119 : i32 to index
      %swap3A_127 = arith.constant 0 : index
      %swap3A_128 = tpu.vector_load %arg10[%swap3A_126, %swap3A_127] {strides = array<i32>} : memref<640x16xf32, #tpu.memory_space<vmem>>, vector<16xf32>,
      tpu.vector_store %arg10[%swap3A_126, %swap3A_127], %mul3A_125 {strides = array<i32>} : memref<640x16xf32, #tpu.memory_space<vmem>>, vector<16xf32>,
      %scan3A_129 = arith.constant 5 : i32
      %scan3A_130 = arith.addi %scan3A_77, %scan3A_129 : i32
      %broadcast_in_dim3A_131 = vector.broadcast %scan3A_130 : i32 to vector<16xi32>
      %gather3A_132 = tpu.vector_load_idx %arg9[%broadcast_in_dim3A_131] : memref<640xf32, #tpu.memory_space<vmem>>[vector<16xi32>], vector<16xf32>,
      %get3A_133 = arith.index_cast %scan3A_130 : i32 to index
      %get3A_134 = arith.constant 0 : index
      %get3A_135 = tpu.vector_load %arg10[%get3A_133, %get3A_134] {strides = array<i32>} : memref<640x16xf32, #tpu.memory_space<vmem>>, vector<16xf32>,
      %mul3A_136 = arith.mulf %get3A_135, %gather3A_132 : vector<16xf32>
      %swap3A_137 = arith.index_cast %scan3A_130 : i32 to index
      %swap3A_138 = arith.constant 0 : index
      %swap3A_139 = tpu.vector_load %arg10[%swap3A_137, %swap3A_138] {strides = array<i32>} : memref<640x16xf32, #tpu.memory_space<vmem>>, vector<16xf32>,
      tpu.vector_store %arg10[%swap3A_137, %swap3A_138], %mul3A_136 {strides = array<i32>} : memref<640x16xf32, #tpu.memory_space<vmem>>, vector<16xf32>,
      %scan3A_140 = arith.constant 6 : i32
      %scan3A_141 = arith.addi %scan3A_77, %scan3A_140 : i32
      %broadcast_in_dim3A_142 = vector.broadcast %scan3A_141 : i32 to vector<16xi32>
      %gather3A_143 = tpu.vector_load_idx %arg9[%broadcast_in_dim3A_142] : memref<640xf32, #tpu.memory_space<vmem>>[vector<16xi32>], vector<16xf32>,
      %get3A_144 = arith.index_cast %scan3A_141 : i32 to index
      %get3A_145 = arith.constant 0 : index
      %get3A_146 = tpu.vector_load %arg10[%get3A_144, %get3A_145] {strides = array<i32>} : memref<640x16xf32, #tpu.memory_space<vmem>>, vector<16xf32>,
      %mul3A_147 = arith.mulf %get3A_146, %gather3A_143 : vector<16xf32>
      %swap3A_148 = arith.index_cast %scan3A_141 : i32 to index
      %swap3A_149 = arith.constant 0 : index
      %swap3A_150 = tpu.vector_load %arg10[%swap3A_148, %swap3A_149] {strides = array<i32>} : memref<640x16xf32, #tpu.memory_space<vmem>>, vector<16xf32>,
      tpu.vector_store %arg10[%swap3A_148, %swap3A_149], %mul3A_147 {strides = array<i32>} : memref<640x16xf32, #tpu.memory_space<vmem>>, vector<16xf32>,
      %scan3A_151 = arith.constant 7 : i32
      %scan3A_152 = arith.addi %scan3A_77, %scan3A_151 : i32
      %broadcast_in_dim3A_153 = vector.broadcast %scan3A_152 : i32 to vector<16xi32>
      %gather3A_154 = tpu.vector_load_idx %arg9[%broadcast_in_dim3A_153] : memref<640xf32, #tpu.memory_space<vmem>>[vector<16xi32>], vector<16xf32>,
      %get3A_155 = arith.index_cast %scan3A_152 : i32 to index
      %get3A_156 = arith.constant 0 : index
      %get3A_157 = tpu.vector_load %arg10[%get3A_155, %get3A_156] {strides = array<i32>} : memref<640x16xf32, #tpu.memory_space<vmem>>, vector<16xf32>,
      %mul3A_158 = arith.mulf %get3A_157, %gather3A_154 : vector<16xf32>
      %swap3A_159 = arith.index_cast %scan3A_152 : i32 to index
      %swap3A_160 = arith.constant 0 : index
      %swap3A_161 = tpu.vector_load %arg10[%swap3A_159, %swap3A_160] {strides = array<i32>} : memref<640x16xf32, #tpu.memory_space<vmem>>, vector<16xf32>,
      tpu.vector_store %arg10[%swap3A_159, %swap3A_160], %mul3A_158 {strides = array<i32>} : memref<640x16xf32, #tpu.memory_space<vmem>>, vector<16xf32>,
    }
    %scan3A_76 = arith.constant 640 : i32
    "tpu.region"() ({
      %run_scoped3A_77 = tpu.sem_alloc : memref<!tpu.dma_semaphore, #tpu.memory_space<semaphore_mem>>
      %dma_start3A_78 = arith.constant 0 : i32
      %dma_start3A_79 = tpu.memref_slice %arg4[%arg0, %mul3A_2, %dma_start3A_78] : memref<2x10240x16xf32, #tpu.memory_space<hbm>> -> memref<1x640x16xf32, #tpu.memory_space<hbm>>
      %dma_start3A_80 = tpu.memref_squeeze %dma_start3A_79 : memref<1x640x16xf32, #tpu.memory_space<hbm>> -> memref<640x16xf32, #tpu.memory_space<hbm>>
      %dma_start3A_81 = arith.constant 0 : i32
      %dma_start3A_82 = tpu.memref_slice %arg4[%arg0, %mul3A_2, %dma_start3A_81] : memref<2x10240x16xf32, #tpu.memory_space<hbm>> -> memref<1x640x16xf32, #tpu.memory_space<hbm>>
      %dma_start3A_83 = tpu.memref_squeeze %dma_start3A_82 : memref<1x640x16xf32, #tpu.memory_space<hbm>> -> memref<640x16xf32, #tpu.memory_space<hbm>>
      tpu.enqueue_dma source(%arg10 : memref<640x16xf32, #tpu.memory_space<vmem>>) target(%dma_start3A_83 : memref<640x16xf32, #tpu.memory_space<hbm>>) target_semaphore(%run_scoped3A_77 : memref<!tpu.dma_semaphore, #tpu.memory_space<semaphore_mem>>)
      %dma_wait3A = arith.constant 0 : i32
      %dma_wait3A_84 = tpu.memref_slice %arg4[%arg0, %mul3A_2, %dma_wait3A] : memref<2x10240x16xf32, #tpu.memory_space<hbm>> -> memref<1x640x16xf32, #tpu.memory_space<hbm>>
      %dma_wait3A_85 = tpu.memref_squeeze %dma_wait3A_84 : memref<1x640x16xf32, #tpu.memory_space<hbm>> -> memref<640x16xf32, #tpu.memory_space<hbm>>
      %dma_wait3A_86 = arith.constant 0 : i32
      %dma_wait3A_87 = tpu.memref_slice %arg4[%arg0, %mul3A_2, %dma_wait3A_86] : memref<2x10240x16xf32, #tpu.memory_space<hbm>> -> memref<1x640x16xf32, #tpu.memory_space<hbm>>
      %dma_wait3A_88 = tpu.memref_squeeze %dma_wait3A_87 : memref<1x640x16xf32, #tpu.memory_space<hbm>> -> memref<640x16xf32, #tpu.memory_space<hbm>>
      tpu.wait_dma2 semaphore(%run_scoped3A_77 : memref<!tpu.dma_semaphore, #tpu.memory_space<semaphore_mem>>) src(%arg10 : memref<640x16xf32, #tpu.memory_space<vmem>>) dst(%dma_wait3A_88 : memref<640x16xf32, #tpu.memory_space<hbm>>)
      tpu.yield
    }) : () -> ()
    return
  }
}

module attributes {stable_mosaic.version = 14 : i64} {
  func.func @_mm_body(%arg0: i32, %arg1: memref<1024x128xf32, #tpu.memory_space<vmem>>, %arg2: memref<128x16xf32, #tpu.memory_space<vmem>>, %arg3: memref<1024x16xf32, #tpu.memory_space<vmem>>) attributes {dimension_semantics = [#tpu.dimension_semantics<arbitrary>], iteration_bounds = array<i64: 10>, scalar_prefetch = 0 : i64, scratch_operands = 0 : i64, tpu.core_type = #tpu.core_type<tc>, window_params = [{transform_indices = @transform_0, window_bounds = array<i64: 1024, 128>}, {pipeline_mode = #tpu.pipeline_mode<synchronous>, transform_indices = @transform_1, window_bounds = array<i64: 128, 16>}, {transform_indices = @transform_2, window_bounds = array<i64: 1024, 16>}]} {
    %get3A = arith.constant 0 : index
    %get3A_0 = arith.constant 0 : index
    %get3A_1 = vector.load %arg1[%get3A, %get3A_0] : memref<1024x128xf32, #tpu.memory_space<vmem>>, vector<1024x128xf32>
    %get3A_2 = arith.constant 0 : index
    %get3A_3 = arith.constant 0 : index
    %get3A_4 = vector.load %arg2[%get3A_2, %get3A_3] : memref<128x16xf32, #tpu.memory_space<vmem>>, vector<128x16xf32>
    %dot_general3A = arith.constant dense<0.000000e+00> : vector<1024x16xf32>
    %dot_general3A_5 = tpu.matmul %get3A_1, %get3A_4, %dot_general3A {dimension_numbers = #tpu.dot_dimension_numbers<[1], [0], [0], [1], [0, 0, 1, 1], [], []>, transpose_lhs_hint = false} : vector<1024x128xf32>, vector<128x16xf32>, vector<1024x16xf32> -> vector<1024x16xf32>
    %swap3A = arith.constant 0 : index
    %swap3A_6 = arith.constant 0 : index
    %swap3A_7 = vector.load %arg3[%swap3A, %swap3A_6] : memref<1024x16xf32, #tpu.memory_space<vmem>>, vector<1024x16xf32>
    tpu.vector_store %arg3[%swap3A, %swap3A_6], %dot_general3A_5 {strides = array<i32>} : memref<1024x16xf32, #tpu.memory_space<vmem>>, vector<1024x16xf32>,
    return
  }
  func.func @transform_0(%arg0: i32) -> (i32, i32) {
    %c0_i32 = arith.constant 0 : i32
    %c0_i32_0 = arith.constant 0 : i32
    return %arg0, %c0_i32 : i32, i32
  }
  func.func @transform_1(%arg0: i32) -> (i32, i32) {
    %c0_i32 = arith.constant 0 : i32
    %c0_i32_0 = arith.constant 0 : i32
    %c0_i32_1 = arith.constant 0 : i32
    return %c0_i32, %c0_i32_0 : i32, i32
  }
  func.func @transform_2(%arg0: i32) -> (i32, i32) {
    %c0_i32 = arith.constant 0 : i32
    %c0_i32_0 = arith.constant 0 : i32
    return %arg0, %c0_i32 : i32, i32
  }
}

module attributes {stable_mosaic.version = 14 : i64} {
  func.func @_fin_body(%arg0: i32, %arg1: memref<2x1024x16xf32, #tpu.memory_space<vmem>>, %arg2: memref<1x16xf32, #tpu.memory_space<vmem>>, %arg3: memref<1024x16xf32, #tpu.memory_space<vmem>>) attributes {dimension_semantics = [#tpu.dimension_semantics<arbitrary>], iteration_bounds = array<i64: 10>, scalar_prefetch = 0 : i64, scratch_operands = 0 : i64, tpu.core_type = #tpu.core_type<tc>, window_params = [{transform_indices = @transform_0, window_bounds = array<i64: 2, 1024, 16>}, {pipeline_mode = #tpu.pipeline_mode<synchronous>, transform_indices = @transform_1, window_bounds = array<i64: 1, 16>}, {transform_indices = @transform_2, window_bounds = array<i64: 1024, 16>}]} {
    %get3A = arith.constant 0 : index
    %get3A_0 = arith.constant 0 : index
    %get3A_1 = arith.constant 0 : index
    %get3A_2 = vector.load %arg1[%get3A, %get3A_0, %get3A_1] : memref<2x1024x16xf32, #tpu.memory_space<vmem>>, vector<1x1024x16xf32>
    %get3A_3 = vector.shape_cast %get3A_2 : vector<1x1024x16xf32> to vector<1024x16xf32>
    %get3A_4 = arith.constant 1 : index
    %get3A_5 = arith.constant 0 : index
    %get3A_6 = arith.constant 0 : index
    %get3A_7 = vector.load %arg1[%get3A_4, %get3A_5, %get3A_6] : memref<2x1024x16xf32, #tpu.memory_space<vmem>>, vector<1x1024x16xf32>
    %get3A_8 = vector.shape_cast %get3A_7 : vector<1x1024x16xf32> to vector<1024x16xf32>
    %add3A = arith.addf %get3A_3, %get3A_8 : vector<1024x16xf32>
    %get3A_9 = arith.constant 0 : index
    %get3A_10 = arith.constant 0 : index
    %get3A_11 = vector.load %arg2[%get3A_9, %get3A_10] : memref<1x16xf32, #tpu.memory_space<vmem>>, vector<1x16xf32>
    %get3A_12 = vector.shape_cast %get3A_11 : vector<1x16xf32> to vector<16xf32>
    %broadcast_in_dim3A = vector.shape_cast %get3A_12 : vector<16xf32> to vector<1x16xf32>
    %add3A_13 = vector.broadcast %broadcast_in_dim3A : vector<1x16xf32> to vector<1024x16xf32>
    %add3A_14 = arith.addf %add3A, %add3A_13 : vector<1024x16xf32>
    %swap3A = arith.constant 0 : index
    %swap3A_15 = arith.constant 0 : index
    %swap3A_16 = vector.load %arg3[%swap3A, %swap3A_15] : memref<1024x16xf32, #tpu.memory_space<vmem>>, vector<1024x16xf32>
    tpu.vector_store %arg3[%swap3A, %swap3A_15], %add3A_14 {strides = array<i32>} : memref<1024x16xf32, #tpu.memory_space<vmem>>, vector<1024x16xf32>,
    return
  }
  func.func @transform_0(%arg0: i32) -> (i32, i32, i32) {
    %c0_i32 = arith.constant 0 : i32
    %c0_i32_0 = arith.constant 0 : i32
    %c0_i32_1 = arith.constant 0 : i32
    return %c0_i32, %arg0, %c0_i32_0 : i32, i32, i32
  }
  func.func @transform_1(%arg0: i32) -> (i32, i32) {
    %c0_i32 = arith.constant 0 : i32
    %c0_i32_0 = arith.constant 0 : i32
    %c0_i32_1 = arith.constant 0 : i32
    return %c0_i32, %c0_i32_0 : i32, i32
  }
  func.func @transform_2(%arg0: i32) -> (i32, i32) {
    %c0_i32 = arith.constant 0 : i32
    %c0_i32_0 = arith.constant 0 : i32
    return %arg0, %c0_i32 : i32, i32
  }
}

</mosaic_0001>

<sc_bundles>
// kernel: kernel.5.cloned.1.call-start
scs
__scs_entry_jumppad:
0x0: {  	(pc) =	sbr.rel $0x88, $3  }
0x1: {  	(tag) =	ssettag $0x0;
	lr =	simm.s32 $0x1  }
0x2: {  	[smem:$0x3F9D] =	sst lr;
	_ =	strace $0xD0000000  }
0x3: {  	_ = 	snop  }
0x4: {  	_ = 	snop  }
0x5: {  	_ = 	snop  }
0x6: {  	_ = 	snop  }
0x7: {  	_ = 	snop  }
__scs_overlays_trampoline_lowered:
0x8: {  	[smem:$0x3FAC] =	sst s0  }
0x9: {  	[smem:$0x3FAD] =	sst s1  }
0xa: {  	[smem:$0x3FAE] =	sst s2  }
0xb: {  	[smem:$0x3FAF] =	sst s3  }
0xc: {  	[smem:$0x3FB0] =	sst s4  }
0xd: {  	[smem:$0x3FB1] =	sst s5  }
0xe: {  	[smem:$0x3FB2] =	sst s6  }
0xf: {  	[smem:$0x3FB3] =	sst s7  }
0x10: {  	[smem:$0x3FB4] =	sst s8  }
0x11: {  	[smem:$0x3FB5] =	sst s9;
	s0 =	simm.s32 @!p0 $0x0  }
0x12: {  	s1 =	sld [smem:$0x3F9B];
	s0 =	simm.s32 @p0 $0x1  }
0x13: {  	[smem:$0x3FB6] =	sst s0;
	s0 =	simm.s32 @!p1 $0x0  }
0x14: {  	s2 =	sld [smem:$0x3F9A];
	s0 =	simm.s32 @p1 $0x1  }
0x15: {  	[smem:$0x3FB7] =	sst s0;
	s0 =	simm.s32 @!p2 $0x0  }
0x16: {  	s3 =	sld [smem:$0x3FDB];
	s0 =	simm.s32 @p2 $0x1  }
0x17: {  	s4 =	simm.s32 $0x1BF5;
	[smem:$0x3FB9] =	sst s0  }
0x18: {  	s0 =	sld [smem:$0x3F9C];
	_ =	swait.ge [sflag:s4], $0x0  }
0x19: {  	s7 =	sld [smem:$0x3F9D]  }
0x1a: {  	s8 =	sadd.s32 $0xFFFFE003, lr  }
0x1b: {  	s9 =	sadd.s32 $0xFFFFFEF7, lr;
	s5 =	simm.s32 $0xFFFFFFFF;
	p2 =	slt.u32 s8, $0xFFFFF086  }
0x1c: {  	p1 =	slt.u32 s9, $0xF7A;
	s5 =	simm.s32 @!p2 $0x0  }
0x1d: {  	s5 =	simm.s32 @p1 $0x1;
	p0 =	seq.s32 s7, s2  }
0x1e: {  	s7 =	smul.u32 @!p0 $0xF7A, s2;
	p2 =	seq.s32 @!p0 s5, $0x0  }
0x1f: {  	s9 =	smul.u32 $0xF7A, s1;
	s8 =	simm.s32 @!p0 $0x1BF5;
	p2 =	por !p2, p0  }
0x20: {  	[sflag:s8] =	ssyncset.s32 @!p0 $0xFFFFF086;
	s6 =	sadd.s32 @!p0 s3, s7;
	s7 =	simm.s32 @!p0 $0x108  }
0x21: {  	s3 =	sadd.s32 s3, s9;
	s6 =	sadd.s32 @!p0 $0x88, s6;
	s7 =	simm.s32 @p2 $0x1082  }
0x22: {  	[simem:s7], [sflag:s8] =	dma.local @!p0 [hbm:s6], $0xF7A  }
0x23: {  	s9 =	sor.u32 $0xD0000000, s2;
	s6 =	simm.s32 $0x108;
	_ =	swait.ge @!p0 [sflag:s8], $0x0  }
0x24: {  	s3 =	sadd.s32 $0x88, s3;
	s6 =	simm.s32 @!p1 $0x1082;
	[sflag:s4] =	ssyncset.s32 $0xFFFFF086  }
0x25: {  	[simem:s6], [sflag:s4] =	dma.local [hbm:s3], $0xF7A  }
0x26: {  	[smem:$0x3F9D] =	sst s1;
	(tag) =	ssettag s2;
	_ =	strace s9  }
0x27: {  	s1 =	sld [smem:$0x3FAD]  }
0x28: {  	s2 =	sld [smem:$0x3FAE]  }
0x29: {  	s4 =	sld [smem:$0x3FB0]  }
0x2a: {  	p0 =	seq.s32 s5, $0x0;
	s5 =	sld [smem:$0x3FB1]  }
0x2b: {  	s6 =	sld [smem:$0x3FB2]  }
0x2c: {  	s7 =	sld [smem:$0x3FB3]  }
0x2d: {  	s3 =	simm.s32 $0x108;
	s8 =	sld [smem:$0x3FB4]  }
0x2e: {  	s3 =	simm.s32 @!p0 $0x1082;
	s9 =	sld [smem:$0x3FB5]  }
0x2f: {  	lr =	sadd.s32 s0, s3;
	s0 =	sld [smem:$0x3FAC]  }
0x30: {  	s3 =	sld [smem:$0x3FAF]  }
0x31: {  	[smem:$0x3FB8] =	sst s10  }
0x32: {  	s10 =	sld [smem:$0x3FB6];
	_ =	sdelay $0x3  }
0x33: {  	p0 =	seq.s32 s10, $0x1;
	s10 =	sld [smem:$0x3FB8];
	_ =	sdelay $0x3  }
0x34: {  	[smem:$0x3FB8] =	sst s10  }
0x35: {  	s10 =	sld [smem:$0x3FB7];
	_ =	sdelay $0x3  }
0x36: {  	p1 =	seq.s32 s10, $0x1;
	s10 =	sld [smem:$0x3FB8];
	_ =	sdelay $0x3  }
0x37: {  	[smem:$0x3FB8] =	sst s10  }
0x38: {  	s10 =	sld [smem:$0x3FB9]  }
0x39: {  	_ = 	snop;
	(pc) =	sbr.ind lr, $3  }
0x3a: {  	_ = 	snop  }
0x3b: {  	_ = 	snop  }
0x3c: {  	p2 =	seq.s32 s10, $0x1;
	s10 =	sld [smem:$0x3FB8]  }
0x3d: {  	_ =	shalt  }
0x3e: {  	_ =	shalt  }
0x3f: {  	_ =	shalt  }
0x40: {  	_ =	shalt  }
0x41: {  	_ =	shalt  }
0x42: {  	_ =	shalt  }
0x43: {  	_ =	shalt  }
0x44: {  	_ =	shalt  }
0x45: {  	_ =	shalt  }
0x46: {  	_ =	shalt  }
0x47: {  	_ =	shalt  }
0x48: {  	_ =	shalt  }
0x49: {  	_ =	shalt  }
0x4a: {  	_ =	shalt  }
0x4b: {  	_ =	shalt  }
0x4c: {  	_ =	shalt  }
0x4d: {  	_ =	shalt  }
0x4e: {  	_ =	shalt  }
0x4f: {  	_ =	shalt  }
0x50: {  	_ =	shalt  }
0x51: {  	_ =	shalt  }
0x52: {  	_ =	shalt  }
0x53: {  	_ =	shalt  }
0x54: {  	_ =	shalt  }
0x55: {  	_ =	shalt  }
0x56: {  	_ =	shalt  }
0x57: {  	_ =	shalt  }
0x58: {  	_ =	shalt  }
0x59: {  	_ =	shalt  }
0x5a: {  	_ =	shalt  }
0x5b: {  	_ =	shalt  }
0x5c: {  	_ =	shalt  }
0x5d: {  	_ =	shalt  }
0x5e: {  	_ =	shalt  }
0x5f: {  	_ =	shalt  }
0x60: {  	_ =	shalt  }
0x61: {  	_ =	shalt  }
0x62: {  	_ =	shalt  }
0x63: {  	_ =	shalt  }
0x64: {  	_ =	shalt  }
0x65: {  	_ =	shalt  }
0x66: {  	_ =	shalt  }
0x67: {  	_ =	shalt  }
0x68: {  	_ =	shalt  }
0x69: {  	_ =	shalt  }
0x6a: {  	_ =	shalt  }
0x6b: {  	_ =	shalt  }
0x6c: {  	_ =	shalt  }
0x6d: {  	_ =	shalt  }
0x6e: {  	_ =	shalt  }
0x6f: {  	_ =	shalt  }
0x70: {  	_ =	shalt  }
0x71: {  	_ =	shalt  }
0x72: {  	_ =	shalt  }
0x73: {  	_ =	shalt  }
0x74: {  	_ =	shalt  }
0x75: {  	_ =	shalt  }
0x76: {  	_ =	shalt  }
0x77: {  	_ =	shalt  }
0x78: {  	_ =	shalt  }
0x79: {  	_ =	shalt  }
0x7a: {  	_ =	shalt  }
0x7b: {  	_ =	shalt  }
0x7c: {  	_ =	shalt  }
0x7d: {  	_ =	shalt  }
0x7e: {  	_ =	shalt  }
0x7f: {  	_ =	shalt  }
0x80: {  	_ =	shalt  }
0x81: {  	_ =	shalt  }
0x82: {  	_ =	shalt  }
0x83: {  	_ =	shalt  }
0x84: {  	_ =	shalt  }
0x85: {  	_ =	shalt  }
0x86: {  	_ =	shalt  }
0x87: {  	_ =	shalt  }
.Lfunc_end0:
.L_simem_size_0:
called_computation_lowered:
.L_overlay_start_0:
0x88: {  	s2 =	sld [smem:$0x3FD9]  }
0x89: {  	s3 =	sld [smem:$0x3FFE];
	_ =	sdelay $0x1  }
0x8a: {  	s1 =	srdreg.scid  }
0x8b: {  	s0 =	sand.u32 $0x1, s1  }
0x8c: {  	s16 =	sshll.u32 s0, $0xA;
	s2 =	sadd.s32 s3, s2  }
0x8d: {  	s2 =	sadd.s32 s2, s16  }
0x8e: {  	[smem:$0x3FC4] =	sst s2  }
0x8f: {  	_ = 	snop  }
0x90: {  	(tm) =	ssettm $0x1  }
0x91: {  	s17 =	sld [smem:$0x3FFB];
	_ =	sdelay $0x3  }
0x92: {  	_ =	strace s17  }
0x93: {  	s2 =	sld [smem:$0x3FFC];
	_ =	sdelay $0x3  }
0x94: {  	_ =	strace s2  }
0x95: {  	s2 =	sld [smem:$0x3FFD];
	_ =	sdelay $0x3  }
0x96: {  	_ =	strace s2  }
0x97: {  	_ =	strace $0x8FFFFFFF  }
0x98: {  	s18 =	sld [smem:$0x3FDB];
	_ =	sdelay $0x1  }
0x99: {  	s19 =	simm.s32 $_scs_section_size  }
0x9a: {  	s4 =	simm.s32 $_size__tile_overlayer_lowered;
	s5 =	simm.s32 $_tile_overlayer_lowered  }
0x9b: {  	s22 =	simm.s32 $0x1BFF;
	s21 =	sshll.u32 s5, $0x1;
	s2 =	sadd.s32 s19, s18  }
0x9c: {  	s6 =	simm.s32 $0x0;
	s20 =	sshll.u32 s4, $0x1;
	s4 =	sadd.s32 s21, s2  }
0x9d: {  	[timem:s6], [sflag:s22] =	dma.local [hbm:s4], s20  }
0x9e: {  	_ =	swait.ge [sflag:s22], s20  }
0x9f: {  	s3 =	ssub.s32 $0x0, s20;
	[sflag:s22] =	ssyncset.done $0x0  }
0xa0: {  	[sflag:s22] =	ssyncadd.s32 s3;
	_ =	sdelay $0x1  }
0xa1: {  	s23 =	simm.s32 $0x1B8B  }
0xa2: {  	_ =	swait.ge [sflag:s23], $0x1  }
0xa3: {  	[sflag:s23] =	ssyncset.done $0x0  }
0xa4: {  	s25 =	simm.s32 $0x1B8E;
	s24 =	sld [smem:$0x3FFE];
	[sflag:s23] =	ssyncadd.s32 $0xFFFFFFFF  }
0xa5: {  	s26 =	simm.s32 $execute0_lowered;
	[smem:$0x3FD2] =	sst s25  }
0xa6: {  	s4 =	sshll.u32 s26, $0x1;
	_ =	strace $0x80000046;
	[dreg:$0x1] =	wrdreg $0xFFFFFFFF  }
0xa7: {  	s28 =	simm.s32 $_size_execute0_lowered;
	s2 =	sadd.s32 s2, s4;
	[dreg:$0x0] =	wrdreg $0x0  }
0xa8: {  	s4 =	sshll.u32 s28, $0x1;
	[dreg:$0x2] =	wrdreg s2  }
0xa9: {  	[dreg:$0x3] =	wrdreg s4  }
0xaa: {  	[dreg:$0x4] =	wrdreg $0xC0  }
0xab: {  	_ =	task [dreg:s6], $0x5FFFF  }
0xac: {  	[dreg:$0x1] =	wrdreg $0xFFFFFFFF  }
0xad: {  	[dreg:$0x0] =	wrdreg $0x60  }
0xae: {  	[dreg:$0x2] =	wrdreg s24  }
0xaf: {  	[dreg:$0x3] =	wrdreg $0x193C00  }
0xb0: {  	[dreg:$0x4] =	wrdreg $0x1BBC00  }
0xb1: {  	[dreg:$0x5] =	wrdreg $0x9  }
0xb2: {  	_ =	task.clear_ibuf [dreg:s6], $0x6FFFF;
	_ =	strace $0x90000046  }
0xb3: {  	s29 =	simm.s32 $0x9;
	_ =	strace $0x80000048  }
0xb4: {  	_ =	swait.ge [sflag:s29], $0x1  }
0xb5: {  	[sflag:s29] =	ssyncadd.s32 $0xFFFFFFFF  }
0xb6: {  	_ =	strace $0x90000048  }
0xb7: {  	_ =	sfence  }
0xb8: {  	s30 =	sld [smem:$0x0];
	_ =	sdelay $0x2  }
0xb9: {  	s31 =	sshll.u32 s1, $0xD;
	s1 =	sshrl.u32 s1, $0x2  }
0xba: {  	s3 =	sand.u32 $0x4000, s31;
	s1 =	sadd.s32 s1, s30  }
0xbb: {  	s0 =	sor.u32 s3, s0;
	s1 =	sshll.u32 s1, $0x11  }
0xbc: {  	s0 =	sor.u32 s1, s0  }
0xbd: {  	s0 =	sadd.s32 $0x8F2B, s0  }
0xbe: {  	[sflag:s0] =	ssyncadd.remote.s32 $0x1  }
0xbf: {  	_ =	sfence.sel $0xFFFF  }
0xc0: {  	[dreg:$0x0] =	wrdreg $0xFFFFFFFF;
	(pc) =	sbr.abs _section_cstart, $3  }
0xc1: {  	[dreg:$0x1] =	wrdreg $0xFFFFFFFF  }
0xc2: {  	_ =	task.clear_ibuf [dreg:s6], $0x2FFFF;
	_ =	strace $0x9FFFFFFF  }
0xc3: {  	(tm) =	ssettm $0x7FFFFFFF  }
tec
execute0_lowered:
.L_overlay_start_1:
0x0: {  	(tag) =	ssettag $0x1  }
0x1: {  	s0 =	rddreg [dreg:$0x0]  }
0x2: {  	s15 =	stileid.u32;
	s10 =	rddreg [dreg:$0x1]  }
0x3: {  	s1 =	srdreg.scid;
	s2 =	rddreg [dreg:$0x2];
	s3 =	simm.s32 $0x0  }
0x4: {  	s16 =	simm.s32 $0x4E20;
	s17 =	simm.s32 $0xC8A0;
	s18 =	simm.s32 $0xEFB0  }
0x5: {  	s19 =	simm.s32 $0xA0A0;
	s23 =	simm.s32 $0x9E20;
	s24 =	simm.s32 $0x3E8  }
0x6: {  	s28 =	simm.s32 $0x15540;
	s29 =	simm.s32 $0x1;
	s9 =	smul.u32 $0x2800, s15  }
0x7: {  	s30 =	simm.s32 $0x4;
	s22 =	simm.s32 $0x112D8;
	s5 =	smul.u32 $0x4E20, s15  }
0x8: {  	s1 =	sand.u32 $0x1, s1;
	[smem:$0x7FF] =	sst s3;
	s8 =	smul.u32 $0xA000, s15  }
0x9: {  	s7 =	sadd.s32 $0xC00, s0;
	s4 =	smul.u32 $0x28000, s1;
	_ =	strace $0x80000047  }
0xa: {  	s25 =	sshll.u32 s1, $0x4;
	s6 =	ssub.s32 $0x2, s1;
	p0 =	sne.s32 s1, $0x0  }
0xb: {  	s1 =	simm.s32 $0x2;
	s12 =	sshrl.u32 s9, $0x3;
	s14 =	sshrl.u32 s6, $0x1  }
0xc: {  	s5 =	sshrl.u32 s5, $0x3;
	s26 =	sshrl.u32 s8, $0x2;
	s4 =	sadd.s32 s9, s4  }
0xd: {  	s11 =	sadd.s32 s12, s0;
	s14 =	ssub.s32 s6, s14;
	s5 =	sadd.s32 s7, s5  }
0xe: {  	s6 =	sadd.s32 s26, s10;
	s9 =	sadd.s32 s9, s2;
	s4 =	sshrl.u32 s4, $0x3  }
0xf: {  	s13 =	sadd.s32 s4, s0;
	s4 =	sadd.s32 $0x19600, s0;
	s0 =	sor.u32 s15, s25  }
0x10: {  	s26 =	simm.s32 $0x0;
	s5 =	sadd.s32 $0x9C40, s5;
	s0 =	smul.u32 $0x2710, s0  }
0x11: {  	s11 =	sadd.s32 $0x14600, s11;
	s14 =	smax.u32 s14, $0x1;
	s15 =	smul.u32 $0xA00, s15  }
0x12: {  	s25 =	simm.s32 $0x116C0;
	s12 =	sadd.s32 s4, s12;
	s0 =	sshrl.u32 s0, $0x3  }
0x13: {  	v2 =	vimm.s32 $0x0;
	vm0 =	vcmask $0x300;
	s13 =	sadd.s32 $0x1E600, s13;
	s31 =	sshrl.u32 s15, $0x2;
	s7 =	sadd.s32 s7, s0  }
0x14: {  	v0 =	vimm.f32 $0.0e+00;
	v1 =	vimm.f32 $1.000000000e+00;
	v2 =	vsel vm0, $0x3, v2;
	s15 =	simm.s32 $0x3;
	s10 =	sadd.s32 s31, s10;
	s8 =	sadd.s32 $0x9C40, s7  }
.LBB2_1:
0x15: {  	[tilespmem:s3], [sflag:$0x3] =	stream.linear.gather [hbm4b:s5+s3], $0x4E20, $0x38;
	[tilespmem:$0x1E3C0] =	vst v63  }
0x16: {  	_ =	swait.ge [sflag:s15], $0x4E20  }
0x17: {  	[sflag:s15] =	ssyncset.done $0x0  }
0x18: {  	s21 =	simm.s32 $0x4E60;
	[sflag:s15] =	ssyncadd.s32 $0xFFFFB1E0  }
0x19: {  	[tilespmem:s21+$0xFFFFFFC0] =	vst v0  }
0x1a: {  	[tilespmem:s21+$0x30] =	vst v0  }
0x1b: {  	[tilespmem:s21+$0x20] =	vst v0  }
0x1c: {  	[tilespmem:s21+$0x10] =	vst v0  }
0x1d: {  	[tilespmem:s21+$0x0] =	vst v0  }
0x1e: {  	[tilespmem:s21+$0xFFFFFFF0] =	vst v0  }
0x1f: {  	s0 =	simm.s32 $0xFFFFFFF8;
	s31 =	simm.s32 $0x0;
	[tilespmem:s21+$0xFFFFFFE0] =	vst v0  }
.LBB2_2:
0x20: {  	s31 =	sadd.s32 $0x8, s31;
	[tilespmem:s21+$0xFFFFFFD0] =	vst v0;
	s21 =	sadd.s32 $0x80, s21;
	s20 =	simm.s32 $0x40  }
0x21: {  	[tilespmem:s21+$0xFFFFFFC0] =	vst v0;
	p1 =	slt.u32 s31, $0x278  }
0x22: {  	[tilespmem:s21+$0x30] =	vst v0  }
.Ltmp0:
0x23: {  	[tilespmem:s21+$0x20] =	vst v0;
	(pc) =	sbr.rel @p1 .LBB2_2-.Ltmp0, $4  }
0x24: {  	[tilespmem:s21+$0x10] =	vst v0  }
0x25: {  	[tilespmem:s21+$0x0] =	vst v0  }
0x26: {  	[tilespmem:s21+$0xFFFFFFF0] =	vst v0  }
0x27: {  	[tilespmem:s21+$0xFFFFFFE0] =	vst v0  }
0x28: {  	[tilespmem:s21+$0xFFFFFFD0] =	vst v0  }
.LBB2_4:
0x29: {  	v3 =	vld [tilespmem:s20+$0xFFFFFFC0];
	_ =	sdelay $0x7  }
0x2a: {  	[tilespmem:v3+s16+$0x0] =	vst.idx.add.f32.msk $0xffff, v1  }
0x2b: {  	v3 =	vld [tilespmem:s20+$0xFFFFFFD0];
	_ =	sdelay $0x7  }
0x2c: {  	[tilespmem:v3+s16+$0x0] =	vst.idx.add.f32.msk $0xffff, v1  }
0x2d: {  	v3 =	vld [tilespmem:s20+$0xFFFFFFE0];
	_ =	sdelay $0x7  }
0x2e: {  	[tilespmem:v3+s16+$0x0] =	vst.idx.add.f32.msk $0xffff, v1  }
0x2f: {  	v3 =	vld [tilespmem:s20+$0xFFFFFFF0];
	_ =	sdelay $0x7  }
0x30: {  	[tilespmem:v3+s16+$0x0] =	vst.idx.add.f32.msk $0xffff, v1  }
0x31: {  	v3 =	vld [tilespmem:s20+$0x0];
	_ =	sdelay $0x7  }
0x32: {  	[tilespmem:v3+s16+$0x0] =	vst.idx.add.f32.msk $0xffff, v1  }
0x33: {  	v3 =	vld [tilespmem:s20+$0x10];
	_ =	sdelay $0x7  }
0x34: {  	[tilespmem:v3+s16+$0x0] =	vst.idx.add.f32.msk $0xffff, v1  }
0x35: {  	v3 =	vld [tilespmem:s20+$0x20];
	_ =	sdelay $0x7  }
0x36: {  	[tilespmem:v3+s16+$0x0] =	vst.idx.add.f32.msk $0xffff, v1  }
0x37: {  	v3 =	vld [tilespmem:s20+$0x30];
	_ =	sdelay $0x1  }
0x38: {  	s0 =	sadd.s32 $0x8, s0  }
0x39: {  	p1 =	slt.u32 s0, $0x4D8  }
.Ltmp1:
0x3a: {  	_ = 	snop;
	(pc) =	sbr.rel @p1 .LBB2_4-.Ltmp1, $2  }
0x3b: {  	_ =	sdelay $0x2  }
0x3c: {  	s20 =	sadd.s32 $0x80, s20;
	[tilespmem:v3+s16+$0x0] =	vst.idx.add.f32.msk $0xffff, v1  }
0x3d: {  	v3 =	vld [tilespmem:$0x4E00];
	_ =	sdelay $0x7  }
0x3e: {  	[tilespmem:v3+s16+$0x0] =	vst.idx.add.f32.msk $0xffff, v1  }
0x3f: {  	v3 =	vld [tilespmem:$0x4E10];
	_ =	sdelay $0x7  }
0x40: {  	[tilespmem:v3+s16+$0x0] =	vst.idx.add.f32.msk $0xffff, v1  }
0x41: {  	[spmem:s6] =	stream.linear.scatter [tilespmem:s16], [sflag:$0x3], $0x2800, $0x38;
	[tilespmem:$0x1E3C0] =	vst v63  }
0x42: {  	_ =	swait.ge [sflag:s15], $0x2800  }
0x43: {  	[sflag:s15] =	ssyncset.done $0x0  }
0x44: {  	[sflag:s15] =	ssyncadd.s32 $0xFFFFD800  }
0x45: {  	[tilespmem:s17], [sflag:$0x3] =	stream.linear.gather [hbm4b:s7+s3], $0x2710, $0x38;
	[tilespmem:$0x1E3C0] =	vst v63  }
0x46: {  	_ =	swait.ge [sflag:s15], $0x2710  }
0x47: {  	[sflag:s15] =	ssyncset.done $0x0  }
0x48: {  	[sflag:s15] =	ssyncadd.s32 $0xFFFFD8F0  }
0x49: {  	[tilespmem:s18], [sflag:$0x3] =	stream.linear.gather [hbm4b:s8+s3], $0x2710, $0x38;
	[tilespmem:$0x1E3C0] =	vst v63  }
0x4a: {  	_ =	swait.ge [sflag:s15], $0x2710  }
0x4b: {  	[sflag:s15] =	ssyncset.done $0x0  }
0x4c: {  	s0 =	simm.s32 $0xA0E0;
	[sflag:s15] =	ssyncadd.s32 $0xFFFFD8F0  }
0x4d: {  	[tilespmem:s0+$0xFFFFFFC0] =	vst v0  }
0x4e: {  	[tilespmem:s0+$0x30] =	vst v0  }
0x4f: {  	[tilespmem:s0+$0x20] =	vst v0  }
0x50: {  	[tilespmem:s0+$0x10] =	vst v0  }
0x51: {  	[tilespmem:s0+$0x0] =	vst v0  }
0x52: {  	[tilespmem:s0+$0xFFFFFFF0] =	vst v0  }
0x53: {  	s20 =	simm.s32 $0x0;
	[tilespmem:s0+$0xFFFFFFE0] =	vst v0  }
.LBB2_6:
0x54: {  	s20 =	sadd.s32 $0x8, s20;
	[tilespmem:s0+$0xFFFFFFD0] =	vst v0;
	s0 =	sadd.s32 $0x80, s0  }
0x55: {  	[tilespmem:s0+$0xFFFFFFC0] =	vst v0;
	p1 =	slt.u32 s20, $0x278  }
0x56: {  	[tilespmem:s0+$0x30] =	vst v0  }
.Ltmp2:
0x57: {  	[tilespmem:s0+$0x20] =	vst v0;
	(pc) =	sbr.rel @p1 .LBB2_6-.Ltmp2, $4  }
0x58: {  	[tilespmem:s0+$0x10] =	vst v0  }
0x59: {  	[tilespmem:s0+$0x0] =	vst v0  }
0x5a: {  	[tilespmem:s0+$0xFFFFFFF0] =	vst v0  }
0x5b: {  	[tilespmem:s0+$0xFFFFFFE0] =	vst v0  }
0x5c: {  	[tilespmem:s0+$0xFFFFFFD0] =	vst v0  }
0x5d: {  	[spmem:s9] =	stream.linear.scatter [tilespmem:s19], [sflag:$0x3], $0x2800, $0x38;
	[tilespmem:$0x1E3C0] =	vst v63  }
0x5e: {  	_ =	swait.ge [sflag:s15], $0x2800  }
0x5f: {  	[sflag:s15] =	ssyncset.done $0x0  }
0x60: {  	s0 =	simm.s32 $0x280;
	[sflag:s15] =	ssyncadd.s32 $0xFFFFD800  }
0x61: {  	s20 =	simm.s32 $0x2800;
	s21 =	simm.s32 $0x7620;
	[bflag:$0x0] =	sbarrier.arrive $0xFFFF  }
0x62: {  	[tilespmem:s21], [sflag:$0x3] =	stream.strided.gather [spmem:s10], $0x2800, s20, s0, $0x38;
	[tilespmem:$0x1E3C0] =	vst v63  }
0x63: {  	_ =	swait.ge [sflag:s15], $0x2800  }
0x64: {  	[sflag:s15] =	ssyncset.done $0x0  }
0x65: {  	s31 =	simm.s32 $0x8A20;
	[sflag:s15] =	ssyncadd.s32 $0xFFFFD800  }
0x66: {  	v3 =	vld [tilespmem:s31+$0xFFFFEE80]  }
0x67: {  	v4 =	vld [tilespmem:s31+$0xFFFFEC00];
	_ =	sdelay $0x1  }
0x68: {  	v5 =	vld [tilespmem:s31+$0xFFFFF100];
	_ =	sdelay $0x1  }
0x69: {  	v6 =	vld [tilespmem:s31+$0xFFFFF380]  }
0x6a: {  	v3 =	vadd.f32 v3, v4  }
0x6b: {  	v4 =	vld [tilespmem:s31+$0xFFFFF600]  }
0x6c: {  	v3 =	vadd.f32 v5, v3  }
0x6d: {  	v5 =	vld [tilespmem:s31+$0xFFFFF880]  }
0x6e: {  	v3 =	vadd.f32 v6, v3  }
0x6f: {  	v6 =	vld [tilespmem:s31+$0xFFFFFB00]  }
0x70: {  	v3 =	vadd.f32 v4, v3  }
0x71: {  	v4 =	vld [tilespmem:s31+$0xFFFFFD80]  }
0x72: {  	v3 =	vadd.f32 v5, v3  }
0x73: {  	v5 =	vld [tilespmem:s31+$0x0]  }
0x74: {  	v3 =	vadd.f32 v6, v3  }
0x75: {  	v6 =	vld [tilespmem:s31+$0x280]  }
0x76: {  	v3 =	vadd.f32 v4, v3  }
0x77: {  	v4 =	vld [tilespmem:s31+$0x500]  }
0x78: {  	v3 =	vadd.f32 v5, v3  }
0x79: {  	v5 =	vld [tilespmem:s31+$0x780]  }
0x7a: {  	v3 =	vadd.f32 v6, v3  }
0x7b: {  	v6 =	vld [tilespmem:s31+$0xA00]  }
0x7c: {  	v3 =	vadd.f32 v4, v3  }
0x7d: {  	v4 =	vld [tilespmem:s31+$0xC80]  }
0x7e: {  	v3 =	vadd.f32 v5, v3  }
0x7f: {  	v5 =	vld [tilespmem:s31+$0xF00]  }
0x80: {  	v3 =	vadd.f32 v6, v3  }
0x81: {  	v6 =	vld [tilespmem:s31+$0x1180]  }
0x82: {  	v3 =	vadd.f32 v4, v3;
	_ =	sdelay $0x1  }
0x83: {  	v3 =	vadd.f32 v5, v3;
	_ =	sdelay $0x1  }
0x84: {  	v3 =	vadd.f32 v6, v3;
	_ =	sdelay $0x1  }
0x85: {  	v3 =	vadd.f32 $1.000000000e+00, v3;
	_ =	sdelay $0x1  }
0x86: {  	v4 =	vshra.s32 v3, $0x1;
	v3 =	vmul.f32 $5.000000000e-01, v3  }
0x87: {  	v4 =	vsub.s32 $0x5F3759DF, v4  }
0x88: {  	v5 =	vmul.f32 v4, v3;
	_ =	sdelay $0x1  }
0x89: {  	v5 =	vmul.f32 v4, v5;
	_ =	sdelay $0x1  }
0x8a: {  	v5 =	vsub.f32 $1.500000000e+00, v5;
	_ =	sdelay $0x1  }
0x8b: {  	v4 =	vmul.f32 v4, v5;
	_ =	sdelay $0x1  }
0x8c: {  	v5 =	vmul.f32 v4, v3;
	_ =	sdelay $0x1  }
0x8d: {  	v5 =	vmul.f32 v5, v4;
	_ =	sdelay $0x1  }
0x8e: {  	v5 =	vsub.f32 $1.500000000e+00, v5;
	_ =	sdelay $0x1  }
0x8f: {  	v4 =	vmul.f32 v5, v4;
	_ =	sdelay $0x1  }
0x90: {  	v3 =	vmul.f32 v4, v3;
	_ =	sdelay $0x1  }
0x91: {  	v3 =	vmul.f32 v3, v4;
	_ =	sdelay $0x1  }
0x92: {  	v3 =	vsub.f32 $1.500000000e+00, v3;
	_ =	sdelay $0x1  }
0x93: {  	v3 =	vmul.f32 v3, v4  }
0x94: {  	s0 =	simm.s32 $0x9E40  }
0x95: {  	[tilespmem:s0+$0xFFFFFFE0] =	vst v3  }
0x96: {  	v3 =	vld [tilespmem:s31+$0xFFFFEC10]  }
0x97: {  	v4 =	vld [tilespmem:s31+$0xFFFFEE90];
	_ =	sdelay $0x1  }
0x98: {  	v5 =	vld [tilespmem:s31+$0xFFFFF110];
	_ =	sdelay $0x1  }
0x99: {  	v6 =	vld [tilespmem:s31+$0xFFFFF390]  }
0x9a: {  	v3 =	vadd.f32 v4, v3  }
0x9b: {  	v4 =	vld [tilespmem:s31+$0xFFFFF610]  }
0x9c: {  	v3 =	vadd.f32 v5, v3  }
0x9d: {  	v5 =	vld [tilespmem:s31+$0xFFFFF890]  }
0x9e: {  	v3 =	vadd.f32 v6, v3  }
0x9f: {  	v6 =	vld [tilespmem:s31+$0xFFFFFB10]  }
0xa0: {  	v3 =	vadd.f32 v4, v3  }
0xa1: {  	v4 =	vld [tilespmem:s31+$0xFFFFFD90]  }
0xa2: {  	v3 =	vadd.f32 v5, v3  }
0xa3: {  	v5 =	vld [tilespmem:s31+$0x10]  }
0xa4: {  	v3 =	vadd.f32 v6, v3  }
0xa5: {  	v6 =	vld [tilespmem:s31+$0x290]  }
0xa6: {  	v3 =	vadd.f32 v4, v3  }
0xa7: {  	v4 =	vld [tilespmem:s31+$0x510]  }
0xa8: {  	v3 =	vadd.f32 v5, v3  }
0xa9: {  	v5 =	vld [tilespmem:s31+$0x790]  }
0xaa: {  	v3 =	vadd.f32 v6, v3  }
0xab: {  	v6 =	vld [tilespmem:s31+$0xA10]  }
0xac: {  	v3 =	vadd.f32 v4, v3  }
0xad: {  	v4 =	vld [tilespmem:s31+$0xC90]  }
0xae: {  	v3 =	vadd.f32 v5, v3  }
0xaf: {  	v5 =	vld [tilespmem:s31+$0xF10]  }
0xb0: {  	v3 =	vadd.f32 v6, v3  }
0xb1: {  	v6 =	vld [tilespmem:s31+$0x1190]  }
0xb2: {  	v3 =	vadd.f32 v4, v3;
	_ =	sdelay $0x1  }
0xb3: {  	v3 =	vadd.f32 v5, v3;
	_ =	sdelay $0x1  }
0xb4: {  	v3 =	vadd.f32 v6, v3;
	_ =	sdelay $0x1  }
0xb5: {  	v3 =	vadd.f32 $1.000000000e+00, v3;
	_ =	sdelay $0x1  }
0xb6: {  	v4 =	vshra.s32 v3, $0x1;
	v3 =	vmul.f32 $5.000000000e-01, v3  }
0xb7: {  	v4 =	vsub.s32 $0x5F3759DF, v4  }
0xb8: {  	v5 =	vmul.f32 v4, v3;
	_ =	sdelay $0x1  }
0xb9: {  	v5 =	vmul.f32 v4, v5;
	_ =	sdelay $0x1  }
0xba: {  	v5 =	vsub.f32 $1.500000000e+00, v5;
	_ =	sdelay $0x1  }
0xbb: {  	v4 =	vmul.f32 v4, v5;
	_ =	sdelay $0x1  }
0xbc: {  	v5 =	vmul.f32 v4, v3;
	_ =	sdelay $0x1  }
0xbd: {  	v5 =	vmul.f32 v5, v4;
	_ =	sdelay $0x1  }
0xbe: {  	v5 =	vsub.f32 $1.500000000e+00, v5;
	_ =	sdelay $0x1  }
0xbf: {  	v4 =	vmul.f32 v5, v4;
	_ =	sdelay $0x1  }
0xc0: {  	v3 =	vmul.f32 v4, v3;
	_ =	sdelay $0x1  }
0xc1: {  	v3 =	vmul.f32 v3, v4;
	_ =	sdelay $0x1  }
0xc2: {  	v3 =	vsub.f32 $1.500000000e+00, v3;
	_ =	sdelay $0x1  }
0xc3: {  	v3 =	vmul.f32 v3, v4;
	_ =	sdelay $0x1  }
0xc4: {  	[tilespmem:s0+$0xFFFFFFF0] =	vst v3  }
0xc5: {  	v3 =	vld [tilespmem:s31+$0xFFFFEC20]  }
0xc6: {  	v4 =	vld [tilespmem:s31+$0xFFFFEEA0];
	_ =	sdelay $0x1  }
0xc7: {  	v5 =	vld [tilespmem:s31+$0xFFFFF120];
	_ =	sdelay $0x1  }
0xc8: {  	v6 =	vld [tilespmem:s31+$0xFFFFF3A0]  }
0xc9: {  	v3 =	vadd.f32 v4, v3  }
0xca: {  	v4 =	vld [tilespmem:s31+$0xFFFFF620]  }
0xcb: {  	v3 =	vadd.f32 v5, v3  }
0xcc: {  	v5 =	vld [tilespmem:s31+$0xFFFFF8A0]  }
0xcd: {  	v3 =	vadd.f32 v6, v3  }
0xce: {  	v6 =	vld [tilespmem:s31+$0xFFFFFB20]  }
0xcf: {  	v3 =	vadd.f32 v4, v3  }
0xd0: {  	v4 =	vld [tilespmem:s31+$0xFFFFFDA0]  }
0xd1: {  	v3 =	vadd.f32 v5, v3  }
0xd2: {  	v5 =	vld [tilespmem:s31+$0x20]  }
0xd3: {  	v3 =	vadd.f32 v6, v3  }
0xd4: {  	v6 =	vld [tilespmem:s31+$0x2A0]  }
0xd5: {  	v3 =	vadd.f32 v4, v3  }
0xd6: {  	v4 =	vld [tilespmem:s31+$0x520]  }
0xd7: {  	v3 =	vadd.f32 v5, v3  }
0xd8: {  	v5 =	vld [tilespmem:s31+$0x7A0]  }
0xd9: {  	v3 =	vadd.f32 v6, v3  }
0xda: {  	v6 =	vld [tilespmem:s31+$0xA20]  }
0xdb: {  	v3 =	vadd.f32 v4, v3  }
0xdc: {  	v4 =	vld [tilespmem:s31+$0xCA0]  }
0xdd: {  	v3 =	vadd.f32 v5, v3  }
0xde: {  	v5 =	vld [tilespmem:s31+$0xF20]  }
0xdf: {  	v3 =	vadd.f32 v6, v3  }
0xe0: {  	v6 =	vld [tilespmem:s31+$0x11A0]  }
0xe1: {  	v3 =	vadd.f32 v4, v3;
	_ =	sdelay $0x1  }
0xe2: {  	v3 =	vadd.f32 v5, v3;
	_ =	sdelay $0x1  }
0xe3: {  	v3 =	vadd.f32 v6, v3;
	_ =	sdelay $0x1  }
0xe4: {  	v3 =	vadd.f32 $1.000000000e+00, v3;
	_ =	sdelay $0x1  }
0xe5: {  	v4 =	vshra.s32 v3, $0x1;
	v3 =	vmul.f32 $5.000000000e-01, v3  }
0xe6: {  	v4 =	vsub.s32 $0x5F3759DF, v4  }
0xe7: {  	v5 =	vmul.f32 v4, v3;
	_ =	sdelay $0x1  }
0xe8: {  	v5 =	vmul.f32 v4, v5;
	_ =	sdelay $0x1  }
0xe9: {  	v5 =	vsub.f32 $1.500000000e+00, v5;
	_ =	sdelay $0x1  }
0xea: {  	v4 =	vmul.f32 v4, v5;
	_ =	sdelay $0x1  }
0xeb: {  	v5 =	vmul.f32 v4, v3;
	_ =	sdelay $0x1  }
0xec: {  	v5 =	vmul.f32 v5, v4;
	_ =	sdelay $0x1  }
0xed: {  	v5 =	vsub.f32 $1.500000000e+00, v5;
	_ =	sdelay $0x1  }
0xee: {  	v4 =	vmul.f32 v5, v4;
	_ =	sdelay $0x1  }
0xef: {  	v3 =	vmul.f32 v4, v3;
	_ =	sdelay $0x1  }
0xf0: {  	v3 =	vmul.f32 v3, v4;
	_ =	sdelay $0x1  }
0xf1: {  	v3 =	vsub.f32 $1.500000000e+00, v3;
	_ =	sdelay $0x1  }
0xf2: {  	v3 =	vmul.f32 v3, v4;
	_ =	sdelay $0x1  }
0xf3: {  	[tilespmem:s0+$0x0] =	vst v3  }
0xf4: {  	v3 =	vld [tilespmem:s31+$0xFFFFEC30]  }
0xf5: {  	v4 =	vld [tilespmem:s31+$0xFFFFEEB0];
	_ =	sdelay $0x1  }
0xf6: {  	v5 =	vld [tilespmem:s31+$0xFFFFF130];
	_ =	sdelay $0x1  }
0xf7: {  	v6 =	vld [tilespmem:s31+$0xFFFFF3B0]  }
0xf8: {  	v3 =	vadd.f32 v4, v3  }
0xf9: {  	v4 =	vld [tilespmem:s31+$0xFFFFF630]  }
0xfa: {  	v3 =	vadd.f32 v5, v3  }
0xfb: {  	v5 =	vld [tilespmem:s31+$0xFFFFF8B0]  }
0xfc: {  	v3 =	vadd.f32 v6, v3  }
0xfd: {  	v6 =	vld [tilespmem:s31+$0xFFFFFB30]  }
0xfe: {  	v3 =	vadd.f32 v4, v3  }
0xff: {  	v4 =	vld [tilespmem:s31+$0xFFFFFDB0]  }
0x100: {  	v3 =	vadd.f32 v5, v3  }
0x101: {  	v5 =	vld [tilespmem:s31+$0x30]  }
0x102: {  	v3 =	vadd.f32 v6, v3  }
0x103: {  	v6 =	vld [tilespmem:s31+$0x2B0]  }
0x104: {  	v3 =	vadd.f32 v4, v3  }
0x105: {  	v4 =	vld [tilespmem:s31+$0x530]  }
0x106: {  	v3 =	vadd.f32 v5, v3  }
0x107: {  	v5 =	vld [tilespmem:s31+$0x7B0]  }
0x108: {  	v3 =	vadd.f32 v6, v3  }
0x109: {  	v6 =	vld [tilespmem:s31+$0xA30]  }
0x10a: {  	v3 =	vadd.f32 v4, v3  }
0x10b: {  	v4 =	vld [tilespmem:s31+$0xCB0]  }
0x10c: {  	v3 =	vadd.f32 v5, v3  }
0x10d: {  	v5 =	vld [tilespmem:s31+$0xF30]  }
0x10e: {  	v3 =	vadd.f32 v6, v3  }
0x10f: {  	v6 =	vld [tilespmem:s31+$0x11B0]  }
0x110: {  	v3 =	vadd.f32 v4, v3;
	_ =	sdelay $0x1  }
0x111: {  	v3 =	vadd.f32 v5, v3;
	_ =	sdelay $0x1  }
0x112: {  	v3 =	vadd.f32 v6, v3;
	_ =	sdelay $0x1  }
0x113: {  	v3 =	vadd.f32 $1.000000000e+00, v3;
	_ =	sdelay $0x1  }
0x114: {  	v4 =	vshra.s32 v3, $0x1;
	v5 =	vmul.f32 $5.000000000e-01, v3  }
0x115: {  	v3 =	vsub.s32 $0x5F3759DF, v4  }
0x116: {  	v4 =	vmul.f32 v3, v5;
	_ =	sdelay $0x1  }
0x117: {  	v4 =	vmul.f32 v3, v4;
	_ =	sdelay $0x1  }
0x118: {  	v4 =	vsub.f32 $1.500000000e+00, v4;
	_ =	sdelay $0x1  }
0x119: {  	v3 =	vmul.f32 v3, v4;
	_ =	sdelay $0x1  }
0x11a: {  	v4 =	vmul.f32 v3, v5;
	_ =	sdelay $0x1  }
0x11b: {  	v4 =	vmul.f32 v4, v3;
	_ =	sdelay $0x1  }
0x11c: {  	v4 =	vsub.f32 $1.500000000e+00, v4;
	_ =	sdelay $0x1  }
0x11d: {  	v3 =	vmul.f32 v4, v3;
	_ =	sdelay $0x1  }
0x11e: {  	v4 =	vmul.f32 v3, v5;
	_ =	sdelay $0x1  }
0x11f: {  	s21 =	simm.s32 $0x0;
	s20 =	simm.s32 $0x9E40;
	v4 =	vmul.f32 v4, v3  }
.LBB2_8:
0x120: {  	_ = 	snop  }
0x121: {  	s21 =	sadd.s32 $0x4, s21;
	s31 =	sadd.s32 $0x40, s31;
	s0 =	sadd.s32 $0x40, s0;
	v4 =	vsub.f32 $1.500000000e+00, v4  }
0x122: {  	p1 =	slt.u32 s21, $0x24  }
0x123: {  	v3 =	vmul.f32 v4, v3;
	_ =	sdelay $0x1  }
0x124: {  	[tilespmem:s20+$0x10] =	vst v3;
	s20 =	smov.u32 s0  }
0x125: {  	v3 =	vld [tilespmem:s31+$0xFFFFEE80]  }
0x126: {  	v4 =	vld [tilespmem:s31+$0xFFFFEC00];
	_ =	sdelay $0x1  }
0x127: {  	v5 =	vld [tilespmem:s31+$0xFFFFF100];
	_ =	sdelay $0x1  }
0x128: {  	v6 =	vld [tilespmem:s31+$0xFFFFF380]  }
0x129: {  	v3 =	vadd.f32 v3, v4  }
0x12a: {  	v4 =	vld [tilespmem:s31+$0xFFFFF600]  }
0x12b: {  	v3 =	vadd.f32 v5, v3  }
0x12c: {  	v5 =	vld [tilespmem:s31+$0xFFFFF880]  }
0x12d: {  	v3 =	vadd.f32 v6, v3  }
0x12e: {  	v6 =	vld [tilespmem:s31+$0xFFFFFB00]  }
0x12f: {  	v3 =	vadd.f32 v4, v3  }
0x130: {  	v4 =	vld [tilespmem:s31+$0xFFFFFD80]  }
0x131: {  	v3 =	vadd.f32 v5, v3  }
0x132: {  	v5 =	vld [tilespmem:s31+$0x0]  }
0x133: {  	v3 =	vadd.f32 v6, v3  }
0x134: {  	v6 =	vld [tilespmem:s31+$0x280]  }
0x135: {  	v3 =	vadd.f32 v4, v3  }
0x136: {  	v4 =	vld [tilespmem:s31+$0x500]  }
0x137: {  	v3 =	vadd.f32 v5, v3  }
0x138: {  	v5 =	vld [tilespmem:s31+$0x780]  }
0x139: {  	v3 =	vadd.f32 v6, v3  }
0x13a: {  	v6 =	vld [tilespmem:s31+$0xA00]  }
0x13b: {  	v3 =	vadd.f32 v4, v3  }
0x13c: {  	v4 =	vld [tilespmem:s31+$0xC80]  }
0x13d: {  	v3 =	vadd.f32 v5, v3  }
0x13e: {  	v5 =	vld [tilespmem:s31+$0xF00]  }
0x13f: {  	v3 =	vadd.f32 v6, v3  }
0x140: {  	v6 =	vld [tilespmem:s31+$0x1180]  }
0x141: {  	v3 =	vadd.f32 v4, v3;
	_ =	sdelay $0x1  }
0x142: {  	v3 =	vadd.f32 v5, v3;
	_ =	sdelay $0x1  }
0x143: {  	v3 =	vadd.f32 v6, v3;
	_ =	sdelay $0x1  }
0x144: {  	v3 =	vadd.f32 $1.000000000e+00, v3;
	_ =	sdelay $0x1  }
0x145: {  	v4 =	vshra.s32 v3, $0x1;
	v3 =	vmul.f32 $5.000000000e-01, v3  }
0x146: {  	v4 =	vsub.s32 $0x5F3759DF, v4  }
0x147: {  	v5 =	vmul.f32 v4, v3;
	_ =	sdelay $0x1  }
0x148: {  	v5 =	vmul.f32 v4, v5;
	_ =	sdelay $0x1  }
0x149: {  	v5 =	vsub.f32 $1.500000000e+00, v5;
	_ =	sdelay $0x1  }
0x14a: {  	v4 =	vmul.f32 v4, v5;
	_ =	sdelay $0x1  }
0x14b: {  	v5 =	vmul.f32 v4, v3;
	_ =	sdelay $0x1  }
0x14c: {  	v5 =	vmul.f32 v5, v4;
	_ =	sdelay $0x1  }
0x14d: {  	v5 =	vsub.f32 $1.500000000e+00, v5;
	_ =	sdelay $0x1  }
0x14e: {  	v4 =	vmul.f32 v5, v4;
	_ =	sdelay $0x1  }
0x14f: {  	v3 =	vmul.f32 v4, v3;
	_ =	sdelay $0x1  }
0x150: {  	v3 =	vmul.f32 v3, v4;
	_ =	sdelay $0x1  }
0x151: {  	v3 =	vsub.f32 $1.500000000e+00, v3;
	_ =	sdelay $0x1  }
0x152: {  	v3 =	vmul.f32 v3, v4;
	_ =	sdelay $0x1  }
0x153: {  	[tilespmem:s0+$0xFFFFFFE0] =	vst v3  }
0x154: {  	v3 =	vld [tilespmem:s31+$0xFFFFEC10]  }
0x155: {  	v4 =	vld [tilespmem:s31+$0xFFFFEE90];
	_ =	sdelay $0x1  }
0x156: {  	v5 =	vld [tilespmem:s31+$0xFFFFF110];
	_ =	sdelay $0x1  }
0x157: {  	v6 =	vld [tilespmem:s31+$0xFFFFF390]  }
0x158: {  	v3 =	vadd.f32 v4, v3  }
0x159: {  	v4 =	vld [tilespmem:s31+$0xFFFFF610]  }
0x15a: {  	v3 =	vadd.f32 v5, v3  }
0x15b: {  	v5 =	vld [tilespmem:s31+$0xFFFFF890]  }
0x15c: {  	v3 =	vadd.f32 v6, v3  }
0x15d: {  	v6 =	vld [tilespmem:s31+$0xFFFFFB10]  }
0x15e: {  	v3 =	vadd.f32 v4, v3  }
0x15f: {  	v4 =	vld [tilespmem:s31+$0xFFFFFD90]  }
0x160: {  	v3 =	vadd.f32 v5, v3  }
0x161: {  	v5 =	vld [tilespmem:s31+$0x10]  }
0x162: {  	v3 =	vadd.f32 v6, v3  }
0x163: {  	v6 =	vld [tilespmem:s31+$0x290]  }
0x164: {  	v3 =	vadd.f32 v4, v3  }
0x165: {  	v4 =	vld [tilespmem:s31+$0x510]  }
0x166: {  	v3 =	vadd.f32 v5, v3  }
0x167: {  	v5 =	vld [tilespmem:s31+$0x790]  }
0x168: {  	v3 =	vadd.f32 v6, v3  }
0x169: {  	v6 =	vld [tilespmem:s31+$0xA10]  }
0x16a: {  	v3 =	vadd.f32 v4, v3  }
0x16b: {  	v4 =	vld [tilespmem:s31+$0xC90]  }
0x16c: {  	v3 =	vadd.f32 v5, v3  }
0x16d: {  	v5 =	vld [tilespmem:s31+$0xF10]  }
0x16e: {  	v3 =	vadd.f32 v6, v3  }
0x16f: {  	v6 =	vld [tilespmem:s31+$0x1190]  }
0x170: {  	v3 =	vadd.f32 v4, v3;
	_ =	sdelay $0x1  }
0x171: {  	v3 =	vadd.f32 v5, v3;
	_ =	sdelay $0x1  }
0x172: {  	v3 =	vadd.f32 v6, v3;
	_ =	sdelay $0x1  }
0x173: {  	v3 =	vadd.f32 $1.000000000e+00, v3;
	_ =	sdelay $0x1  }
0x174: {  	v4 =	vshra.s32 v3, $0x1;
	v3 =	vmul.f32 $5.000000000e-01, v3  }
0x175: {  	v4 =	vsub.s32 $0x5F3759DF, v4  }
0x176: {  	v5 =	vmul.f32 v4, v3;
	_ =	sdelay $0x1  }
0x177: {  	v5 =	vmul.f32 v4, v5;
	_ =	sdelay $0x1  }
0x178: {  	v5 =	vsub.f32 $1.500000000e+00, v5;
	_ =	sdelay $0x1  }
0x179: {  	v4 =	vmul.f32 v4, v5;
	_ =	sdelay $0x1  }
0x17a: {  	v5 =	vmul.f32 v4, v3;
	_ =	sdelay $0x1  }
0x17b: {  	v5 =	vmul.f32 v5, v4;
	_ =	sdelay $0x1  }
0x17c: {  	v5 =	vsub.f32 $1.500000000e+00, v5;
	_ =	sdelay $0x1  }
0x17d: {  	v4 =	vmul.f32 v5, v4;
	_ =	sdelay $0x1  }
0x17e: {  	v3 =	vmul.f32 v4, v3;
	_ =	sdelay $0x1  }
0x17f: {  	v3 =	vmul.f32 v3, v4;
	_ =	sdelay $0x1  }
0x180: {  	v3 =	vsub.f32 $1.500000000e+00, v3;
	_ =	sdelay $0x1  }
0x181: {  	v3 =	vmul.f32 v3, v4;
	_ =	sdelay $0x1  }
0x182: {  	[tilespmem:s0+$0xFFFFFFF0] =	vst v3  }
0x183: {  	v3 =	vld [tilespmem:s31+$0xFFFFEC20]  }
0x184: {  	v4 =	vld [tilespmem:s31+$0xFFFFEEA0];
	_ =	sdelay $0x1  }
0x185: {  	v5 =	vld [tilespmem:s31+$0xFFFFF120];
	_ =	sdelay $0x1  }
0x186: {  	v6 =	vld [tilespmem:s31+$0xFFFFF3A0]  }
0x187: {  	v3 =	vadd.f32 v4, v3  }
0x188: {  	v4 =	vld [tilespmem:s31+$0xFFFFF620]  }
0x189: {  	v3 =	vadd.f32 v5, v3  }
0x18a: {  	v5 =	vld [tilespmem:s31+$0xFFFFF8A0]  }
0x18b: {  	v3 =	vadd.f32 v6, v3  }
0x18c: {  	v6 =	vld [tilespmem:s31+$0xFFFFFB20]  }
0x18d: {  	v3 =	vadd.f32 v4, v3  }
0x18e: {  	v4 =	vld [tilespmem:s31+$0xFFFFFDA0]  }
0x18f: {  	v3 =	vadd.f32 v5, v3  }
0x190: {  	v5 =	vld [tilespmem:s31+$0x20]  }
0x191: {  	v3 =	vadd.f32 v6, v3  }
0x192: {  	v6 =	vld [tilespmem:s31+$0x2A0]  }
0x193: {  	v3 =	vadd.f32 v4, v3  }
0x194: {  	v4 =	vld [tilespmem:s31+$0x520]  }
0x195: {  	v3 =	vadd.f32 v5, v3  }
0x196: {  	v5 =	vld [tilespmem:s31+$0x7A0]  }
0x197: {  	v3 =	vadd.f32 v6, v3  }
0x198: {  	v6 =	vld [tilespmem:s31+$0xA20]  }
0x199: {  	v3 =	vadd.f32 v4, v3  }
0x19a: {  	v4 =	vld [tilespmem:s31+$0xCA0]  }
0x19b: {  	v3 =	vadd.f32 v5, v3  }
0x19c: {  	v5 =	vld [tilespmem:s31+$0xF20]  }
0x19d: {  	v3 =	vadd.f32 v6, v3  }
0x19e: {  	v6 =	vld [tilespmem:s31+$0x11A0]  }
0x19f: {  	v3 =	vadd.f32 v4, v3;
	_ =	sdelay $0x1  }
0x1a0: {  	v3 =	vadd.f32 v5, v3;
	_ =	sdelay $0x1  }
0x1a1: {  	v3 =	vadd.f32 v6, v3;
	_ =	sdelay $0x1  }
0x1a2: {  	v3 =	vadd.f32 $1.000000000e+00, v3;
	_ =	sdelay $0x1  }
0x1a3: {  	v4 =	vshra.s32 v3, $0x1;
	v3 =	vmul.f32 $5.000000000e-01, v3  }
0x1a4: {  	v4 =	vsub.s32 $0x5F3759DF, v4  }
0x1a5: {  	v5 =	vmul.f32 v4, v3;
	_ =	sdelay $0x1  }
0x1a6: {  	v5 =	vmul.f32 v4, v5;
	_ =	sdelay $0x1  }
0x1a7: {  	v5 =	vsub.f32 $1.500000000e+00, v5;
	_ =	sdelay $0x1  }
0x1a8: {  	v4 =	vmul.f32 v4, v5;
	_ =	sdelay $0x1  }
0x1a9: {  	v5 =	vmul.f32 v4, v3;
	_ =	sdelay $0x1  }
0x1aa: {  	v5 =	vmul.f32 v5, v4;
	_ =	sdelay $0x1  }
0x1ab: {  	v5 =	vsub.f32 $1.500000000e+00, v5;
	_ =	sdelay $0x1  }
0x1ac: {  	v4 =	vmul.f32 v5, v4;
	_ =	sdelay $0x1  }
0x1ad: {  	v3 =	vmul.f32 v4, v3;
	_ =	sdelay $0x1  }
0x1ae: {  	v3 =	vmul.f32 v3, v4;
	_ =	sdelay $0x1  }
0x1af: {  	v3 =	vsub.f32 $1.500000000e+00, v3;
	_ =	sdelay $0x1  }
0x1b0: {  	v3 =	vmul.f32 v3, v4;
	_ =	sdelay $0x1  }
0x1b1: {  	[tilespmem:s0+$0x0] =	vst v3  }
0x1b2: {  	v3 =	vld [tilespmem:s31+$0xFFFFEC30]  }
0x1b3: {  	v4 =	vld [tilespmem:s31+$0xFFFFEEB0]  }
0x1b4: {  	v5 =	vld [tilespmem:s31+$0xFFFFF130]  }
0x1b5: {  	v6 =	vld [tilespmem:s31+$0xFFFFF3B0]  }
0x1b6: {  	v7 =	vld [tilespmem:s31+$0xFFFFF630]  }
0x1b7: {  	v8 =	vld [tilespmem:s31+$0xFFFFF8B0]  }
0x1b8: {  	v3 =	vadd.f32 v4, v3;
	v4 =	vld [tilespmem:s31+$0xFFFFFB30]  }
0x1b9: {  	v9 =	vld [tilespmem:s31+$0xFFFFFDB0]  }
0x1ba: {  	v3 =	vadd.f32 v5, v3;
	v5 =	vld [tilespmem:s31+$0x30]  }
0x1bb: {  	v10 =	vld [tilespmem:s31+$0x2B0]  }
0x1bc: {  	v3 =	vadd.f32 v6, v3;
	v6 =	vld [tilespmem:s31+$0x530]  }
0x1bd: {  	v11 =	vld [tilespmem:s31+$0x7B0]  }
0x1be: {  	v3 =	vadd.f32 v7, v3;
	v7 =	vld [tilespmem:s31+$0xA30]  }
0x1bf: {  	v12 =	vld [tilespmem:s31+$0xCB0]  }
0x1c0: {  	v3 =	vadd.f32 v8, v3;
	v8 =	vld [tilespmem:s31+$0xF30]  }
0x1c1: {  	v13 =	vld [tilespmem:s31+$0x11B0]  }
0x1c2: {  	v3 =	vadd.f32 v4, v3;
	_ =	sdelay $0x1  }
0x1c3: {  	v3 =	vadd.f32 v9, v3;
	_ =	sdelay $0x1  }
0x1c4: {  	v3 =	vadd.f32 v5, v3;
	_ =	sdelay $0x1  }
0x1c5: {  	v3 =	vadd.f32 v10, v3;
	_ =	sdelay $0x1  }
0x1c6: {  	v3 =	vadd.f32 v6, v3;
	_ =	sdelay $0x1  }
0x1c7: {  	v3 =	vadd.f32 v11, v3;
	_ =	sdelay $0x1  }
0x1c8: {  	v3 =	vadd.f32 v7, v3;
	_ =	sdelay $0x1  }
0x1c9: {  	v3 =	vadd.f32 v12, v3;
	_ =	sdelay $0x1  }
0x1ca: {  	v3 =	vadd.f32 v8, v3;
	_ =	sdelay $0x1  }
0x1cb: {  	v3 =	vadd.f32 v13, v3;
	_ =	sdelay $0x1  }
0x1cc: {  	v3 =	vadd.f32 $1.000000000e+00, v3;
	_ =	sdelay $0x1  }
0x1cd: {  	v4 =	vshra.s32 v3, $0x1;
	v5 =	vmul.f32 $5.000000000e-01, v3  }
0x1ce: {  	v3 =	vsub.s32 $0x5F3759DF, v4  }
0x1cf: {  	v4 =	vmul.f32 v3, v5;
	_ =	sdelay $0x1  }
0x1d0: {  	v4 =	vmul.f32 v3, v4;
	_ =	sdelay $0x1  }
0x1d1: {  	v4 =	vsub.f32 $1.500000000e+00, v4;
	_ =	sdelay $0x1  }
0x1d2: {  	v3 =	vmul.f32 v3, v4;
	_ =	sdelay $0x1  }
0x1d3: {  	v4 =	vmul.f32 v3, v5;
	_ =	sdelay $0x1  }
0x1d4: {  	v4 =	vmul.f32 v4, v3;
	_ =	sdelay $0x1  }
0x1d5: {  	v4 =	vsub.f32 $1.500000000e+00, v4;
	_ =	sdelay $0x1  }
.Ltmp3:
0x1d6: {  	v3 =	vmul.f32 v4, v3;
	(pc) =	sbr.rel @p1 .LBB2_8-.Ltmp3, $3  }
0x1d7: {  	_ = 	snop  }
0x1d8: {  	v4 =	vmul.f32 v3, v5;
	_ =	sdelay $0x1  }
0x1d9: {  	v4 =	vmul.f32 v4, v3  }
0x1da: {  	s0 =	simm.s32 $0x0  }
0x1db: {  	v4 =	vsub.f32 $1.500000000e+00, v4;
	v5 =	vmov s0  }
0x1dc: {  	v5 =	vshrl.u32 v5, $0x3  }
0x1dd: {  	v3 =	vmul.f32 v4, v3;
	v4 =	vshll.u32 v5, v2  }
0x1de: {  	v4 =	vbroadcast v4, $0x0  }
0x1df: {  	[tilespmem:s20+$0x10] =	vst v3  }
0x1e0: {  	[tilespmem:s19], [sflag:$0x3] =	stream.linear.gather [hbm4b:s11+s0], $0x2800, $0x38;
	[tilespmem:$0x1E3C0] =	vst v63  }
0x1e1: {  	_ =	swait.ge [sflag:s15], $0x2800  }
0x1e2: {  	s20 =	simm.s32 $0x1;
	[sflag:s15] =	ssyncset.done $0x0  }
0x1e3: {  	v3 =	vmov s20;
	[sflag:s15] =	ssyncadd.s32 $0xFFFFD800  }
0x1e4: {  	s0 =	simm.s32 $0xA0E0;
	v3 =	vshrl.u32 v3, $0x3;
	v4 =	vld.idx.msk [tilespmem:v4+s23+$0x0], $0xffff  }
0x1e5: {  	v3 =	vshll.u32 v3, v2;
	v5 =	vld [tilespmem:s0+$0xFFFFFFC0]  }
0x1e6: {  	v3 =	vadd.s32 $0x1, v3  }
0x1e7: {  	v3 =	vbroadcast v3, $0x0;
	_ =	sdelay $0x2  }
0x1e8: {  	v4 =	vmul.f32 v5, v4  }
0x1e9: {  	s21 =	simm.s32 $0x2  }
0x1ea: {  	v5 =	vld [tilespmem:s0+$0xFFFFFFD0];
	[tilespmem:s0+$0xFFFFFFC0] =	vst v4;
	v4 =	vmov s21  }
0x1eb: {  	v3 =	vld.idx.msk [tilespmem:v3+s23+$0x0], $0xffff;
	v4 =	vshrl.u32 v4, $0x3  }
0x1ec: {  	v4 =	vshll.u32 v4, v2  }
0x1ed: {  	v4 =	vadd.s32 $0x2, v4  }
0x1ee: {  	v4 =	vbroadcast v4, $0x0;
	_ =	sdelay $0x1  }
0x1ef: {  	v3 =	vmul.f32 v5, v3  }
0x1f0: {  	s31 =	simm.s32 $0x3  }
0x1f1: {  	[tilespmem:s0+$0xFFFFFFD0] =	vst v3;
	v3 =	vmov s31  }
0x1f2: {  	v5 =	vld [tilespmem:s0+$0xFFFFFFE0];
	v3 =	vshrl.u32 v3, $0x3  }
0x1f3: {  	v4 =	vld.idx.msk [tilespmem:v4+s23+$0x0], $0xffff;
	v3 =	vshll.u32 v3, v2  }
0x1f4: {  	v3 =	vadd.s32 $0x3, v3  }
0x1f5: {  	v3 =	vbroadcast v3, $0x0;
	_ =	sdelay $0x2  }
0x1f6: {  	v4 =	vmul.f32 v5, v4  }
0x1f7: {  	s21 =	simm.s32 $0x4  }
0x1f8: {  	v5 =	vld [tilespmem:s0+$0xFFFFFFF0];
	[tilespmem:s0+$0xFFFFFFE0] =	vst v4;
	v4 =	vmov s21  }
0x1f9: {  	v3 =	vld.idx.msk [tilespmem:v3+s23+$0x0], $0xffff;
	v4 =	vshrl.u32 v4, $0x3  }
0x1fa: {  	v4 =	vshll.u32 v4, v2  }
0x1fb: {  	v4 =	vadd.s32 $0x4, v4  }
0x1fc: {  	v4 =	vbroadcast v4, $0x0;
	_ =	sdelay $0x1  }
0x1fd: {  	v3 =	vmul.f32 v5, v3  }
0x1fe: {  	s31 =	simm.s32 $0x5  }
0x1ff: {  	[tilespmem:s0+$0xFFFFFFF0] =	vst v3;
	v3 =	vmov s31  }
0x200: {  	v5 =	vld [tilespmem:s0+$0x0];
	v3 =	vshrl.u32 v3, $0x3  }
0x201: {  	v4 =	vld.idx.msk [tilespmem:v4+s23+$0x0], $0xffff;
	v3 =	vshll.u32 v3, v2  }
0x202: {  	v3 =	vadd.s32 $0x5, v3  }
0x203: {  	v3 =	vbroadcast v3, $0x0;
	_ =	sdelay $0x2  }
0x204: {  	v4 =	vmul.f32 v5, v4  }
0x205: {  	s21 =	simm.s32 $0x6  }
0x206: {  	v5 =	vld [tilespmem:s0+$0x10];
	[tilespmem:s0+$0x0] =	vst v4;
	v4 =	vmov s21  }
0x207: {  	v3 =	vld.idx.msk [tilespmem:v3+s23+$0x0], $0xffff;
	v4 =	vshrl.u32 v4, $0x3  }
0x208: {  	v4 =	vshll.u32 v4, v2  }
0x209: {  	v4 =	vadd.s32 $0x6, v4  }
0x20a: {  	v4 =	vbroadcast v4, $0x0;
	_ =	sdelay $0x1  }
0x20b: {  	v3 =	vmul.f32 v5, v3  }
0x20c: {  	s31 =	simm.s32 $0x7  }
0x20d: {  	[tilespmem:s0+$0x10] =	vst v3;
	v3 =	vmov s31  }
0x20e: {  	v5 =	vld [tilespmem:s0+$0x20];
	v3 =	vshrl.u32 v3, $0x3  }
0x20f: {  	v4 =	vld.idx.msk [tilespmem:v4+s23+$0x0], $0xffff;
	v3 =	vshll.u32 v3, v2  }
0x210: {  	v3 =	vadd.s32 $0x7, v3  }
0x211: {  	v3 =	vbroadcast v3, $0x0;
	_ =	sdelay $0x2  }
0x212: {  	v4 =	vmul.f32 v5, v4;
	_ =	sdelay $0x1  }
0x213: {  	s20 =	simm.s32 $0x8;
	[tilespmem:s0+$0x20] =	vst v4  }
0x214: {  	s21 =	simm.s32 $0x10;
	v4 =	vmov s20;
	v3 =	vld.idx.msk [tilespmem:v3+s23+$0x0], $0xffff  }
.LBB2_10:
0x215: {  	p1 =	slt.u32 s21, $0x278;
	v4 =	vshrl.u32 v4, $0x3;
	v5 =	vld [tilespmem:s0+$0x30]  }
0x216: {  	v4 =	vshll.u32 v4, v2  }
0x217: {  	v4 =	vbroadcast v4, $0x0;
	_ =	sdelay $0x2  }
0x218: {  	v3 =	vmul.f32 v5, v3  }
0x219: {  	s31 =	sadd.s32 $0x1, s20  }
0x21a: {  	v5 =	vmov s31;
	[tilespmem:s0+$0x30] =	vst v3  }
0x21b: {  	s0 =	sadd.s32 $0x80, s0;
	v3 =	vld.idx.msk [tilespmem:v4+s23+$0x0], $0xffff;
	v4 =	vshrl.u32 v5, $0x3  }
0x21c: {  	v5 =	vld [tilespmem:s0+$0xFFFFFFC0];
	v4 =	vshll.u32 v4, v2  }
0x21d: {  	v4 =	vadd.s32 $0x1, v4  }
0x21e: {  	v4 =	vbroadcast v4, $0x0;
	_ =	sdelay $0x2  }
0x21f: {  	v3 =	vmul.f32 v5, v3  }
0x220: {  	s31 =	sadd.s32 $0x2, s20  }
0x221: {  	[tilespmem:s0+$0xFFFFFFC0] =	vst v3;
	v3 =	vmov s31  }
0x222: {  	v4 =	vld.idx.msk [tilespmem:v4+s23+$0x0], $0xffff;
	v3 =	vshrl.u32 v3, $0x3  }
0x223: {  	v5 =	vld [tilespmem:s0+$0xFFFFFFD0];
	v3 =	vshll.u32 v3, v2  }
0x224: {  	v3 =	vadd.s32 $0x2, v3  }
0x225: {  	v3 =	vbroadcast v3, $0x0;
	_ =	sdelay $0x2  }
0x226: {  	v4 =	vmul.f32 v5, v4  }
0x227: {  	s31 =	sadd.s32 $0x3, s20  }
0x228: {  	[tilespmem:s0+$0xFFFFFFD0] =	vst v4;
	v4 =	vmov s31  }
0x229: {  	v3 =	vld.idx.msk [tilespmem:v3+s23+$0x0], $0xffff;
	v4 =	vshrl.u32 v4, $0x3  }
0x22a: {  	v5 =	vld [tilespmem:s0+$0xFFFFFFE0];
	v4 =	vshll.u32 v4, v2  }
0x22b: {  	v4 =	vadd.s32 $0x3, v4  }
0x22c: {  	v4 =	vbroadcast v4, $0x0;
	_ =	sdelay $0x2  }
0x22d: {  	v3 =	vmul.f32 v5, v3  }
0x22e: {  	s31 =	sadd.s32 $0x4, s20  }
0x22f: {  	[tilespmem:s0+$0xFFFFFFE0] =	vst v3;
	v3 =	vmov s31  }
0x230: {  	v4 =	vld.idx.msk [tilespmem:v4+s23+$0x0], $0xffff;
	v3 =	vshrl.u32 v3, $0x3  }
0x231: {  	v5 =	vld [tilespmem:s0+$0xFFFFFFF0];
	v3 =	vshll.u32 v3, v2  }
0x232: {  	v3 =	vadd.s32 $0x4, v3  }
0x233: {  	v3 =	vbroadcast v3, $0x0;
	_ =	sdelay $0x2  }
0x234: {  	v4 =	vmul.f32 v5, v4  }
0x235: {  	s31 =	sadd.s32 $0x5, s20  }
0x236: {  	[tilespmem:s0+$0xFFFFFFF0] =	vst v4;
	v4 =	vmov s31  }
0x237: {  	v3 =	vld.idx.msk [tilespmem:v3+s23+$0x0], $0xffff;
	v4 =	vshrl.u32 v4, $0x3  }
0x238: {  	v5 =	vld [tilespmem:s0+$0x0];
	v4 =	vshll.u32 v4, v2  }
0x239: {  	v4 =	vadd.s32 $0x5, v4  }
0x23a: {  	v4 =	vbroadcast v4, $0x0;
	_ =	sdelay $0x2  }
0x23b: {  	v3 =	vmul.f32 v5, v3  }
0x23c: {  	s31 =	sadd.s32 $0x6, s20  }
0x23d: {  	[tilespmem:s0+$0x0] =	vst v3;
	v3 =	vmov s31  }
0x23e: {  	v4 =	vld.idx.msk [tilespmem:v4+s23+$0x0], $0xffff;
	v3 =	vshrl.u32 v3, $0x3  }
0x23f: {  	v5 =	vld [tilespmem:s0+$0x10];
	v3 =	vshll.u32 v3, v2  }
0x240: {  	v3 =	vadd.s32 $0x6, v3  }
0x241: {  	v3 =	vbroadcast v3, $0x0;
	_ =	sdelay $0x2  }
0x242: {  	v4 =	vmul.f32 v5, v4  }
0x243: {  	s31 =	sadd.s32 $0x7, s20;
	s20 =	smov.u32 s21  }
0x244: {  	[tilespmem:s0+$0x10] =	vst v4;
	v4 =	vmov s31  }
0x245: {  	v3 =	vld.idx.msk [tilespmem:v3+s23+$0x0], $0xffff;
	v4 =	vshrl.u32 v4, $0x3  }
0x246: {  	v5 =	vld [tilespmem:s0+$0x20];
	v4 =	vshll.u32 v4, v2  }
0x247: {  	v4 =	vadd.s32 $0x7, v4  }
0x248: {  	v6 =	vbroadcast v4, $0x0;
	_ =	sdelay $0x1  }
.Ltmp4:
0x249: {  	(pc) =	sbr.rel @p1 .LBB2_10-.Ltmp4, $3  }
0x24a: {  	v3 =	vmul.f32 v5, v3;
	_ =	sdelay $0x1  }
0x24b: {  	[tilespmem:s0+$0x20] =	vst v3  }
0x24c: {  	s21 =	sadd.s32 $0x8, s21;
	v4 =	vmov s20;
	v3 =	vld.idx.msk [tilespmem:v6+s23+$0x0], $0xffff  }
0x24d: {  	v4 =	vshrl.u32 v4, $0x3;
	v5 =	vld [tilespmem:s0+$0x30]  }
0x24e: {  	v4 =	vshll.u32 v4, v2  }
0x24f: {  	v4 =	vbroadcast v4, $0x0;
	_ =	sdelay $0x2  }
0x250: {  	v3 =	vmul.f32 v5, v3;
	_ =	sdelay $0x1  }
0x251: {  	s21 =	sadd.s32 $0x1, s20;
	[tilespmem:s0+$0x30] =	vst v3  }
0x252: {  	v48 =	vmov s21;
	s0 =	sadd.s32 $0x80, s0;
	v3 =	vld.idx.msk [tilespmem:v4+s23+$0x0], $0xffff  }
0x253: {  	v49 =	vshrl.u32 v48, $0x3;
	v50 =	vld [tilespmem:s0+$0xFFFFFFC0]  }
0x254: {  	v4 =	vshll.u32 v49, v2  }
0x255: {  	v4 =	vadd.s32 $0x1, v4  }
0x256: {  	v4 =	vbroadcast v4, $0x0;
	_ =	sdelay $0x1  }
0x257: {  	v3 =	vmul.f32 v50, v3  }
0x258: {  	s31 =	sadd.s32 $0x2, s20  }
0x259: {  	[tilespmem:s0+$0xFFFFFFC0] =	vst v3;
	v3 =	vmov s31  }
0x25a: {  	v51 =	vld [tilespmem:s0+$0xFFFFFFD0];
	v3 =	vshrl.u32 v3, $0x3  }
0x25b: {  	v4 =	vld.idx.msk [tilespmem:v4+s23+$0x0], $0xffff;
	v3 =	vshll.u32 v3, v2  }
0x25c: {  	v3 =	vadd.s32 $0x2, v3  }
0x25d: {  	v3 =	vbroadcast v3, $0x0;
	_ =	sdelay $0x2  }
0x25e: {  	v4 =	vmul.f32 v51, v4  }
0x25f: {  	s31 =	sadd.s32 $0x3, s20  }
0x260: {  	v53 =	vld [tilespmem:s0+$0xFFFFFFE0];
	v52 =	vmov s31;
	[tilespmem:s0+$0xFFFFFFD0] =	vst v4  }
0x261: {  	v4 =	vshrl.u32 v52, $0x3;
	v3 =	vld.idx.msk [tilespmem:v3+s23+$0x0], $0xffff  }
0x262: {  	v4 =	vshll.u32 v4, v2  }
0x263: {  	v4 =	vadd.s32 $0x3, v4  }
0x264: {  	v4 =	vbroadcast v4, $0x0;
	_ =	sdelay $0x1  }
0x265: {  	v3 =	vmul.f32 v53, v3  }
0x266: {  	s31 =	sadd.s32 $0x4, s20  }
0x267: {  	[tilespmem:s0+$0xFFFFFFE0] =	vst v3;
	v3 =	vmov s31  }
0x268: {  	v54 =	vld [tilespmem:s0+$0xFFFFFFF0];
	v3 =	vshrl.u32 v3, $0x3  }
0x269: {  	v4 =	vld.idx.msk [tilespmem:v4+s23+$0x0], $0xffff;
	v3 =	vshll.u32 v3, v2  }
0x26a: {  	v3 =	vadd.s32 $0x4, v3  }
0x26b: {  	v3 =	vbroadcast v3, $0x0;
	_ =	sdelay $0x2  }
0x26c: {  	s31 =	sadd.s32 $0x5, s20;
	v4 =	vmul.f32 v54, v4  }
0x26d: {  	v55 =	vmov s31  }
0x26e: {  	v56 =	vld [tilespmem:s0+$0x0];
	[tilespmem:s0+$0xFFFFFFF0] =	vst v4;
	v4 =	vshrl.u32 v55, $0x3  }
0x26f: {  	v4 =	vshll.u32 v4, v2;
	v3 =	vld.idx.msk [tilespmem:v3+s23+$0x0], $0xffff  }
0x270: {  	v4 =	vadd.s32 $0x5, v4  }
0x271: {  	v4 =	vbroadcast v4, $0x0;
	_ =	sdelay $0x2  }
0x272: {  	s31 =	sadd.s32 $0x6, s20;
	v3 =	vmul.f32 v56, v3  }
0x273: {  	v57 =	vmov s31  }
0x274: {  	v59 =	vld [tilespmem:s0+$0x10];
	v58 =	vshrl.u32 v57, $0x3;
	[tilespmem:s0+$0x0] =	vst v3  }
0x275: {  	v3 =	vld.idx.msk [tilespmem:v4+s23+$0x0], $0xffff;
	v4 =	vshll.u32 v58, v2  }
0x276: {  	v4 =	vadd.s32 $0x6, v4  }
0x277: {  	v4 =	vbroadcast v4, $0x0;
	_ =	sdelay $0x2  }
0x278: {  	s31 =	sadd.s32 $0x7, s20;
	v3 =	vmul.f32 v59, v3  }
0x279: {  	v60 =	vmov s31  }
0x27a: {  	v62 =	vld [tilespmem:s0+$0x20];
	v61 =	vshrl.u32 v60, $0x3;
	[tilespmem:s0+$0x10] =	vst v3  }
0x27b: {  	v3 =	vld.idx.msk [tilespmem:v4+s23+$0x0], $0xffff;
	v4 =	vshll.u32 v61, v2  }
0x27c: {  	v4 =	vadd.s32 $0x7, v4  }
0x27d: {  	v4 =	vbroadcast v4, $0x0;
	_ =	sdelay $0x2  }
0x27e: {  	v3 =	vmul.f32 v62, v3;
	_ =	sdelay $0x1  }
0x27f: {  	v63 =	vld [tilespmem:s0+$0x30];
	[tilespmem:s0+$0x20] =	vst v3  }
0x280: {  	v3 =	vld.idx.msk [tilespmem:v4+s23+$0x0], $0xffff;
	_ =	sdelay $0x4  }
0x281: {  	v3 =	vmul.f32 v63, v3;
	_ =	sdelay $0x1  }
0x282: {  	[tilespmem:s0+$0x30] =	vst v3  }
0x283: {  	[hbm4b:s12+s3] =	stream.linear.scatter [tilespmem:s19], [sflag:$0x3], $0x2800, $0x38;
	[tilespmem:$0x1E3C0] =	vst v63  }
0x284: {  	_ =	swait.ge [sflag:s15], $0x2800  }
0x285: {  	[sflag:s15] =	ssyncset.done $0x0  }
0x286: {  	[sflag:s15] =	ssyncadd.s32 $0xFFFFD800  }
0x287: {  	[bflag:$0x0] =	sbarrier.arrive $0xFFFF  }
0x288: {  	[tilespmem:s25], [sflag:$0x1] =	stream.indirect.gather [hbm4b:s4+s24], $0x10, s17, s24, $0xb8;
	[tilespmem:$0x1E3C0] =	vst v63  }
0x289: {  	s21 =	simm.s32 $0xCC88  }
0x28a: {  	[tilespmem:s28], [sflag:$0x2] =	stream.indirect.gather [hbm4b:s4+s24], $0x10, s21, s24, $0xb8;
	[tilespmem:$0x1E3C0] =	vst v63  }
0x28b: {  	_ =	swait.ge [sflag:s29], $0x3E80  }
0x28c: {  	[sflag:s29] =	ssyncset.done $0x0  }
0x28d: {  	[sflag:s29] =	ssyncadd.s32 $0xFFFFC180  }
0x28e: {  	[spmem:s2] =	stream.indirect.scatter.add.f32 [tilespmem:s25], [sflag:$0x4], $0x10, s18, s24, $0xb8;
	[tilespmem:$0x1E3C0] =	vst v63  }
0x28f: {  	_ =	swait.ge [sflag:s30], $0x3E80  }
0x290: {  	[sflag:s30] =	ssyncset.done $0x0  }
0x291: {  	s31 =	simm.s32 $0xD070;
	[sflag:s30] =	ssyncadd.s32 $0xFFFFC180  }
0x292: {  	[tilespmem:s25], [sflag:$0x1] =	stream.indirect.gather [hbm4b:s4+s24], $0x10, s31, s24, $0xb8;
	[tilespmem:$0x1E3C0] =	vst v63  }
0x293: {  	_ =	swait.ge [sflag:s1], $0x3E80  }
0x294: {  	[sflag:s1] =	ssyncset.done $0x0  }
0x295: {  	s20 =	simm.s32 $0xF398;
	[sflag:s1] =	ssyncadd.s32 $0xFFFFC180  }
0x296: {  	[spmem:s2] =	stream.indirect.scatter.add.f32 [tilespmem:s28], [sflag:$0x3], $0x10, s20, s24, $0xb8;
	[tilespmem:$0x1E3C0] =	vst v63  }
0x297: {  	_ =	swait.ge [sflag:s15], $0x3E80  }
0x298: {  	[sflag:s15] =	ssyncset.done $0x0  }
0x299: {  	s21 =	simm.s32 $0xD458;
	[sflag:s15] =	ssyncadd.s32 $0xFFFFC180  }
0x29a: {  	[tilespmem:s28], [sflag:$0x2] =	stream.indirect.gather [hbm4b:s4+s24], $0x10, s21, s24, $0xb8;
	[tilespmem:$0x1E3C0] =	vst v63  }
0x29b: {  	_ =	swait.ge [sflag:s29], $0x3E80  }
0x29c: {  	[sflag:s29] =	ssyncset.done $0x0  }
0x29d: {  	s31 =	simm.s32 $0xF780;
	[sflag:s29] =	ssyncadd.s32 $0xFFFFC180  }
0x29e: {  	[spmem:s2] =	stream.indirect.scatter.add.f32 [tilespmem:s25], [sflag:$0x4], $0x10, s31, s24, $0xb8;
	[tilespmem:$0x1E3C0] =	vst v63  }
0x29f: {  	_ =	swait.ge [sflag:s30], $0x3E80  }
0x2a0: {  	[sflag:s30] =	ssyncset.done $0x0  }
0x2a1: {  	s20 =	simm.s32 $0xD840;
	[sflag:s30] =	ssyncadd.s32 $0xFFFFC180  }
0x2a2: {  	[tilespmem:s25], [sflag:$0x1] =	stream.indirect.gather [hbm4b:s4+s24], $0x10, s20, s24, $0xb8;
	[tilespmem:$0x1E3C0] =	vst v63  }
0x2a3: {  	_ =	swait.ge [sflag:s1], $0x3E80  }
0x2a4: {  	[sflag:s1] =	ssyncset.done $0x0  }
0x2a5: {  	s21 =	simm.s32 $0xFB68;
	[sflag:s1] =	ssyncadd.s32 $0xFFFFC180  }
0x2a6: {  	[spmem:s2] =	stream.indirect.scatter.add.f32 [tilespmem:s28], [sflag:$0x3], $0x10, s21, s24, $0xb8;
	[tilespmem:$0x1E3C0] =	vst v63  }
0x2a7: {  	_ =	swait.ge [sflag:s15], $0x3E80  }
0x2a8: {  	[sflag:s15] =	ssyncset.done $0x0  }
0x2a9: {  	s31 =	simm.s32 $0xDC28;
	[sflag:s15] =	ssyncadd.s32 $0xFFFFC180  }
0x2aa: {  	[tilespmem:s28], [sflag:$0x2] =	stream.indirect.gather [hbm4b:s4+s24], $0x10, s31, s24, $0xb8;
	[tilespmem:$0x1E3C0] =	vst v63  }
0x2ab: {  	_ =	swait.ge [sflag:s29], $0x3E80  }
0x2ac: {  	[sflag:s29] =	ssyncset.done $0x0  }
0x2ad: {  	s20 =	simm.s32 $0xFF50;
	[sflag:s29] =	ssyncadd.s32 $0xFFFFC180  }
0x2ae: {  	[spmem:s2] =	stream.indirect.scatter.add.f32 [tilespmem:s25], [sflag:$0x4], $0x10, s20, s24, $0xb8;
	[tilespmem:$0x1E3C0] =	vst v63  }
0x2af: {  	_ =	swait.ge [sflag:s30], $0x3E80  }
0x2b0: {  	[sflag:s30] =	ssyncset.done $0x0  }
0x2b1: {  	s21 =	simm.s32 $0xE010;
	[sflag:s30] =	ssyncadd.s32 $0xFFFFC180  }
0x2b2: {  	[tilespmem:s25], [sflag:$0x1] =	stream.indirect.gather [hbm4b:s4+s24], $0x10, s21, s24, $0xb8;
	[tilespmem:$0x1E3C0] =	vst v63  }
0x2b3: {  	_ =	swait.ge [sflag:s1], $0x3E80  }
0x2b4: {  	[sflag:s1] =	ssyncset.done $0x0  }
0x2b5: {  	s31 =	simm.s32 $0x10338;
	[sflag:s1] =	ssyncadd.s32 $0xFFFFC180  }
0x2b6: {  	[spmem:s2] =	stream.indirect.scatter.add.f32 [tilespmem:s28], [sflag:$0x3], $0x10, s31, s24, $0xb8;
	[tilespmem:$0x1E3C0] =	vst v63  }
0x2b7: {  	_ =	swait.ge [sflag:s15], $0x3E80  }
0x2b8: {  	[sflag:s15] =	ssyncset.done $0x0  }
0x2b9: {  	s20 =	simm.s32 $0xE3F8;
	[sflag:s15] =	ssyncadd.s32 $0xFFFFC180  }
0x2ba: {  	[tilespmem:s28], [sflag:$0x2] =	stream.indirect.gather [hbm4b:s4+s24], $0x10, s20, s24, $0xb8;
	[tilespmem:$0x1E3C0] =	vst v63  }
0x2bb: {  	_ =	swait.ge [sflag:s29], $0x3E80  }
0x2bc: {  	[sflag:s29] =	ssyncset.done $0x0  }
0x2bd: {  	s21 =	simm.s32 $0x10720;
	[sflag:s29] =	ssyncadd.s32 $0xFFFFC180  }
0x2be: {  	[spmem:s2] =	stream.indirect.scatter.add.f32 [tilespmem:s25], [sflag:$0x4], $0x10, s21, s24, $0xb8;
	[tilespmem:$0x1E3C0] =	vst v63  }
0x2bf: {  	_ =	swait.ge [sflag:s30], $0x3E80  }
0x2c0: {  	[sflag:s30] =	ssyncset.done $0x0  }
0x2c1: {  	s31 =	simm.s32 $0xE7E0;
	[sflag:s30] =	ssyncadd.s32 $0xFFFFC180  }
0x2c2: {  	[tilespmem:s25], [sflag:$0x1] =	stream.indirect.gather [hbm4b:s4+s24], $0x10, s31, s24, $0xb8;
	[tilespmem:$0x1E3C0] =	vst v63  }
0x2c3: {  	_ =	swait.ge [sflag:s1], $0x3E80  }
0x2c4: {  	[sflag:s1] =	ssyncset.done $0x0  }
0x2c5: {  	s20 =	simm.s32 $0x10B08;
	[sflag:s1] =	ssyncadd.s32 $0xFFFFC180  }
0x2c6: {  	[spmem:s2] =	stream.indirect.scatter.add.f32 [tilespmem:s28], [sflag:$0x3], $0x10, s20, s24, $0xb8;
	[tilespmem:$0x1E3C0] =	vst v63  }
0x2c7: {  	_ =	swait.ge [sflag:s15], $0x3E80  }
0x2c8: {  	[sflag:s15] =	ssyncset.done $0x0  }
0x2c9: {  	s21 =	simm.s32 $0xEBC8;
	[sflag:s15] =	ssyncadd.s32 $0xFFFFC180  }
0x2ca: {  	[tilespmem:s28], [sflag:$0x2] =	stream.indirect.gather [hbm4b:s4+s24], $0x10, s21, s24, $0xb8;
	[tilespmem:$0x1E3C0] =	vst v63  }
0x2cb: {  	_ =	swait.ge [sflag:s29], $0x3E80  }
0x2cc: {  	[sflag:s29] =	ssyncset.done $0x0  }
0x2cd: {  	s31 =	simm.s32 $0x10EF0;
	[sflag:s29] =	ssyncadd.s32 $0xFFFFC180  }
0x2ce: {  	[spmem:s2] =	stream.indirect.scatter.add.f32 [tilespmem:s25], [sflag:$0x4], $0x10, s31, s24, $0xb8;
	[tilespmem:$0x1E3C0] =	vst v63  }
0x2cf: {  	_ =	swait.ge [sflag:s30], $0x3E80  }
0x2d0: {  	[sflag:s30] =	ssyncset.done $0x0  }
0x2d1: {  	[sflag:s30] =	ssyncadd.s32 $0xFFFFC180  }
0x2d2: {  	_ =	swait.ge [sflag:s1], $0x3E80  }
0x2d3: {  	[sflag:s1] =	ssyncset.done $0x0  }
0x2d4: {  	[sflag:s1] =	ssyncadd.s32 $0xFFFFC180  }
0x2d5: {  	[spmem:s2] =	stream.indirect.scatter.add.f32 [tilespmem:s28], [sflag:$0x3], $0x10, s22, s24, $0xb8;
	[tilespmem:$0x1E3C0] =	vst v63  }
0x2d6: {  	_ =	swait.ge [sflag:s15], $0x3E80  }
0x2d7: {  	[sflag:s15] =	ssyncset.done $0x0  }
0x2d8: {  	[sflag:s15] =	ssyncadd.s32 $0xFFFFC180  }
.Ltmp5:
0x2d9: {  	[bflag:$0x0] =	sbarrier.arrive $0xFFFF;
	(pc) =	sbr.rel @p0 .LBB2_15-.Ltmp5, $4  }
0x2da: {  	[tilespmem:s19], [sflag:$0x3] =	stream.linear.gather [spmem:s9], $0x2800, $0x38;
	[tilespmem:$0x1E3C0] =	vst v63  }
0x2db: {  	_ =	swait.ge [sflag:s15], $0x2800  }
0x2dc: {  	[sflag:s15] =	ssyncset.done $0x0  }
0x2dd: {  	[sflag:s15] =	ssyncadd.s32 $0xFFFFD800  }
0x2de: {  	[tilespmem:s25], [sflag:$0x3] =	stream.linear.gather [hbm4b:s12+s3], $0x2800, $0x38;
	[tilespmem:$0x1E3C0] =	vst v63  }
0x2df: {  	_ =	swait.ge [sflag:s15], $0x2800  }
0x2e0: {  	[sflag:s15] =	ssyncset.done $0x0  }
0x2e1: {  	s0 =	simm.s32 $0xA0E0;
	[sflag:s15] =	ssyncadd.s32 $0xFFFFD800  }
0x2e2: {  	s20 =	simm.s32 $0x11700;
	v3 =	vld [tilespmem:s0+$0xFFFFFFC0]  }
0x2e3: {  	v4 =	vld [tilespmem:s20+$0xFFFFFFC0];
	_ =	sdelay $0x4  }
0x2e4: {  	v3 =	vadd.f32 v4, v3;
	_ =	sdelay $0x1  }
0x2e5: {  	[tilespmem:s0+$0xFFFFFFC0] =	vst v3;
	v3 =	vld [tilespmem:s0+$0xFFFFFFD0]  }
0x2e6: {  	v4 =	vld [tilespmem:s20+$0xFFFFFFD0];
	_ =	sdelay $0x4  }
0x2e7: {  	v3 =	vadd.f32 v4, v3;
	_ =	sdelay $0x1  }
0x2e8: {  	[tilespmem:s0+$0xFFFFFFD0] =	vst v3;
	v3 =	vld [tilespmem:s0+$0xFFFFFFE0]  }
0x2e9: {  	v4 =	vld [tilespmem:s20+$0xFFFFFFE0];
	_ =	sdelay $0x4  }
0x2ea: {  	v3 =	vadd.f32 v4, v3;
	_ =	sdelay $0x1  }
0x2eb: {  	[tilespmem:s0+$0xFFFFFFE0] =	vst v3;
	v3 =	vld [tilespmem:s0+$0xFFFFFFF0]  }
0x2ec: {  	v4 =	vld [tilespmem:s20+$0xFFFFFFF0];
	_ =	sdelay $0x4  }
0x2ed: {  	v3 =	vadd.f32 v4, v3;
	_ =	sdelay $0x1  }
0x2ee: {  	[tilespmem:s0+$0xFFFFFFF0] =	vst v3;
	v3 =	vld [tilespmem:s0+$0x0]  }
0x2ef: {  	v4 =	vld [tilespmem:s20+$0x0];
	_ =	sdelay $0x4  }
0x2f0: {  	v3 =	vadd.f32 v4, v3;
	_ =	sdelay $0x1  }
0x2f1: {  	[tilespmem:s0+$0x0] =	vst v3;
	v3 =	vld [tilespmem:s0+$0x10]  }
0x2f2: {  	v4 =	vld [tilespmem:s20+$0x10];
	_ =	sdelay $0x4  }
0x2f3: {  	v3 =	vadd.f32 v4, v3;
	_ =	sdelay $0x1  }
0x2f4: {  	[tilespmem:s0+$0x10] =	vst v3;
	v3 =	vld [tilespmem:s0+$0x20]  }
0x2f5: {  	v4 =	vld [tilespmem:s20+$0x20];
	_ =	sdelay $0x4  }
0x2f6: {  	v3 =	vadd.f32 v4, v3;
	_ =	sdelay $0x1  }
0x2f7: {  	[tilespmem:s0+$0x20] =	vst v3;
	v3 =	vld [tilespmem:s0+$0x30]  }
0x2f8: {  	v4 =	vld [tilespmem:s20+$0x30];
	_ =	sdelay $0x4  }
0x2f9: {  	v3 =	vadd.f32 v4, v3  }
0x2fa: {  	s21 =	simm.s32 $0x0;
	s31 =	simm.s32 $0xA160  }
.LBB2_13:
0x2fb: {  	v4 =	vld [tilespmem:s31+$0xFFFFFFC0];
	[tilespmem:s0+$0x30] =	vst v3;
	s20 =	sadd.s32 $0x80, s20;
	s0 =	smov.u32 s31  }
0x2fc: {  	s21 =	sadd.s32 $0x8, s21;
	v3 =	vld [tilespmem:s20+$0xFFFFFFC0]  }
0x2fd: {  	p1 =	slt.u32 s21, $0x278;
	_ =	sdelay $0x3  }
0x2fe: {  	v3 =	vadd.f32 v3, v4;
	_ =	sdelay $0x1  }
0x2ff: {  	[tilespmem:s31+$0xFFFFFFC0] =	vst v3;
	v3 =	vld [tilespmem:s31+$0xFFFFFFD0]  }
0x300: {  	v4 =	vld [tilespmem:s20+$0xFFFFFFD0];
	_ =	sdelay $0x4  }
0x301: {  	v3 =	vadd.f32 v4, v3;
	_ =	sdelay $0x1  }
0x302: {  	[tilespmem:s31+$0xFFFFFFD0] =	vst v3;
	v3 =	vld [tilespmem:s31+$0xFFFFFFE0]  }
0x303: {  	v4 =	vld [tilespmem:s20+$0xFFFFFFE0];
	_ =	sdelay $0x4  }
0x304: {  	v3 =	vadd.f32 v4, v3;
	_ =	sdelay $0x1  }
0x305: {  	[tilespmem:s31+$0xFFFFFFE0] =	vst v3;
	v3 =	vld [tilespmem:s31+$0xFFFFFFF0]  }
0x306: {  	v4 =	vld [tilespmem:s20+$0xFFFFFFF0];
	_ =	sdelay $0x4  }
0x307: {  	v3 =	vadd.f32 v4, v3;
	_ =	sdelay $0x1  }
0x308: {  	[tilespmem:s31+$0xFFFFFFF0] =	vst v3;
	v3 =	vld [tilespmem:s31+$0x0]  }
0x309: {  	v4 =	vld [tilespmem:s20+$0x0];
	_ =	sdelay $0x4  }
0x30a: {  	v3 =	vadd.f32 v4, v3;
	_ =	sdelay $0x1  }
0x30b: {  	[tilespmem:s31+$0x0] =	vst v3;
	v3 =	vld [tilespmem:s31+$0x10]  }
0x30c: {  	v4 =	vld [tilespmem:s20+$0x10];
	_ =	sdelay $0x4  }
0x30d: {  	v3 =	vadd.f32 v4, v3;
	_ =	sdelay $0x1  }
0x30e: {  	[tilespmem:s31+$0x10] =	vst v3;
	v3 =	vld [tilespmem:s31+$0x20]  }
0x30f: {  	v4 =	vld [tilespmem:s20+$0x20];
	_ =	sdelay $0x4  }
0x310: {  	v3 =	vadd.f32 v4, v3;
	_ =	sdelay $0x1  }
0x311: {  	[tilespmem:s31+$0x20] =	vst v3;
	v3 =	vld [tilespmem:s31+$0x30]  }
0x312: {  	v4 =	vld [tilespmem:s20+$0x30];
	_ =	sdelay $0x1  }
.Ltmp6:
0x313: {  	(pc) =	sbr.rel @p1 .LBB2_13-.Ltmp6, $3  }
0x314: {  	_ =	sdelay $0x1  }
0x315: {  	v3 =	vadd.f32 v4, v3  }
0x316: {  	s31 =	sadd.s32 $0x80, s31  }
0x317: {  	[tilespmem:s0+$0x30] =	vst v3  }
.LBB2_15:
0x318: {  	s0 =	simm.s32 $0x0  }
0x319: {  	v3 =	vmov s0  }
0x31a: {  	v3 =	vshrl.u32 v3, $0x3  }
0x31b: {  	v3 =	vshll.u32 v3, v2  }
0x31c: {  	v3 =	vbroadcast v3, $0x0;
	_ =	sdelay $0x2  }
0x31d: {  	s21 =	simm.s32 $0x1  }
0x31e: {  	v4 =	vmov s21;
	s0 =	simm.s32 $0xA0E0  }
0x31f: {  	v4 =	vshrl.u32 v4, $0x3;
	v5 =	vld [tilespmem:s0+$0xFFFFFFC0]  }
0x320: {  	v4 =	vshll.u32 v4, v2;
	v3 =	vld.idx.msk [tilespmem:v3+s23+$0x0], $0xffff  }
0x321: {  	v4 =	vadd.s32 $0x1, v4  }
0x322: {  	v4 =	vbroadcast v4, $0x0;
	_ =	sdelay $0x2  }
0x323: {  	v3 =	vmul.f32 v5, v3  }
0x324: {  	s20 =	simm.s32 $0x2  }
0x325: {  	v5 =	vld [tilespmem:s0+$0xFFFFFFD0];
	[tilespmem:s0+$0xFFFFFFC0] =	vst v3;
	v3 =	vmov s20  }
0x326: {  	v4 =	vld.idx.msk [tilespmem:v4+s23+$0x0], $0xffff;
	v3 =	vshrl.u32 v3, $0x3  }
0x327: {  	v3 =	vshll.u32 v3, v2  }
0x328: {  	v3 =	vadd.s32 $0x2, v3  }
0x329: {  	v3 =	vbroadcast v3, $0x0;
	_ =	sdelay $0x1  }
0x32a: {  	v4 =	vmul.f32 v5, v4  }
0x32b: {  	s31 =	simm.s32 $0x3  }
0x32c: {  	[tilespmem:s0+$0xFFFFFFD0] =	vst v4;
	v4 =	vmov s31  }
0x32d: {  	v5 =	vld [tilespmem:s0+$0xFFFFFFE0];
	v4 =	vshrl.u32 v4, $0x3  }
0x32e: {  	v3 =	vld.idx.msk [tilespmem:v3+s23+$0x0], $0xffff;
	v4 =	vshll.u32 v4, v2  }
0x32f: {  	v4 =	vadd.s32 $0x3, v4  }
0x330: {  	v4 =	vbroadcast v4, $0x0;
	_ =	sdelay $0x2  }
0x331: {  	v3 =	vmul.f32 v5, v3  }
0x332: {  	s21 =	simm.s32 $0x4  }
0x333: {  	v5 =	vld [tilespmem:s0+$0xFFFFFFF0];
	[tilespmem:s0+$0xFFFFFFE0] =	vst v3;
	v3 =	vmov s21  }
0x334: {  	v4 =	vld.idx.msk [tilespmem:v4+s23+$0x0], $0xffff;
	v3 =	vshrl.u32 v3, $0x3  }
0x335: {  	v3 =	vshll.u32 v3, v2  }
0x336: {  	v3 =	vadd.s32 $0x4, v3  }
0x337: {  	v3 =	vbroadcast v3, $0x0;
	_ =	sdelay $0x1  }
0x338: {  	v4 =	vmul.f32 v5, v4  }
0x339: {  	s31 =	simm.s32 $0x5  }
0x33a: {  	[tilespmem:s0+$0xFFFFFFF0] =	vst v4;
	v4 =	vmov s31  }
0x33b: {  	v5 =	vld [tilespmem:s0+$0x0];
	v4 =	vshrl.u32 v4, $0x3  }
0x33c: {  	v3 =	vld.idx.msk [tilespmem:v3+s23+$0x0], $0xffff;
	v4 =	vshll.u32 v4, v2  }
0x33d: {  	v4 =	vadd.s32 $0x5, v4  }
0x33e: {  	v4 =	vbroadcast v4, $0x0;
	_ =	sdelay $0x2  }
0x33f: {  	v3 =	vmul.f32 v5, v3  }
0x340: {  	s21 =	simm.s32 $0x6  }
0x341: {  	v5 =	vld [tilespmem:s0+$0x10];
	[tilespmem:s0+$0x0] =	vst v3;
	v3 =	vmov s21  }
0x342: {  	v4 =	vld.idx.msk [tilespmem:v4+s23+$0x0], $0xffff;
	v3 =	vshrl.u32 v3, $0x3  }
0x343: {  	v3 =	vshll.u32 v3, v2  }
0x344: {  	v3 =	vadd.s32 $0x6, v3  }
0x345: {  	v3 =	vbroadcast v3, $0x0;
	_ =	sdelay $0x1  }
0x346: {  	v4 =	vmul.f32 v5, v4  }
0x347: {  	s31 =	simm.s32 $0x7  }
0x348: {  	[tilespmem:s0+$0x10] =	vst v4;
	v4 =	vmov s31  }
0x349: {  	v5 =	vld [tilespmem:s0+$0x20];
	v4 =	vshrl.u32 v4, $0x3  }
0x34a: {  	v3 =	vld.idx.msk [tilespmem:v3+s23+$0x0], $0xffff;
	v4 =	vshll.u32 v4, v2  }
0x34b: {  	v4 =	vadd.s32 $0x7, v4  }
0x34c: {  	v6 =	vbroadcast v4, $0x0;
	_ =	sdelay $0x2  }
0x34d: {  	v3 =	vmul.f32 v5, v3;
	_ =	sdelay $0x1  }
0x34e: {  	s20 =	simm.s32 $0x8;
	[tilespmem:s0+$0x20] =	vst v3  }
0x34f: {  	s21 =	simm.s32 $0x10;
	v4 =	vmov s20;
	v3 =	vld.idx.msk [tilespmem:v6+s23+$0x0], $0xffff  }
.LBB2_16:
0x350: {  	p1 =	slt.u32 s21, $0x278;
	v4 =	vshrl.u32 v4, $0x3;
	v5 =	vld [tilespmem:s0+$0x30]  }
0x351: {  	v4 =	vshll.u32 v4, v2  }
0x352: {  	v4 =	vbroadcast v4, $0x0;
	_ =	sdelay $0x2  }
0x353: {  	v3 =	vmul.f32 v5, v3  }
0x354: {  	s31 =	sadd.s32 $0x1, s20  }
0x355: {  	v5 =	vmov s31;
	[tilespmem:s0+$0x30] =	vst v3  }
0x356: {  	s0 =	sadd.s32 $0x80, s0;
	v3 =	vld.idx.msk [tilespmem:v4+s23+$0x0], $0xffff;
	v4 =	vshrl.u32 v5, $0x3  }
0x357: {  	v5 =	vld [tilespmem:s0+$0xFFFFFFC0];
	v4 =	vshll.u32 v4, v2  }
0x358: {  	v4 =	vadd.s32 $0x1, v4  }
0x359: {  	v4 =	vbroadcast v4, $0x0;
	_ =	sdelay $0x2  }
0x35a: {  	v3 =	vmul.f32 v5, v3  }
0x35b: {  	s31 =	sadd.s32 $0x2, s20  }
0x35c: {  	[tilespmem:s0+$0xFFFFFFC0] =	vst v3;
	v3 =	vmov s31  }
0x35d: {  	v4 =	vld.idx.msk [tilespmem:v4+s23+$0x0], $0xffff;
	v3 =	vshrl.u32 v3, $0x3  }
0x35e: {  	v5 =	vld [tilespmem:s0+$0xFFFFFFD0];
	v3 =	vshll.u32 v3, v2  }
0x35f: {  	v3 =	vadd.s32 $0x2, v3  }
0x360: {  	v3 =	vbroadcast v3, $0x0;
	_ =	sdelay $0x2  }
0x361: {  	v4 =	vmul.f32 v5, v4  }
0x362: {  	s31 =	sadd.s32 $0x3, s20  }
0x363: {  	[tilespmem:s0+$0xFFFFFFD0] =	vst v4;
	v4 =	vmov s31  }
0x364: {  	v3 =	vld.idx.msk [tilespmem:v3+s23+$0x0], $0xffff;
	v4 =	vshrl.u32 v4, $0x3  }
0x365: {  	v5 =	vld [tilespmem:s0+$0xFFFFFFE0];
	v4 =	vshll.u32 v4, v2  }
0x366: {  	v4 =	vadd.s32 $0x3, v4  }
0x367: {  	v4 =	vbroadcast v4, $0x0;
	_ =	sdelay $0x2  }
0x368: {  	v3 =	vmul.f32 v5, v3  }
0x369: {  	s31 =	sadd.s32 $0x4, s20  }
0x36a: {  	[tilespmem:s0+$0xFFFFFFE0] =	vst v3;
	v3 =	vmov s31  }
0x36b: {  	v4 =	vld.idx.msk [tilespmem:v4+s23+$0x0], $0xffff;
	v3 =	vshrl.u32 v3, $0x3  }
0x36c: {  	v5 =	vld [tilespmem:s0+$0xFFFFFFF0];
	v3 =	vshll.u32 v3, v2  }
0x36d: {  	v3 =	vadd.s32 $0x4, v3  }
0x36e: {  	v3 =	vbroadcast v3, $0x0;
	_ =	sdelay $0x2  }
0x36f: {  	v4 =	vmul.f32 v5, v4  }
0x370: {  	s31 =	sadd.s32 $0x5, s20  }
0x371: {  	[tilespmem:s0+$0xFFFFFFF0] =	vst v4;
	v4 =	vmov s31  }
0x372: {  	v3 =	vld.idx.msk [tilespmem:v3+s23+$0x0], $0xffff;
	v4 =	vshrl.u32 v4, $0x3  }
0x373: {  	v5 =	vld [tilespmem:s0+$0x0];
	v4 =	vshll.u32 v4, v2  }
0x374: {  	v4 =	vadd.s32 $0x5, v4  }
0x375: {  	v4 =	vbroadcast v4, $0x0;
	_ =	sdelay $0x2  }
0x376: {  	v3 =	vmul.f32 v5, v3  }
0x377: {  	s31 =	sadd.s32 $0x6, s20  }
0x378: {  	[tilespmem:s0+$0x0] =	vst v3;
	v3 =	vmov s31  }
0x379: {  	v4 =	vld.idx.msk [tilespmem:v4+s23+$0x0], $0xffff;
	v3 =	vshrl.u32 v3, $0x3  }
0x37a: {  	v5 =	vld [tilespmem:s0+$0x10];
	v3 =	vshll.u32 v3, v2  }
0x37b: {  	v3 =	vadd.s32 $0x6, v3  }
0x37c: {  	v3 =	vbroadcast v3, $0x0;
	_ =	sdelay $0x2  }
0x37d: {  	v4 =	vmul.f32 v5, v4  }
0x37e: {  	s31 =	sadd.s32 $0x7, s20;
	s20 =	smov.u32 s21  }
0x37f: {  	[tilespmem:s0+$0x10] =	vst v4;
	v4 =	vmov s31  }
0x380: {  	v3 =	vld.idx.msk [tilespmem:v3+s23+$0x0], $0xffff;
	v4 =	vshrl.u32 v4, $0x3  }
0x381: {  	v5 =	vld [tilespmem:s0+$0x20];
	v4 =	vshll.u32 v4, v2  }
0x382: {  	v4 =	vadd.s32 $0x7, v4  }
0x383: {  	v6 =	vbroadcast v4, $0x0;
	_ =	sdelay $0x1  }
.Ltmp7:
0x384: {  	(pc) =	sbr.rel @p1 .LBB2_16-.Ltmp7, $3  }
0x385: {  	v3 =	vmul.f32 v5, v3;
	_ =	sdelay $0x1  }
0x386: {  	[tilespmem:s0+$0x20] =	vst v3  }
0x387: {  	s21 =	sadd.s32 $0x8, s21;
	v4 =	vmov s20;
	v3 =	vld.idx.msk [tilespmem:v6+s23+$0x0], $0xffff  }
0x388: {  	v4 =	vshrl.u32 v4, $0x3;
	v5 =	vld [tilespmem:s0+$0x30]  }
0x389: {  	v4 =	vshll.u32 v4, v2  }
0x38a: {  	v4 =	vbroadcast v4, $0x0;
	_ =	sdelay $0x2  }
0x38b: {  	v3 =	vmul.f32 v5, v3;
	_ =	sdelay $0x1  }
0x38c: {  	s21 =	sadd.s32 $0x1, s20;
	[tilespmem:s0+$0x30] =	vst v3  }
0x38d: {  	v51 =	vmov s21;
	s0 =	sadd.s32 $0x80, s0;
	v3 =	vld.idx.msk [tilespmem:v4+s23+$0x0], $0xffff  }
0x38e: {  	v52 =	vshrl.u32 v51, $0x3;
	v53 =	vld [tilespmem:s0+$0xFFFFFFC0]  }
0x38f: {  	v4 =	vshll.u32 v52, v2  }
0x390: {  	v4 =	vadd.s32 $0x1, v4  }
0x391: {  	v4 =	vbroadcast v4, $0x0;
	_ =	sdelay $0x1  }
0x392: {  	v3 =	vmul.f32 v53, v3  }
0x393: {  	s31 =	sadd.s32 $0x2, s20  }
0x394: {  	[tilespmem:s0+$0xFFFFFFC0] =	vst v3;
	v3 =	vmov s31  }
0x395: {  	v54 =	vld [tilespmem:s0+$0xFFFFFFD0];
	v3 =	vshrl.u32 v3, $0x3  }
0x396: {  	v4 =	vld.idx.msk [tilespmem:v4+s23+$0x0], $0xffff;
	v3 =	vshll.u32 v3, v2  }
0x397: {  	v3 =	vadd.s32 $0x2, v3  }
0x398: {  	v3 =	vbroadcast v3, $0x0;
	_ =	sdelay $0x2  }
0x399: {  	v4 =	vmul.f32 v54, v4  }
0x39a: {  	s31 =	sadd.s32 $0x3, s20  }
0x39b: {  	v56 =	vld [tilespmem:s0+$0xFFFFFFE0];
	v55 =	vmov s31;
	[tilespmem:s0+$0xFFFFFFD0] =	vst v4  }
0x39c: {  	v4 =	vshrl.u32 v55, $0x3;
	v3 =	vld.idx.msk [tilespmem:v3+s23+$0x0], $0xffff  }
0x39d: {  	v4 =	vshll.u32 v4, v2  }
0x39e: {  	v4 =	vadd.s32 $0x3, v4  }
0x39f: {  	v4 =	vbroadcast v4, $0x0;
	_ =	sdelay $0x1  }
0x3a0: {  	v3 =	vmul.f32 v56, v3  }
0x3a1: {  	s31 =	sadd.s32 $0x4, s20  }
0x3a2: {  	[tilespmem:s0+$0xFFFFFFE0] =	vst v3;
	v3 =	vmov s31  }
0x3a3: {  	v57 =	vld [tilespmem:s0+$0xFFFFFFF0];
	v3 =	vshrl.u32 v3, $0x3  }
0x3a4: {  	v4 =	vld.idx.msk [tilespmem:v4+s23+$0x0], $0xffff;
	v3 =	vshll.u32 v3, v2  }
0x3a5: {  	v3 =	vadd.s32 $0x4, v3  }
0x3a6: {  	v3 =	vbroadcast v3, $0x0;
	_ =	sdelay $0x2  }
0x3a7: {  	v4 =	vmul.f32 v57, v4  }
0x3a8: {  	s31 =	sadd.s32 $0x5, s20  }
0x3a9: {  	v59 =	vld [tilespmem:s0+$0x0];
	v58 =	vmov s31;
	[tilespmem:s0+$0xFFFFFFF0] =	vst v4  }
0x3aa: {  	v4 =	vshrl.u32 v58, $0x3;
	v3 =	vld.idx.msk [tilespmem:v3+s23+$0x0], $0xffff  }
0x3ab: {  	v4 =	vshll.u32 v4, v2  }
0x3ac: {  	v4 =	vadd.s32 $0x5, v4  }
0x3ad: {  	v4 =	vbroadcast v4, $0x0;
	_ =	sdelay $0x1  }
0x3ae: {  	v3 =	vmul.f32 v59, v3  }
0x3af: {  	s31 =	sadd.s32 $0x6, s20  }
0x3b0: {  	[tilespmem:s0+$0x0] =	vst v3;
	v3 =	vmov s31  }
0x3b1: {  	v60 =	vld [tilespmem:s0+$0x10];
	v3 =	vshrl.u32 v3, $0x3  }
0x3b2: {  	v4 =	vld.idx.msk [tilespmem:v4+s23+$0x0], $0xffff;
	v3 =	vshll.u32 v3, v2  }
0x3b3: {  	v3 =	vadd.s32 $0x6, v3  }
0x3b4: {  	v3 =	vbroadcast v3, $0x0;
	_ =	sdelay $0x2  }
0x3b5: {  	s31 =	sadd.s32 $0x7, s20;
	v4 =	vmul.f32 v60, v4  }
0x3b6: {  	v61 =	vmov s31  }
0x3b7: {  	v62 =	vld [tilespmem:s0+$0x20];
	[tilespmem:s0+$0x10] =	vst v4;
	v4 =	vshrl.u32 v61, $0x3  }
0x3b8: {  	v4 =	vshll.u32 v4, v2;
	v3 =	vld.idx.msk [tilespmem:v3+s23+$0x0], $0xffff  }
0x3b9: {  	v4 =	vadd.s32 $0x7, v4  }
0x3ba: {  	v4 =	vbroadcast v4, $0x0;
	_ =	sdelay $0x2  }
0x3bb: {  	v3 =	vmul.f32 v62, v3;
	_ =	sdelay $0x1  }
0x3bc: {  	v63 =	vld [tilespmem:s0+$0x30];
	[tilespmem:s0+$0x20] =	vst v3  }
0x3bd: {  	v3 =	vld.idx.msk [tilespmem:v4+s23+$0x0], $0xffff;
	_ =	sdelay $0x4  }
0x3be: {  	s26 =	sadd.s32 $0x1, s26;
	v3 =	vmul.f32 v63, v3  }
0x3bf: {  	p1 =	sne.s32 s26, s14  }
.Ltmp8:
0x3c0: {  	[tilespmem:s0+$0x30] =	vst v3;
	(pc) =	sbr.rel @p1 .LBB2_1-.Ltmp8, $4  }
0x3c1: {  	[hbm4b:s13+s3] =	stream.linear.scatter [tilespmem:s19], [sflag:$0x3], $0x2800, $0x38;
	[tilespmem:$0x1E3C0] =	vst v63  }
0x3c2: {  	_ =	swait.ge [sflag:s15], $0x2800  }
0x3c3: {  	[sflag:s15] =	ssyncset.done $0x0  }
0x3c4: {  	[sflag:s15] =	ssyncadd.s32 $0xFFFFD800  }
0x3c5: {  	_ =	sfence.sel $0x180000  }
0x3c6: {  	[bflag:$0x0] =	sbarrier.arrive $0xFFFF  }
0x3c7: {  	_ =	strace $0x90000047  }
0x3c8: {  	s0 =	stileid.u32;
	[bflag:$0x2] =	sbarrier.arrive $0xFFFF  }
0x3c9: {  	p0 =	sne.s32 s0, $0x0;
	s0 =	rddreg [dreg:$0x3]  }
0x3ca: {  	s0 =	sadd.s32 @!p0 $0x100000, s0  }
0x3cb: {  	[sflag:s0] =	ssyncadd.tile.s32 @!p0 $0x1;
	_ =	shalt  }
.Lfunc_end2:
_tile_overlayer_lowered:
.L_overlay_start_2:
0x3cc: {  	(tag) =	ssettag $0x2  }
0x3cd: {  	s0 =	rddreg [dreg:$0x0];
	s2 =	stileid.u32  }
0x3ce: {  	s1 =	rddreg [dreg:$0x1];
	p0 =	sne.s32 s2, $0x0  }
0x3cf: {  	s3 =	rddreg [dreg:$0x2];
	[bflag:$0x3] =	sbarrier.arrive $0xFFFF;
	s2 =	simm.s32 @!p0 $0x1C03  }
0x3d0: {  	[timem:s3], [sflag:s2] =	dma.local @!p0 [hbm:s0], s1  }
0x3d1: {  	s0 =	simm.s32 @!p0 $0x3  }
0x3d2: {  	_ =	swait.ge @!p0 [sflag:s0], s1  }
0x3d3: {  	s1 =	ssub.s32 @!p0 $0x0, s1;
	[sflag:s0] =	ssyncset.done @!p0 $0x0  }
0x3d4: {  	[sflag:s0] =	ssyncadd.s32 @!p0 s1  }
0x3d5: {  	[bflag:$0x3] =	sbarrier.arrive $0xFFFF  }
0x3d6: {  	_ =	shalt  }

</sc_bundles>
